<compile_context>
chip_gen: v7x
topology: tpu7x:2x2x1
jax: 0.10.2.dev20260603
libtpu: 0.0.44.dev20260713+nightly
codegen_flags: <defaults>
</compile_context>

<pallas_src>
import functools

import jax
import jax.numpy as jnp
from jax import lax
from jax.experimental import pallas as pl
from jax.experimental.pallas import tpu as pltpu
from jax.experimental.pallas import tpu_sc as plsc

_CH = 128


def _sc_info():
    info = plsc.get_sparse_core_info()
    return info.num_cores, info.num_subcores


def _row_split(n, ns):
    per_tile = ((n + ns - 1) // ns + 7) // 8 * 8
    if per_tile * ns <= n:
        per_tile += 8
    return per_tile, per_tile * ns


def _zero_fill(ref, nrows, ncols):
    per_row = ncols // 16

    def body(i, _):
        r = i // per_row
        cpos = i % per_row
        ref[r, pl.ds(cpos * 16, 16)] = jnp.zeros((16,), jnp.float32)
        return 0

    lax.fori_loop(0, nrows * per_row, body, 0)


def _fill_flat(ref, nelems, value):

    def body(i, _):
        ref[pl.ds(i * 16, 16)] = jnp.full((16,), value, jnp.float32)
        return 0

    lax.fori_loop(0, nelems // 16, body, 0)


def _sc_degrees(src2d, dst2d, n):
    nck = src2d.shape[0]
    nc, ns = _sc_info()
    nw = nc * ns
    cpt = nck // nw
    grp = 4
    per_tile, npad = _row_split(n, ns)
    mesh = plsc.VectorSubcoreMesh(core_axis_name="c", subcore_axis_name="s")

    @functools.partial(
        pl.kernel,
        out_type=(
            jax.ShapeDtypeStruct((nc * npad,), jnp.float32),
            jax.ShapeDtypeStruct((nc * npad,), jnp.float32),
        ),
        mesh=mesh,
        scratch_types=[
            pltpu.VMEM((cpt, _CH), jnp.int32),
            pltpu.VMEM((cpt, _CH), jnp.int32),
            pltpu.VMEM((_CH,), jnp.float32),
            pltpu.VMEM((per_tile,), jnp.float32),
            pltpu.VMEM_SHARED((npad,), jnp.float32),
            pltpu.VMEM_SHARED((npad,), jnp.float32),
            pltpu.SemaphoreType.DMA,
        ],
        compiler_params=pltpu.CompilerParams(use_tc_tiling_on_sc=False),
    )
    def deg_kernel(src_hbm, dst_hbm, out_s, out_d, sidx, didx, ones, buf,
                   deg_s, deg_d, sem):
        c = lax.axis_index("c")
        s = lax.axis_index("s")
        wid = s * nc + c
        base = s * per_tile

        pltpu.sync_copy(src_hbm.at[pl.ds(wid * cpt, cpt)], sidx)
        pltpu.sync_copy(dst_hbm.at[pl.ds(wid * cpt, cpt)], didx)
        _fill_flat(ones, _CH, 1.0)
        _fill_flat(buf, per_tile, 0.0)
        pltpu.sync_copy(buf, deg_s.at[pl.ds(base, per_tile)])
        pltpu.sync_copy(buf, deg_d.at[pl.ds(base, per_tile)])
        plsc.subcore_barrier()

        def body(i, _):
            for j in range(grp):
                t = i * grp + j
                pltpu.async_copy(ones, deg_s.at[sidx.at[t]], sem, add=True)
                pltpu.async_copy(ones, deg_d.at[didx.at[t]], sem, add=True)
            for j in range(2 * grp):
                pltpu.make_async_copy(ones, deg_s.at[sidx.at[i * grp]],
                                      sem).wait()
            return 0

        lax.fori_loop(0, cpt // grp, body, 0)
        plsc.subcore_barrier()

        obase = c * npad + base
        pltpu.sync_copy(deg_s.at[pl.ds(base, per_tile)], buf)
        pltpu.sync_copy(buf, out_s.at[pl.ds(obase, per_tile)])
        pltpu.sync_copy(deg_d.at[pl.ds(base, per_tile)], buf)
        pltpu.sync_copy(buf, out_d.at[pl.ds(obase, per_tile)])

    out_s, out_d = deg_kernel(src2d, dst2d)
    return out_s.reshape(nc, npad), out_d.reshape(nc, npad)


def _sc_scatter(src2d, dst2d, table, n, cpt0, cpt1):
    h = table.shape[1]
    nc, ns = _sc_info()
    nbuf = 4
    per_tile, npad = _row_split(n, ns)
    full = per_tile // _CH
    tail = per_tile - full * _CH
    mesh = plsc.VectorSubcoreMesh(core_axis_name="c", subcore_axis_name="s")

    @functools.partial(
        pl.kernel,
        out_type=jax.ShapeDtypeStruct((nc, npad, h), jnp.float32),
        mesh=mesh,
        scratch_types=[
            pltpu.VMEM((cpt0, _CH), jnp.int32),
            pltpu.VMEM((cpt0, _CH), jnp.int32),
        ] + [pltpu.VMEM((_CH, h), jnp.float32) for _ in range(nbuf)] + [
            pltpu.VMEM_SHARED((npad, h), jnp.float32),
        ] + [pltpu.SemaphoreType.DMA for _ in range(nbuf)],
        compiler_params=pltpu.CompilerParams(use_tc_tiling_on_sc=False),
    )
    def scatter_kernel(src_hbm, dst_hbm, table_hbm, out_hbm, sidx, didx,
                       *bufs_agg_sems):
        rows = bufs_agg_sems[:nbuf]
        agg = bufs_agg_sems[nbuf]
        sems = bufs_agg_sems[nbuf + 1:]
        c = lax.axis_index("c")
        s = lax.axis_index("s")
        base = s * per_tile
        my_cpt = cpt0 + (cpt1 - cpt0) * c
        start = c * ns * cpt0 + s * my_cpt

        pltpu.sync_copy(src_hbm.at[pl.ds(start, cpt0)], sidx)
        pltpu.sync_copy(dst_hbm.at[pl.ds(start, cpt0)], didx)

        _zero_fill(rows[0], _CH, h)
        for k in range(full):
            pltpu.sync_copy(rows[0], agg.at[pl.ds(base + k * _CH, _CH)])
        if tail:
            pltpu.sync_copy(rows[0].at[pl.ds(0, tail)],
                            agg.at[pl.ds(base + full * _CH, tail)])
        plsc.subcore_barrier()

        for j in range(nbuf - 1):
            pltpu.async_copy(table_hbm.at[sidx.at[j]], rows[j], sems[j])

        def body(i, _):
            for j in range(nbuf):
                t = i * nbuf + j

                @pl.when(t < my_cpt)
                def _():
                    pltpu.make_async_copy(table_hbm.at[sidx.at[t]], rows[j],
                                          sems[j]).wait()
                    pltpu.sync_copy(rows[j], agg.at[didx.at[t]], add=True)

                ta = t + nbuf - 1
                ja = (j + nbuf - 1) % nbuf

                @pl.when(ta < my_cpt)
                def _():
                    pltpu.async_copy(table_hbm.at[sidx.at[ta]], rows[ja],
                                     sems[ja])

            return 0

        lax.fori_loop(0, cpt0 // nbuf, body, 0)
        plsc.subcore_barrier()

        for k in range(full + 1):
            sz = _CH if k < full else tail
            if sz:
                ro = base + k * _CH
                pltpu.sync_copy(agg.at[pl.ds(ro, sz)],
                                rows[0].at[pl.ds(0, sz)])
                pltpu.sync_copy(rows[0].at[pl.ds(0, sz)],
                                out_hbm.at[c, pl.ds(ro, sz)])

    return scatter_kernel(src2d, dst2d, table)


def _norm_from(deg_ref):
    d = jnp.sum(deg_ref[...], axis=1, keepdims=True)
    return lax.rsqrt(jnp.maximum(d, 1.0))


def _tc_table0(x, w0, deg_s, n, blk):
    d_in = x.shape[1]
    h = w0.shape[1]

    def body(x_ref, w_ref, ds_ref, o_ref):
        sn = _norm_from(ds_ref)
        o_ref[...] = (
            jnp.dot(x_ref[...], w_ref[...], preferred_element_type=jnp.float32)
            * sn)

    return pl.pallas_call(
        body,
        grid=(n // blk,),
        in_specs=[
            pl.BlockSpec((blk, d_in), lambda i: (i, 0)),
            pl.BlockSpec((d_in, h), lambda i: (0, 0)),
            pl.BlockSpec((blk, deg_s.shape[1]), lambda i: (i, 0)),
        ],
        out_specs=pl.BlockSpec((blk, h), lambda i: (i, 0)),
        out_shape=jax.ShapeDtypeStruct((n, h), jnp.float32),
    )(x, w0, deg_s)


def _tc_table1(agg_p, deg_s, deg_d, b0, n, blk):
    h = agg_p.shape[2]

    def body(p_ref, ds_ref, dd_ref, b_ref, o_ref):
        a = jnp.sum(p_ref[...], axis=0)
        hid = jnp.maximum(a * _norm_from(dd_ref) + b_ref[...], 0.0)
        o_ref[...] = hid * _norm_from(ds_ref)

    return pl.pallas_call(
        body,
        grid=(n // blk,),
        in_specs=[
            pl.BlockSpec((agg_p.shape[0], blk, h), lambda i: (0, i, 0)),
            pl.BlockSpec((blk, deg_s.shape[1]), lambda i: (i, 0)),
            pl.BlockSpec((blk, deg_d.shape[1]), lambda i: (i, 0)),
            pl.BlockSpec((1, h), lambda i: (0, 0)),
        ],
        out_specs=pl.BlockSpec((blk, h), lambda i: (i, 0)),
        out_shape=jax.ShapeDtypeStruct((n, h), jnp.float32),
    )(agg_p, deg_s, deg_d, b0)


def _tc_final(agg_p, deg_d, w1, b1, w2, b2, noise, n, blk):
    h = agg_p.shape[2]
    ho = w1.shape[1]

    def body(p_ref, dd_ref, w1_ref, b1_ref, w2_ref, b2_ref, nz_ref, o_ref):
        m = jnp.sum(p_ref[...], axis=0) * _norm_from(dd_ref)
        mean = jnp.dot(m, w1_ref[...],
                       preferred_element_type=jnp.float32) + b1_ref[...]
        log_std = jnp.dot(m, w2_ref[...],
                          preferred_element_type=jnp.float32) + b2_ref[...]
        o_ref[...] = mean + nz_ref[...] * jnp.exp(log_std)

    return pl.pallas_call(
        body,
        grid=(n // blk,),
        in_specs=[
            pl.BlockSpec((agg_p.shape[0], blk, h), lambda i: (0, i, 0)),
            pl.BlockSpec((blk, deg_d.shape[1]), lambda i: (i, 0)),
            pl.BlockSpec((h, ho), lambda i: (0, 0)),
            pl.BlockSpec((1, ho), lambda i: (0, 0)),
            pl.BlockSpec((h, ho), lambda i: (0, 0)),
            pl.BlockSpec((1, ho), lambda i: (0, 0)),
            pl.BlockSpec((blk, ho), lambda i: (i, 0)),
        ],
        out_specs=pl.BlockSpec((blk, ho), lambda i: (i, 0)),
        out_shape=jax.ShapeDtypeStruct((n, ho), jnp.float32),
    )(agg_p, deg_d, w1, b1, w2, b2, noise)


def kernel(in_feat, edge_index, W0, b0, W1, b1, W2, b2, noise):
    n = in_feat.shape[0]
    e = edge_index.shape[1]
    blk = 1000
    src = edge_index[0].astype(jnp.int32)
    dst = edge_index[1].astype(jnp.int32)

    nc, ns = _sc_info()
    nchunk = -(-e // _CH)
    cpt_d = -(-nchunk // (nc * ns))
    cpt_d = (cpt_d + 3) // 4 * 4
    nproc_d = nc * ns * cpt_d
    u = -(-nchunk // (ns * 10))
    u = (u + 3) // 4 * 4
    cpt0, cpt1 = 9 * u, u
    nproc_s = ns * (cpt0 + cpt1)
    slack = cpt0 - cpt1
    epad = max(nproc_d, nproc_s + slack) * _CH
    pad = epad - e
    _, npad_rows = _row_split(n, ns)
    sent = n + jnp.arange(pad, dtype=jnp.int32) % (npad_rows - n)
    src_g = jnp.concatenate([src, jnp.zeros((pad,), jnp.int32)])
    src_s = jnp.concatenate([src, sent])
    dst_s = jnp.concatenate([dst, sent])
    src_g2 = src_g.reshape(-1, _CH)
    src_s2 = src_s.reshape(-1, _CH)
    dst_s2 = dst_s.reshape(-1, _CH)

    deg_s_p, deg_d_p = _sc_degrees(src_s2[:nproc_d], dst_s2[:nproc_d], n)
    deg_s = deg_s_p.T
    deg_d = deg_d_p.T

    table0 = _tc_table0(in_feat, W0, deg_s, n, blk)
    agg0_p = _sc_scatter(src_g2[:nproc_s + slack], dst_s2[:nproc_s + slack],
                         table0, n, cpt0, cpt1)
    table1 = _tc_table1(agg0_p, deg_s, deg_d, b0[None, :], n, blk)
    agg1_p = _sc_scatter(src_g2[:nproc_s + slack], dst_s2[:nproc_s + slack],
                         table1, n, cpt0, cpt1)
    return _tc_final(agg1_p, deg_d, W1, b1[None, :], W2, b2[None, :], noise,
                     n, blk)

# --- scband reference (transcript-rebuilt; emitter-appended) ---
"""Pipeline reference for scband-vgae-64063732187138 (READ-ONLY COPY).

The authoritative reference and input builder live on the scoring server;
editing this copy changes nothing except your own understanding.
"""

import jax, jax.numpy as jnp
import numpy as np

N_NODES = 10000
N_EDGES = 320000
D_IN = 128
H0 = 64
H1 = 32

def setup_inputs(seed: int = 0) -> dict:
    key = jax.random.key(seed)
    k_x, k_e, k_w0, k_w1, k_w2, k_n = jax.random.split(key, 6)
    x = jax.random.normal(k_x, (N_NODES, D_IN), dtype=jnp.float32)
    edge_index = jax.random.randint(k_e, (2, N_EDGES), 0, N_NODES, dtype=jnp.int64)
    # Glorot-ish init for GraphConv weights (dgl default: xavier uniform)
    def glorot(k, fan_in, fan_out):
        lim = (6.0 / (fan_in + fan_out)) ** 0.5
        return jax.random.uniform(k, (fan_in, fan_out), minval=-lim, maxval=lim, dtype=jnp.float32)
    W0 = glorot(k_w0, D_IN, H0)
    b0 = jnp.zeros((H0,), dtype=jnp.float32)
    W1 = glorot(k_w1, H0, H1)
    b1 = jnp.zeros((H1,), dtype=jnp.float32)
    W2 = glorot(k_w2, H0, H1)
    b2 = jnp.zeros((H1,), dtype=jnp.float32)
    # gaussian noise generated internally by the torch module; materialized here for determinism
    noise = jax.random.normal(k_n, (N_NODES, H1), dtype=jnp.float32)
    return {"in_feat": x, "edge_index": edge_index, "W0": W0, "b0": b0, "W1": W1, "b1": b1, "W2": W2, "b2": b2, "noise": noise}

def _graph_conv(feat, src, dst, src_norm, dst_norm, W, b, n_nodes):
    # dgl GraphConv(norm='both'): D_dst^{-1/2} A D_src^{-1/2} X W + b
    h = feat * src_norm[:, None]
    msg = jnp.take(h, src, axis=0)
    agg = jax.ops.segment_sum(msg, dst, num_segments=n_nodes)
    agg = agg * dst_norm[:, None]
    return agg @ W + b

def reference(in_feat, edge_index, W0, b0, W1, b1, W2, b2, noise):
    src = edge_index[0]
    dst = edge_index[1]
    n = in_feat.shape[0]
    out_deg = jnp.bincount(src, length=n).astype(in_feat.dtype)
    in_deg = jnp.bincount(dst, length=n).astype(in_feat.dtype)
    # dgl clamps degrees to min 1 (allow_zero_in_degree handling)
    src_norm = jnp.clip(out_deg, 1.0, None) ** -0.5
    dst_norm = jnp.clip(in_deg, 1.0, None) ** -0.5
    h = jax.nn.relu(_graph_conv(in_feat, src, dst, src_norm, dst_norm, W0, b0, n))
    mean = _graph_conv(h, src, dst, src_norm, dst_norm, W1, b1, n)
    log_std = _graph_conv(h, src, dst, src_norm, dst_norm, W2, b2, n)
    sampled_z = mean + noise * jnp.exp(log_std)
    return sampled_z

if __name__ == "__main__":
    import jax
    _d = setup_inputs()
    print(jax.jit(kernel)(*tuple(_d.values())))

</pallas_src>

<mosaic_0001>
#map = affine_map<(d0, d1) -> (0, 0)>
#map1 = affine_map<(d0, d1) -> (0)>
module attributes {stable_mosaic.version = 14 : i64} {
  func.func @deg_kernel(%arg0: i32, %arg1: i32, %arg2: memref<2560x128xi32, #tpu.memory_space<hbm>>, %arg3: memref<2560x128xi32, #tpu.memory_space<hbm>>, %arg4: memref<20224xf32, #tpu.memory_space<hbm>>, %arg5: memref<20224xf32, #tpu.memory_space<hbm>>, %arg6: memref<80x128xi32, #tpu.memory_space<vmem>>, %arg7: memref<80x128xi32, #tpu.memory_space<vmem>>, %arg8: memref<128xf32, #tpu.memory_space<vmem>>, %arg9: memref<632xf32, #tpu.memory_space<vmem>>, %arg10: memref<10112xf32, #tpu.memory_space<vmem_shared>>, %arg11: memref<10112xf32, #tpu.memory_space<vmem_shared>>, %arg12: memref<!tpu.dma_semaphore, #tpu.memory_space<semaphore_mem>>) attributes {dimension_semantics = [#tpu.dimension_semantics<core_parallel>, #tpu.dimension_semantics<subcore_parallel>], iteration_bounds = array<i64: 2, 16>, scalar_prefetch = 0 : i64, scratch_operands = 7 : i64, tpu.core_type = #tpu.core_type<sc_vector_subcore>, window_params = [{transform_indices = #map}, {transform_indices = #map}, {transform_indices = #map1}, {transform_indices = #map1}]} {
    %mul3A = arith.constant 2 : i32
    %mul3A_0 = arith.muli %arg1, %mul3A : i32
    %add3A = arith.addi %mul3A_0, %arg0 : i32
    %mul3A_1 = arith.constant 632 : i32
    %mul3A_2 = arith.muli %arg1, %mul3A_1 : i32
    %mul3A_3 = arith.constant 80 : i32
    %mul3A_4 = arith.muli %add3A, %mul3A_3 : i32
    "tpu.region"() ({
      %run_scoped3A = tpu.sem_alloc : memref<!tpu.dma_semaphore, #tpu.memory_space<semaphore_mem>>
      %dma_start3A = arith.constant 0 : i32
      %dma_start3A_31 = tpu.memref_slice %arg2[%mul3A_4, %dma_start3A] : memref<2560x128xi32, #tpu.memory_space<hbm>> -> memref<80x128xi32, #tpu.memory_space<hbm>>
      %dma_start3A_32 = arith.constant 0 : i32
      %dma_start3A_33 = tpu.memref_slice %arg2[%mul3A_4, %dma_start3A_32] : memref<2560x128xi32, #tpu.memory_space<hbm>> -> memref<80x128xi32, #tpu.memory_space<hbm>>
      tpu.enqueue_dma source(%dma_start3A_33 : memref<80x128xi32, #tpu.memory_space<hbm>>) target(%arg6 : memref<80x128xi32, #tpu.memory_space<vmem>>) target_semaphore(%run_scoped3A : memref<!tpu.dma_semaphore, #tpu.memory_space<semaphore_mem>>)
      %dma_wait3A = arith.constant 0 : i32
      %dma_wait3A_34 = tpu.memref_slice %arg2[%mul3A_4, %dma_wait3A] : memref<2560x128xi32, #tpu.memory_space<hbm>> -> memref<80x128xi32, #tpu.memory_space<hbm>>
      %dma_wait3A_35 = arith.constant 0 : i32
      %dma_wait3A_36 = tpu.memref_slice %arg2[%mul3A_4, %dma_wait3A_35] : memref<2560x128xi32, #tpu.memory_space<hbm>> -> memref<80x128xi32, #tpu.memory_space<hbm>>
      tpu.wait_dma2 semaphore(%run_scoped3A : memref<!tpu.dma_semaphore, #tpu.memory_space<semaphore_mem>>) src(%dma_wait3A_36 : memref<80x128xi32, #tpu.memory_space<hbm>>) dst(%arg6 : memref<80x128xi32, #tpu.memory_space<vmem>>)
      tpu.yield
    }) : () -> ()
    %mul3A_5 = arith.constant 80 : i32
    %mul3A_6 = arith.muli %add3A, %mul3A_5 : i32
    "tpu.region"() ({
      %run_scoped3A = tpu.sem_alloc : memref<!tpu.dma_semaphore, #tpu.memory_space<semaphore_mem>>
      %dma_start3A = arith.constant 0 : i32
      %dma_start3A_31 = tpu.memref_slice %arg3[%mul3A_6, %dma_start3A] : memref<2560x128xi32, #tpu.memory_space<hbm>> -> memref<80x128xi32, #tpu.memory_space<hbm>>
      %dma_start3A_32 = arith.constant 0 : i32
      %dma_start3A_33 = tpu.memref_slice %arg3[%mul3A_6, %dma_start3A_32] : memref<2560x128xi32, #tpu.memory_space<hbm>> -> memref<80x128xi32, #tpu.memory_space<hbm>>
      tpu.enqueue_dma source(%dma_start3A_33 : memref<80x128xi32, #tpu.memory_space<hbm>>) target(%arg7 : memref<80x128xi32, #tpu.memory_space<vmem>>) target_semaphore(%run_scoped3A : memref<!tpu.dma_semaphore, #tpu.memory_space<semaphore_mem>>)
      %dma_wait3A = arith.constant 0 : i32
      %dma_wait3A_34 = tpu.memref_slice %arg3[%mul3A_6, %dma_wait3A] : memref<2560x128xi32, #tpu.memory_space<hbm>> -> memref<80x128xi32, #tpu.memory_space<hbm>>
      %dma_wait3A_35 = arith.constant 0 : i32
      %dma_wait3A_36 = tpu.memref_slice %arg3[%mul3A_6, %dma_wait3A_35] : memref<2560x128xi32, #tpu.memory_space<hbm>> -> memref<80x128xi32, #tpu.memory_space<hbm>>
      tpu.wait_dma2 semaphore(%run_scoped3A : memref<!tpu.dma_semaphore, #tpu.memory_space<semaphore_mem>>) src(%dma_wait3A_36 : memref<80x128xi32, #tpu.memory_space<hbm>>) dst(%arg7 : memref<80x128xi32, #tpu.memory_space<vmem>>)
      tpu.yield
    }) : () -> ()
    %scan3A = arith.constant 0 : i32
    %scan3A_7 = arith.constant 0 : i32
    %scan3A_8 = arith.constant 8 : i32
    %scan3A_9 = arith.addi %scan3A_7, %scan3A_8 : i32
    %scan3A_10 = arith.constant 1 : i32
    %scan3A_11 = scf.for %scan3A_31 = %scan3A_7 to %scan3A_9 step %scan3A_10 iter_args(%scan3A_32 = %scan3A) -> (i32)  : i32 {
      %broadcast_in_dim3A = arith.constant 1.000000e+00 : f32
      %broadcast_in_dim3A_33 = vector.broadcast %broadcast_in_dim3A : f32 to vector<16xf32>
      %mul3A_34 = arith.constant 16 : i32
      %mul3A_35 = arith.muli %scan3A_31, %mul3A_34 : i32
      %swap3A = arith.index_cast %mul3A_35 : i32 to index
      %swap3A_36 = tpu.vector_load %arg8[%swap3A] {strides = array<i32>} : memref<128xf32, #tpu.memory_space<vmem>>, vector<16xf32>,
      %swap3A_37 = vector.shape_cast %swap3A_36 : vector<16xf32> to vector<16xf32>
      %swap3A_38 = vector.shape_cast %broadcast_in_dim3A_33 : vector<16xf32> to vector<16xf32>
      tpu.vector_store %arg8[%swap3A], %swap3A_38 {strides = array<i32>} : memref<128xf32, #tpu.memory_space<vmem>>, vector<16xf32>,
      %scan3A_39 = arith.constant 0 : i32
      scf.yield %scan3A_39 : i32
    }
    %scan3A_12 = arith.constant 8 : i32
    %scan3A_13 = arith.constant 0 : i32
    %scan3A_14 = arith.constant 0 : i32
    %scan3A_15 = arith.constant 39 : i32
    %scan3A_16 = arith.addi %scan3A_14, %scan3A_15 : i32
    %scan3A_17 = arith.constant 1 : i32
    %scan3A_18 = scf.for %scan3A_31 = %scan3A_14 to %scan3A_16 step %scan3A_17 iter_args(%scan3A_32 = %scan3A_13) -> (i32)  : i32 {
      %broadcast_in_dim3A = arith.constant 0.000000e+00 : f32
      %broadcast_in_dim3A_33 = vector.broadcast %broadcast_in_dim3A : f32 to vector<16xf32>
      %mul3A_34 = arith.constant 16 : i32
      %mul3A_35 = arith.muli %scan3A_31, %mul3A_34 : i32
      %swap3A = arith.index_cast %mul3A_35 : i32 to index
      %swap3A_36 = tpu.vector_load %arg9[%swap3A] {strides = array<i32>} : memref<632xf32, #tpu.memory_space<vmem>>, vector<16xf32>,
      %swap3A_37 = vector.shape_cast %swap3A_36 : vector<16xf32> to vector<16xf32>
      %swap3A_38 = vector.shape_cast %broadcast_in_dim3A_33 : vector<16xf32> to vector<16xf32>
      tpu.vector_store %arg9[%swap3A], %swap3A_38 {strides = array<i32>} : memref<632xf32, #tpu.memory_space<vmem>>, vector<16xf32>,
      %scan3A_39 = arith.constant 0 : i32
      scf.yield %scan3A_39 : i32
    }
    %scan3A_19 = arith.constant 39 : i32
    "tpu.region"() ({
      %run_scoped3A = tpu.sem_alloc : memref<!tpu.dma_semaphore, #tpu.memory_space<semaphore_mem>>
      %dma_start3A = tpu.memref_slice %arg10[%mul3A_2] : memref<10112xf32, #tpu.memory_space<vmem_shared>> -> memref<632xf32, #tpu.memory_space<vmem_shared>>
      %dma_start3A_31 = tpu.memref_slice %arg10[%mul3A_2] : memref<10112xf32, #tpu.memory_space<vmem_shared>> -> memref<632xf32, #tpu.memory_space<vmem_shared>>
      tpu.enqueue_dma source(%arg9 : memref<632xf32, #tpu.memory_space<vmem>>) target(%dma_start3A_31 : memref<632xf32, #tpu.memory_space<vmem_shared>>) target_semaphore(%run_scoped3A : memref<!tpu.dma_semaphore, #tpu.memory_space<semaphore_mem>>)
      %dma_wait3A = tpu.memref_slice %arg10[%mul3A_2] : memref<10112xf32, #tpu.memory_space<vmem_shared>> -> memref<632xf32, #tpu.memory_space<vmem_shared>>
      %dma_wait3A_32 = tpu.memref_slice %arg10[%mul3A_2] : memref<10112xf32, #tpu.memory_space<vmem_shared>> -> memref<632xf32, #tpu.memory_space<vmem_shared>>
      tpu.wait_dma2 semaphore(%run_scoped3A : memref<!tpu.dma_semaphore, #tpu.memory_space<semaphore_mem>>) src(%arg9 : memref<632xf32, #tpu.memory_space<vmem>>) dst(%dma_wait3A_32 : memref<632xf32, #tpu.memory_space<vmem_shared>>)
      tpu.yield
    }) : () -> ()
    "tpu.region"() ({
      %run_scoped3A = tpu.sem_alloc : memref<!tpu.dma_semaphore, #tpu.memory_space<semaphore_mem>>
      %dma_start3A = tpu.memref_slice %arg11[%mul3A_2] : memref<10112xf32, #tpu.memory_space<vmem_shared>> -> memref<632xf32, #tpu.memory_space<vmem_shared>>
      %dma_start3A_31 = tpu.memref_slice %arg11[%mul3A_2] : memref<10112xf32, #tpu.memory_space<vmem_shared>> -> memref<632xf32, #tpu.memory_space<vmem_shared>>
      tpu.enqueue_dma source(%arg9 : memref<632xf32, #tpu.memory_space<vmem>>) target(%dma_start3A_31 : memref<632xf32, #tpu.memory_space<vmem_shared>>) target_semaphore(%run_scoped3A : memref<!tpu.dma_semaphore, #tpu.memory_space<semaphore_mem>>)
      %dma_wait3A = tpu.memref_slice %arg11[%mul3A_2] : memref<10112xf32, #tpu.memory_space<vmem_shared>> -> memref<632xf32, #tpu.memory_space<vmem_shared>>
      %dma_wait3A_32 = tpu.memref_slice %arg11[%mul3A_2] : memref<10112xf32, #tpu.memory_space<vmem_shared>> -> memref<632xf32, #tpu.memory_space<vmem_shared>>
      tpu.wait_dma2 semaphore(%run_scoped3A : memref<!tpu.dma_semaphore, #tpu.memory_space<semaphore_mem>>) src(%arg9 : memref<632xf32, #tpu.memory_space<vmem>>) dst(%dma_wait3A_32 : memref<632xf32, #tpu.memory_space<vmem_shared>>)
      tpu.yield
    }) : () -> ()
    %barrier3A = arith.constant 0 : index
    tpu.barrier barrier_id(%barrier3A)
    %scan3A_20 = arith.constant 0 : i32
    %scan3A_21 = arith.constant 0 : i32
    %scan3A_22 = arith.constant 20 : i32
    %scan3A_23 = arith.addi %scan3A_21, %scan3A_22 : i32
    %scan3A_24 = arith.constant 1 : i32
    %scan3A_25 = scf.for %scan3A_31 = %scan3A_21 to %scan3A_23 step %scan3A_24 iter_args(%scan3A_32 = %scan3A_20) -> (i32)  : i32 {
      %mul3A_33 = arith.constant 4 : i32
      %mul3A_34 = arith.muli %scan3A_31, %mul3A_33 : i32
      %add3A_35 = arith.constant 0 : i32
      %add3A_36 = arith.addi %mul3A_34, %add3A_35 : i32
      %dma_start3A = arith.constant 0 : i32
      %dma_start3A_37 = tpu.memref_slice %arg6[%add3A_36, %dma_start3A] : memref<80x128xi32, #tpu.memory_space<vmem>> -> memref<1x128xi32, #tpu.memory_space<vmem>>
      %dma_start3A_38 = tpu.memref_squeeze %dma_start3A_37 : memref<1x128xi32, #tpu.memory_space<vmem>> -> memref<128xi32, #tpu.memory_space<vmem>>
      %dma_start3A_39 = arith.constant 0 : i32
      %dma_start3A_40 = tpu.memref_slice %arg10[%dma_start3A_39] : memref<10112xf32, #tpu.memory_space<vmem_shared>> -> memref<10112xf32, #tpu.memory_space<vmem_shared>>
      tpu.enqueue_indirect_dma source(%arg8 : memref<128xf32, #tpu.memory_space<vmem>>) target(%dma_start3A_40 : memref<10112xf32, #tpu.memory_space<vmem_shared>>) offsets(%dma_start3A_38 : memref<128xi32, #tpu.memory_space<vmem>>) semaphore(%arg12 : memref<!tpu.dma_semaphore, #tpu.memory_space<semaphore_mem>>) {add = true}
      %dma_start3A_41 = arith.constant 0 : i32
      %dma_start3A_42 = tpu.memref_slice %arg7[%add3A_36, %dma_start3A_41] : memref<80x128xi32, #tpu.memory_space<vmem>> -> memref<1x128xi32, #tpu.memory_space<vmem>>
      %dma_start3A_43 = tpu.memref_squeeze %dma_start3A_42 : memref<1x128xi32, #tpu.memory_space<vmem>> -> memref<128xi32, #tpu.memory_space<vmem>>
      %dma_start3A_44 = arith.constant 0 : i32
      %dma_start3A_45 = tpu.memref_slice %arg11[%dma_start3A_44] : memref<10112xf32, #tpu.memory_space<vmem_shared>> -> memref<10112xf32, #tpu.memory_space<vmem_shared>>
      tpu.enqueue_indirect_dma source(%arg8 : memref<128xf32, #tpu.memory_space<vmem>>) target(%dma_start3A_45 : memref<10112xf32, #tpu.memory_space<vmem_shared>>) offsets(%dma_start3A_43 : memref<128xi32, #tpu.memory_space<vmem>>) semaphore(%arg12 : memref<!tpu.dma_semaphore, #tpu.memory_space<semaphore_mem>>) {add = true}
      %mul3A_46 = arith.constant 4 : i32
      %mul3A_47 = arith.muli %scan3A_31, %mul3A_46 : i32
      %add3A_48 = arith.constant 1 : i32
      %add3A_49 = arith.addi %mul3A_47, %add3A_48 : i32
      %dma_start3A_50 = arith.constant 0 : i32
      %dma_start3A_51 = tpu.memref_slice %arg6[%add3A_49, %dma_start3A_50] : memref<80x128xi32, #tpu.memory_space<vmem>> -> memref<1x128xi32, #tpu.memory_space<vmem>>
      %dma_start3A_52 = tpu.memref_squeeze %dma_start3A_51 : memref<1x128xi32, #tpu.memory_space<vmem>> -> memref<128xi32, #tpu.memory_space<vmem>>
      %dma_start3A_53 = arith.constant 0 : i32
      %dma_start3A_54 = tpu.memref_slice %arg10[%dma_start3A_53] : memref<10112xf32, #tpu.memory_space<vmem_shared>> -> memref<10112xf32, #tpu.memory_space<vmem_shared>>
      tpu.enqueue_indirect_dma source(%arg8 : memref<128xf32, #tpu.memory_space<vmem>>) target(%dma_start3A_54 : memref<10112xf32, #tpu.memory_space<vmem_shared>>) offsets(%dma_start3A_52 : memref<128xi32, #tpu.memory_space<vmem>>) semaphore(%arg12 : memref<!tpu.dma_semaphore, #tpu.memory_space<semaphore_mem>>) {add = true}
      %dma_start3A_55 = arith.constant 0 : i32
      %dma_start3A_56 = tpu.memref_slice %arg7[%add3A_49, %dma_start3A_55] : memref<80x128xi32, #tpu.memory_space<vmem>> -> memref<1x128xi32, #tpu.memory_space<vmem>>
      %dma_start3A_57 = tpu.memref_squeeze %dma_start3A_56 : memref<1x128xi32, #tpu.memory_space<vmem>> -> memref<128xi32, #tpu.memory_space<vmem>>
      %dma_start3A_58 = arith.constant 0 : i32
      %dma_start3A_59 = tpu.memref_slice %arg11[%dma_start3A_58] : memref<10112xf32, #tpu.memory_space<vmem_shared>> -> memref<10112xf32, #tpu.memory_space<vmem_shared>>
      tpu.enqueue_indirect_dma source(%arg8 : memref<128xf32, #tpu.memory_space<vmem>>) target(%dma_start3A_59 : memref<10112xf32, #tpu.memory_space<vmem_shared>>) offsets(%dma_start3A_57 : memref<128xi32, #tpu.memory_space<vmem>>) semaphore(%arg12 : memref<!tpu.dma_semaphore, #tpu.memory_space<semaphore_mem>>) {add = true}
      %mul3A_60 = arith.constant 4 : i32
      %mul3A_61 = arith.muli %scan3A_31, %mul3A_60 : i32
      %add3A_62 = arith.constant 2 : i32
      %add3A_63 = arith.addi %mul3A_61, %add3A_62 : i32
      %dma_start3A_64 = arith.constant 0 : i32
      %dma_start3A_65 = tpu.memref_slice %arg6[%add3A_63, %dma_start3A_64] : memref<80x128xi32, #tpu.memory_space<vmem>> -> memref<1x128xi32, #tpu.memory_space<vmem>>
      %dma_start3A_66 = tpu.memref_squeeze %dma_start3A_65 : memref<1x128xi32, #tpu.memory_space<vmem>> -> memref<128xi32, #tpu.memory_space<vmem>>
      %dma_start3A_67 = arith.constant 0 : i32
      %dma_start3A_68 = tpu.memref_slice %arg10[%dma_start3A_67] : memref<10112xf32, #tpu.memory_space<vmem_shared>> -> memref<10112xf32, #tpu.memory_space<vmem_shared>>
      tpu.enqueue_indirect_dma source(%arg8 : memref<128xf32, #tpu.memory_space<vmem>>) target(%dma_start3A_68 : memref<10112xf32, #tpu.memory_space<vmem_shared>>) offsets(%dma_start3A_66 : memref<128xi32, #tpu.memory_space<vmem>>) semaphore(%arg12 : memref<!tpu.dma_semaphore, #tpu.memory_space<semaphore_mem>>) {add = true}
      %dma_start3A_69 = arith.constant 0 : i32
      %dma_start3A_70 = tpu.memref_slice %arg7[%add3A_63, %dma_start3A_69] : memref<80x128xi32, #tpu.memory_space<vmem>> -> memref<1x128xi32, #tpu.memory_space<vmem>>
      %dma_start3A_71 = tpu.memref_squeeze %dma_start3A_70 : memref<1x128xi32, #tpu.memory_space<vmem>> -> memref<128xi32, #tpu.memory_space<vmem>>
      %dma_start3A_72 = arith.constant 0 : i32
      %dma_start3A_73 = tpu.memref_slice %arg11[%dma_start3A_72] : memref<10112xf32, #tpu.memory_space<vmem_shared>> -> memref<10112xf32, #tpu.memory_space<vmem_shared>>
      tpu.enqueue_indirect_dma source(%arg8 : memref<128xf32, #tpu.memory_space<vmem>>) target(%dma_start3A_73 : memref<10112xf32, #tpu.memory_space<vmem_shared>>) offsets(%dma_start3A_71 : memref<128xi32, #tpu.memory_space<vmem>>) semaphore(%arg12 : memref<!tpu.dma_semaphore, #tpu.memory_space<semaphore_mem>>) {add = true}
      %mul3A_74 = arith.constant 4 : i32
      %mul3A_75 = arith.muli %scan3A_31, %mul3A_74 : i32
      %add3A_76 = arith.constant 3 : i32
      %add3A_77 = arith.addi %mul3A_75, %add3A_76 : i32
      %dma_start3A_78 = arith.constant 0 : i32
      %dma_start3A_79 = tpu.memref_slice %arg6[%add3A_77, %dma_start3A_78] : memref<80x128xi32, #tpu.memory_space<vmem>> -> memref<1x128xi32, #tpu.memory_space<vmem>>
      %dma_start3A_80 = tpu.memref_squeeze %dma_start3A_79 : memref<1x128xi32, #tpu.memory_space<vmem>> -> memref<128xi32, #tpu.memory_space<vmem>>
      %dma_start3A_81 = arith.constant 0 : i32
      %dma_start3A_82 = tpu.memref_slice %arg10[%dma_start3A_81] : memref<10112xf32, #tpu.memory_space<vmem_shared>> -> memref<10112xf32, #tpu.memory_space<vmem_shared>>
      tpu.enqueue_indirect_dma source(%arg8 : memref<128xf32, #tpu.memory_space<vmem>>) target(%dma_start3A_82 : memref<10112xf32, #tpu.memory_space<vmem_shared>>) offsets(%dma_start3A_80 : memref<128xi32, #tpu.memory_space<vmem>>) semaphore(%arg12 : memref<!tpu.dma_semaphore, #tpu.memory_space<semaphore_mem>>) {add = true}
      %dma_start3A_83 = arith.constant 0 : i32
      %dma_start3A_84 = tpu.memref_slice %arg7[%add3A_77, %dma_start3A_83] : memref<80x128xi32, #tpu.memory_space<vmem>> -> memref<1x128xi32, #tpu.memory_space<vmem>>
      %dma_start3A_85 = tpu.memref_squeeze %dma_start3A_84 : memref<1x128xi32, #tpu.memory_space<vmem>> -> memref<128xi32, #tpu.memory_space<vmem>>
      %dma_start3A_86 = arith.constant 0 : i32
      %dma_start3A_87 = tpu.memref_slice %arg11[%dma_start3A_86] : memref<10112xf32, #tpu.memory_space<vmem_shared>> -> memref<10112xf32, #tpu.memory_space<vmem_shared>>
      tpu.enqueue_indirect_dma source(%arg8 : memref<128xf32, #tpu.memory_space<vmem>>) target(%dma_start3A_87 : memref<10112xf32, #tpu.memory_space<vmem_shared>>) offsets(%dma_start3A_85 : memref<128xi32, #tpu.memory_space<vmem>>) semaphore(%arg12 : memref<!tpu.dma_semaphore, #tpu.memory_space<semaphore_mem>>) {add = true}
      %mul3A_88 = arith.constant 4 : i32
      %mul3A_89 = arith.muli %scan3A_31, %mul3A_88 : i32
      %dma_wait3A = arith.constant 0 : i32
      %dma_wait3A_90 = tpu.memref_slice %arg6[%mul3A_89, %dma_wait3A] : memref<80x128xi32, #tpu.memory_space<vmem>> -> memref<1x128xi32, #tpu.memory_space<vmem>>
      %dma_wait3A_91 = tpu.memref_squeeze %dma_wait3A_90 : memref<1x128xi32, #tpu.memory_space<vmem>> -> memref<128xi32, #tpu.memory_space<vmem>>
      %dma_wait3A_92 = arith.constant 0 : i32
      %dma_wait3A_93 = tpu.memref_slice %arg10[%dma_wait3A_92] : memref<10112xf32, #tpu.memory_space<vmem_shared>> -> memref<10112xf32, #tpu.memory_space<vmem_shared>>
      tpu.wait_indirect_dma semaphore(%arg12 : memref<!tpu.dma_semaphore, #tpu.memory_space<semaphore_mem>>) src(%arg8 : memref<128xf32, #tpu.memory_space<vmem>>) dst(%dma_wait3A_93 : memref<10112xf32, #tpu.memory_space<vmem_shared>>)
      %mul3A_94 = arith.constant 4 : i32
      %mul3A_95 = arith.muli %scan3A_31, %mul3A_94 : i32
      %dma_wait3A_96 = arith.constant 0 : i32
      %dma_wait3A_97 = tpu.memref_slice %arg6[%mul3A_95, %dma_wait3A_96] : memref<80x128xi32, #tpu.memory_space<vmem>> -> memref<1x128xi32, #tpu.memory_space<vmem>>
      %dma_wait3A_98 = tpu.memref_squeeze %dma_wait3A_97 : memref<1x128xi32, #tpu.memory_space<vmem>> -> memref<128xi32, #tpu.memory_space<vmem>>
      %dma_wait3A_99 = arith.constant 0 : i32
      %dma_wait3A_100 = tpu.memref_slice %arg10[%dma_wait3A_99] : memref<10112xf32, #tpu.memory_space<vmem_shared>> -> memref<10112xf32, #tpu.memory_space<vmem_shared>>
      tpu.wait_indirect_dma semaphore(%arg12 : memref<!tpu.dma_semaphore, #tpu.memory_space<semaphore_mem>>) src(%arg8 : memref<128xf32, #tpu.memory_space<vmem>>) dst(%dma_wait3A_100 : memref<10112xf32, #tpu.memory_space<vmem_shared>>)
      %mul3A_101 = arith.constant 4 : i32
      %mul3A_102 = arith.muli %scan3A_31, %mul3A_101 : i32
      %dma_wait3A_103 = arith.constant 0 : i32
      %dma_wait3A_104 = tpu.memref_slice %arg6[%mul3A_102, %dma_wait3A_103] : memref<80x128xi32, #tpu.memory_space<vmem>> -> memref<1x128xi32, #tpu.memory_space<vmem>>
      %dma_wait3A_105 = tpu.memref_squeeze %dma_wait3A_104 : memref<1x128xi32, #tpu.memory_space<vmem>> -> memref<128xi32, #tpu.memory_space<vmem>>
      %dma_wait3A_106 = arith.constant 0 : i32
      %dma_wait3A_107 = tpu.memref_slice %arg10[%dma_wait3A_106] : memref<10112xf32, #tpu.memory_space<vmem_shared>> -> memref<10112xf32, #tpu.memory_space<vmem_shared>>
      tpu.wait_indirect_dma semaphore(%arg12 : memref<!tpu.dma_semaphore, #tpu.memory_space<semaphore_mem>>) src(%arg8 : memref<128xf32, #tpu.memory_space<vmem>>) dst(%dma_wait3A_107 : memref<10112xf32, #tpu.memory_space<vmem_shared>>)
      %mul3A_108 = arith.constant 4 : i32
      %mul3A_109 = arith.muli %scan3A_31, %mul3A_108 : i32
      %dma_wait3A_110 = arith.constant 0 : i32
      %dma_wait3A_111 = tpu.memref_slice %arg6[%mul3A_109, %dma_wait3A_110] : memref<80x128xi32, #tpu.memory_space<vmem>> -> memref<1x128xi32, #tpu.memory_space<vmem>>
      %dma_wait3A_112 = tpu.memref_squeeze %dma_wait3A_111 : memref<1x128xi32, #tpu.memory_space<vmem>> -> memref<128xi32, #tpu.memory_space<vmem>>
      %dma_wait3A_113 = arith.constant 0 : i32
      %dma_wait3A_114 = tpu.memref_slice %arg10[%dma_wait3A_113] : memref<10112xf32, #tpu.memory_space<vmem_shared>> -> memref<10112xf32, #tpu.memory_space<vmem_shared>>
      tpu.wait_indirect_dma semaphore(%arg12 : memref<!tpu.dma_semaphore, #tpu.memory_space<semaphore_mem>>) src(%arg8 : memref<128xf32, #tpu.memory_space<vmem>>) dst(%dma_wait3A_114 : memref<10112xf32, #tpu.memory_space<vmem_shared>>)
      %mul3A_115 = arith.constant 4 : i32
      %mul3A_116 = arith.muli %scan3A_31, %mul3A_115 : i32
      %dma_wait3A_117 = arith.constant 0 : i32
      %dma_wait3A_118 = tpu.memref_slice %arg6[%mul3A_116, %dma_wait3A_117] : memref<80x128xi32, #tpu.memory_space<vmem>> -> memref<1x128xi32, #tpu.memory_space<vmem>>
      %dma_wait3A_119 = tpu.memref_squeeze %dma_wait3A_118 : memref<1x128xi32, #tpu.memory_space<vmem>> -> memref<128xi32, #tpu.memory_space<vmem>>
      %dma_wait3A_120 = arith.constant 0 : i32
      %dma_wait3A_121 = tpu.memref_slice %arg10[%dma_wait3A_120] : memref<10112xf32, #tpu.memory_space<vmem_shared>> -> memref<10112xf32, #tpu.memory_space<vmem_shared>>
      tpu.wait_indirect_dma semaphore(%arg12 : memref<!tpu.dma_semaphore, #tpu.memory_space<semaphore_mem>>) src(%arg8 : memref<128xf32, #tpu.memory_space<vmem>>) dst(%dma_wait3A_121 : memref<10112xf32, #tpu.memory_space<vmem_shared>>)
      %mul3A_122 = arith.constant 4 : i32
      %mul3A_123 = arith.muli %scan3A_31, %mul3A_122 : i32
      %dma_wait3A_124 = arith.constant 0 : i32
      %dma_wait3A_125 = tpu.memref_slice %arg6[%mul3A_123, %dma_wait3A_124] : memref<80x128xi32, #tpu.memory_space<vmem>> -> memref<1x128xi32, #tpu.memory_space<vmem>>
      %dma_wait3A_126 = tpu.memref_squeeze %dma_wait3A_125 : memref<1x128xi32, #tpu.memory_space<vmem>> -> memref<128xi32, #tpu.memory_space<vmem>>
      %dma_wait3A_127 = arith.constant 0 : i32
      %dma_wait3A_128 = tpu.memref_slice %arg10[%dma_wait3A_127] : memref<10112xf32, #tpu.memory_space<vmem_shared>> -> memref<10112xf32, #tpu.memory_space<vmem_shared>>
      tpu.wait_indirect_dma semaphore(%arg12 : memref<!tpu.dma_semaphore, #tpu.memory_space<semaphore_mem>>) src(%arg8 : memref<128xf32, #tpu.memory_space<vmem>>) dst(%dma_wait3A_128 : memref<10112xf32, #tpu.memory_space<vmem_shared>>)
      %mul3A_129 = arith.constant 4 : i32
      %mul3A_130 = arith.muli %scan3A_31, %mul3A_129 : i32
      %dma_wait3A_131 = arith.constant 0 : i32
      %dma_wait3A_132 = tpu.memref_slice %arg6[%mul3A_130, %dma_wait3A_131] : memref<80x128xi32, #tpu.memory_space<vmem>> -> memref<1x128xi32, #tpu.memory_space<vmem>>
      %dma_wait3A_133 = tpu.memref_squeeze %dma_wait3A_132 : memref<1x128xi32, #tpu.memory_space<vmem>> -> memref<128xi32, #tpu.memory_space<vmem>>
      %dma_wait3A_134 = arith.constant 0 : i32
      %dma_wait3A_135 = tpu.memref_slice %arg10[%dma_wait3A_134] : memref<10112xf32, #tpu.memory_space<vmem_shared>> -> memref<10112xf32, #tpu.memory_space<vmem_shared>>
      tpu.wait_indirect_dma semaphore(%arg12 : memref<!tpu.dma_semaphore, #tpu.memory_space<semaphore_mem>>) src(%arg8 : memref<128xf32, #tpu.memory_space<vmem>>) dst(%dma_wait3A_135 : memref<10112xf32, #tpu.memory_space<vmem_shared>>)
      %mul3A_136 = arith.constant 4 : i32
      %mul3A_137 = arith.muli %scan3A_31, %mul3A_136 : i32
      %dma_wait3A_138 = arith.constant 0 : i32
      %dma_wait3A_139 = tpu.memref_slice %arg6[%mul3A_137, %dma_wait3A_138] : memref<80x128xi32, #tpu.memory_space<vmem>> -> memref<1x128xi32, #tpu.memory_space<vmem>>
      %dma_wait3A_140 = tpu.memref_squeeze %dma_wait3A_139 : memref<1x128xi32, #tpu.memory_space<vmem>> -> memref<128xi32, #tpu.memory_space<vmem>>
      %dma_wait3A_141 = arith.constant 0 : i32
      %dma_wait3A_142 = tpu.memref_slice %arg10[%dma_wait3A_141] : memref<10112xf32, #tpu.memory_space<vmem_shared>> -> memref<10112xf32, #tpu.memory_space<vmem_shared>>
      tpu.wait_indirect_dma semaphore(%arg12 : memref<!tpu.dma_semaphore, #tpu.memory_space<semaphore_mem>>) src(%arg8 : memref<128xf32, #tpu.memory_space<vmem>>) dst(%dma_wait3A_142 : memref<10112xf32, #tpu.memory_space<vmem_shared>>)
      %scan3A_143 = arith.constant 0 : i32
      scf.yield %scan3A_143 : i32
    }
    %scan3A_26 = arith.constant 20 : i32
    %barrier3A_27 = arith.constant 0 : index
    tpu.barrier barrier_id(%barrier3A_27)
    %mul3A_28 = arith.constant 10112 : i32
    %mul3A_29 = arith.muli %arg0, %mul3A_28 : i32
    %add3A_30 = arith.addi %mul3A_29, %mul3A_2 : i32
    "tpu.region"() ({
      %run_scoped3A = tpu.sem_alloc : memref<!tpu.dma_semaphore, #tpu.memory_space<semaphore_mem>>
      %dma_start3A = tpu.memref_slice %arg10[%mul3A_2] : memref<10112xf32, #tpu.memory_space<vmem_shared>> -> memref<632xf32, #tpu.memory_space<vmem_shared>>
      %dma_start3A_31 = tpu.memref_slice %arg10[%mul3A_2] : memref<10112xf32, #tpu.memory_space<vmem_shared>> -> memref<632xf32, #tpu.memory_space<vmem_shared>>
      tpu.enqueue_dma source(%dma_start3A_31 : memref<632xf32, #tpu.memory_space<vmem_shared>>) target(%arg9 : memref<632xf32, #tpu.memory_space<vmem>>) target_semaphore(%run_scoped3A : memref<!tpu.dma_semaphore, #tpu.memory_space<semaphore_mem>>)
      %dma_wait3A = tpu.memref_slice %arg10[%mul3A_2] : memref<10112xf32, #tpu.memory_space<vmem_shared>> -> memref<632xf32, #tpu.memory_space<vmem_shared>>
      %dma_wait3A_32 = tpu.memref_slice %arg10[%mul3A_2] : memref<10112xf32, #tpu.memory_space<vmem_shared>> -> memref<632xf32, #tpu.memory_space<vmem_shared>>
      tpu.wait_dma2 semaphore(%run_scoped3A : memref<!tpu.dma_semaphore, #tpu.memory_space<semaphore_mem>>) src(%dma_wait3A_32 : memref<632xf32, #tpu.memory_space<vmem_shared>>) dst(%arg9 : memref<632xf32, #tpu.memory_space<vmem>>)
      tpu.yield
    }) : () -> ()
    "tpu.region"() ({
      %run_scoped3A = tpu.sem_alloc : memref<!tpu.dma_semaphore, #tpu.memory_space<semaphore_mem>>
      %dma_start3A = tpu.memref_slice %arg4[%add3A_30] : memref<20224xf32, #tpu.memory_space<hbm>> -> memref<632xf32, #tpu.memory_space<hbm>>
      %dma_start3A_31 = tpu.memref_slice %arg4[%add3A_30] : memref<20224xf32, #tpu.memory_space<hbm>> -> memref<632xf32, #tpu.memory_space<hbm>>
      tpu.enqueue_dma source(%arg9 : memref<632xf32, #tpu.memory_space<vmem>>) target(%dma_start3A_31 : memref<632xf32, #tpu.memory_space<hbm>>) target_semaphore(%run_scoped3A : memref<!tpu.dma_semaphore, #tpu.memory_space<semaphore_mem>>)
      %dma_wait3A = tpu.memref_slice %arg4[%add3A_30] : memref<20224xf32, #tpu.memory_space<hbm>> -> memref<632xf32, #tpu.memory_space<hbm>>
      %dma_wait3A_32 = tpu.memref_slice %arg4[%add3A_30] : memref<20224xf32, #tpu.memory_space<hbm>> -> memref<632xf32, #tpu.memory_space<hbm>>
      tpu.wait_dma2 semaphore(%run_scoped3A : memref<!tpu.dma_semaphore, #tpu.memory_space<semaphore_mem>>) src(%arg9 : memref<632xf32, #tpu.memory_space<vmem>>) dst(%dma_wait3A_32 : memref<632xf32, #tpu.memory_space<hbm>>)
      tpu.yield
    }) : () -> ()
    "tpu.region"() ({
      %run_scoped3A = tpu.sem_alloc : memref<!tpu.dma_semaphore, #tpu.memory_space<semaphore_mem>>
      %dma_start3A = tpu.memref_slice %arg11[%mul3A_2] : memref<10112xf32, #tpu.memory_space<vmem_shared>> -> memref<632xf32, #tpu.memory_space<vmem_shared>>
      %dma_start3A_31 = tpu.memref_slice %arg11[%mul3A_2] : memref<10112xf32, #tpu.memory_space<vmem_shared>> -> memref<632xf32, #tpu.memory_space<vmem_shared>>
      tpu.enqueue_dma source(%dma_start3A_31 : memref<632xf32, #tpu.memory_space<vmem_shared>>) target(%arg9 : memref<632xf32, #tpu.memory_space<vmem>>) target_semaphore(%run_scoped3A : memref<!tpu.dma_semaphore, #tpu.memory_space<semaphore_mem>>)
      %dma_wait3A = tpu.memref_slice %arg11[%mul3A_2] : memref<10112xf32, #tpu.memory_space<vmem_shared>> -> memref<632xf32, #tpu.memory_space<vmem_shared>>
      %dma_wait3A_32 = tpu.memref_slice %arg11[%mul3A_2] : memref<10112xf32, #tpu.memory_space<vmem_shared>> -> memref<632xf32, #tpu.memory_space<vmem_shared>>
      tpu.wait_dma2 semaphore(%run_scoped3A : memref<!tpu.dma_semaphore, #tpu.memory_space<semaphore_mem>>) src(%dma_wait3A_32 : memref<632xf32, #tpu.memory_space<vmem_shared>>) dst(%arg9 : memref<632xf32, #tpu.memory_space<vmem>>)
      tpu.yield
    }) : () -> ()
    "tpu.region"() ({
      %run_scoped3A = tpu.sem_alloc : memref<!tpu.dma_semaphore, #tpu.memory_space<semaphore_mem>>
      %dma_start3A = tpu.memref_slice %arg5[%add3A_30] : memref<20224xf32, #tpu.memory_space<hbm>> -> memref<632xf32, #tpu.memory_space<hbm>>
      %dma_start3A_31 = tpu.memref_slice %arg5[%add3A_30] : memref<20224xf32, #tpu.memory_space<hbm>> -> memref<632xf32, #tpu.memory_space<hbm>>
      tpu.enqueue_dma source(%arg9 : memref<632xf32, #tpu.memory_space<vmem>>) target(%dma_start3A_31 : memref<632xf32, #tpu.memory_space<hbm>>) target_semaphore(%run_scoped3A : memref<!tpu.dma_semaphore, #tpu.memory_space<semaphore_mem>>)
      %dma_wait3A = tpu.memref_slice %arg5[%add3A_30] : memref<20224xf32, #tpu.memory_space<hbm>> -> memref<632xf32, #tpu.memory_space<hbm>>
      %dma_wait3A_32 = tpu.memref_slice %arg5[%add3A_30] : memref<20224xf32, #tpu.memory_space<hbm>> -> memref<632xf32, #tpu.memory_space<hbm>>
      tpu.wait_dma2 semaphore(%run_scoped3A : memref<!tpu.dma_semaphore, #tpu.memory_space<semaphore_mem>>) src(%arg9 : memref<632xf32, #tpu.memory_space<vmem>>) dst(%dma_wait3A_32 : memref<632xf32, #tpu.memory_space<hbm>>)
      tpu.yield
    }) : () -> ()
    return
  }
}

#map = affine_map<(d0, d1) -> (0, 0)>
#map1 = affine_map<(d0, d1) -> (0, 0, 0)>
module attributes {stable_mosaic.version = 14 : i64} {
  func.func @scatter_kernel(%arg0: i32, %arg1: i32, %arg2: memref<2688x128xi32, #tpu.memory_space<hbm>>, %arg3: memref<2688x128xi32, #tpu.memory_space<hbm>>, %arg4: memref<10000x64xf32, #tpu.memory_space<hbm>>, %arg5: memref<2x10112x64xf32, #tpu.memory_space<hbm>>, %arg6: memref<144x128xi32, #tpu.memory_space<vmem>>, %arg7: memref<144x128xi32, #tpu.memory_space<vmem>>, %arg8: memref<128x64xf32, #tpu.memory_space<vmem>>, %arg9: memref<128x64xf32, #tpu.memory_space<vmem>>, %arg10: memref<128x64xf32, #tpu.memory_space<vmem>>, %arg11: memref<128x64xf32, #tpu.memory_space<vmem>>, %arg12: memref<10112x64xf32, #tpu.memory_space<vmem_shared>>, %arg13: memref<!tpu.dma_semaphore, #tpu.memory_space<semaphore_mem>>, %arg14: memref<!tpu.dma_semaphore, #tpu.memory_space<semaphore_mem>>, %arg15: memref<!tpu.dma_semaphore, #tpu.memory_space<semaphore_mem>>, %arg16: memref<!tpu.dma_semaphore, #tpu.memory_space<semaphore_mem>>) attributes {dimension_semantics = [#tpu.dimension_semantics<core_parallel>, #tpu.dimension_semantics<subcore_parallel>], iteration_bounds = array<i64: 2, 16>, scalar_prefetch = 0 : i64, scratch_operands = 11 : i64, tpu.core_type = #tpu.core_type<sc_vector_subcore>, window_params = [{transform_indices = #map}, {transform_indices = #map}, {transform_indices = #map}, {transform_indices = #map1}]} {
    %mul3A = arith.constant 632 : i32
    %mul3A_0 = arith.muli %arg1, %mul3A : i32
    %mul3A_1 = arith.constant -128 : i32
    %mul3A_2 = arith.muli %mul3A_1, %arg0 : i32
    %add3A = arith.constant 144 : i32
    %add3A_3 = arith.addi %add3A, %mul3A_2 : i32
    %mul3A_4 = arith.constant 16 : i32
    %mul3A_5 = arith.muli %arg0, %mul3A_4 : i32
    %mul3A_6 = arith.constant 144 : i32
    %mul3A_7 = arith.muli %mul3A_5, %mul3A_6 : i32
    %mul3A_8 = arith.muli %arg1, %add3A_3 : i32
    %add3A_9 = arith.addi %mul3A_7, %mul3A_8 : i32
    "tpu.region"() ({
      %run_scoped3A = tpu.sem_alloc : memref<!tpu.dma_semaphore, #tpu.memory_space<semaphore_mem>>
      %dma_start3A_64 = arith.constant 0 : i32
      %dma_start3A_65 = tpu.memref_slice %arg2[%add3A_9, %dma_start3A_64] : memref<2688x128xi32, #tpu.memory_space<hbm>> -> memref<144x128xi32, #tpu.memory_space<hbm>>
      %dma_start3A_66 = arith.constant 0 : i32
      %dma_start3A_67 = tpu.memref_slice %arg2[%add3A_9, %dma_start3A_66] : memref<2688x128xi32, #tpu.memory_space<hbm>> -> memref<144x128xi32, #tpu.memory_space<hbm>>
      tpu.enqueue_dma source(%dma_start3A_67 : memref<144x128xi32, #tpu.memory_space<hbm>>) target(%arg6 : memref<144x128xi32, #tpu.memory_space<vmem>>) target_semaphore(%run_scoped3A : memref<!tpu.dma_semaphore, #tpu.memory_space<semaphore_mem>>)
      %dma_wait3A = arith.constant 0 : i32
      %dma_wait3A_68 = tpu.memref_slice %arg2[%add3A_9, %dma_wait3A] : memref<2688x128xi32, #tpu.memory_space<hbm>> -> memref<144x128xi32, #tpu.memory_space<hbm>>
      %dma_wait3A_69 = arith.constant 0 : i32
      %dma_wait3A_70 = tpu.memref_slice %arg2[%add3A_9, %dma_wait3A_69] : memref<2688x128xi32, #tpu.memory_space<hbm>> -> memref<144x128xi32, #tpu.memory_space<hbm>>
      tpu.wait_dma2 semaphore(%run_scoped3A : memref<!tpu.dma_semaphore, #tpu.memory_space<semaphore_mem>>) src(%dma_wait3A_70 : memref<144x128xi32, #tpu.memory_space<hbm>>) dst(%arg6 : memref<144x128xi32, #tpu.memory_space<vmem>>)
      tpu.yield
    }) : () -> ()
    "tpu.region"() ({
      %run_scoped3A = tpu.sem_alloc : memref<!tpu.dma_semaphore, #tpu.memory_space<semaphore_mem>>
      %dma_start3A_64 = arith.constant 0 : i32
      %dma_start3A_65 = tpu.memref_slice %arg3[%add3A_9, %dma_start3A_64] : memref<2688x128xi32, #tpu.memory_space<hbm>> -> memref<144x128xi32, #tpu.memory_space<hbm>>
      %dma_start3A_66 = arith.constant 0 : i32
      %dma_start3A_67 = tpu.memref_slice %arg3[%add3A_9, %dma_start3A_66] : memref<2688x128xi32, #tpu.memory_space<hbm>> -> memref<144x128xi32, #tpu.memory_space<hbm>>
      tpu.enqueue_dma source(%dma_start3A_67 : memref<144x128xi32, #tpu.memory_space<hbm>>) target(%arg7 : memref<144x128xi32, #tpu.memory_space<vmem>>) target_semaphore(%run_scoped3A : memref<!tpu.dma_semaphore, #tpu.memory_space<semaphore_mem>>)
      %dma_wait3A = arith.constant 0 : i32
      %dma_wait3A_68 = tpu.memref_slice %arg3[%add3A_9, %dma_wait3A] : memref<2688x128xi32, #tpu.memory_space<hbm>> -> memref<144x128xi32, #tpu.memory_space<hbm>>
      %dma_wait3A_69 = arith.constant 0 : i32
      %dma_wait3A_70 = tpu.memref_slice %arg3[%add3A_9, %dma_wait3A_69] : memref<2688x128xi32, #tpu.memory_space<hbm>> -> memref<144x128xi32, #tpu.memory_space<hbm>>
      tpu.wait_dma2 semaphore(%run_scoped3A : memref<!tpu.dma_semaphore, #tpu.memory_space<semaphore_mem>>) src(%dma_wait3A_70 : memref<144x128xi32, #tpu.memory_space<hbm>>) dst(%arg7 : memref<144x128xi32, #tpu.memory_space<vmem>>)
      tpu.yield
    }) : () -> ()
    %scan3A = arith.constant 0 : i32
    %scan3A_10 = arith.constant 0 : i32
    %scan3A_11 = arith.constant 512 : i32
    %scan3A_12 = arith.addi %scan3A_10, %scan3A_11 : i32
    %scan3A_13 = arith.constant 1 : i32
    %scan3A_14 = scf.for %scan3A_64 = %scan3A_10 to %scan3A_12 step %scan3A_13 iter_args(%scan3A_65 = %scan3A) -> (i32)  : i32 {
      %jit3A = arith.constant 4 : i32
      %div3A = arith.divsi %scan3A_64, %jit3A : i32
      %sign3A = arith.constant 0 : i32
      %sign3A_66 = arith.cmpi sgt, %scan3A_64, %sign3A : i32
      %sign3A_67 = arith.extui %sign3A_66 : i1 to i32
      %sign3A_68 = arith.constant 0 : i32
      %sign3A_69 = arith.cmpi slt, %scan3A_64, %sign3A_68 : i32
      %sign3A_70 = arith.extui %sign3A_69 : i1 to i32
      %sign3A_71 = arith.subi %sign3A_67, %sign3A_70 : i32
      %sign3A_72 = arith.constant 0 : i32
      %sign3A_73 = arith.cmpi sgt, %jit3A, %sign3A_72 : i32
      %sign3A_74 = arith.extui %sign3A_73 : i1 to i32
      %sign3A_75 = arith.constant 0 : i32
      %sign3A_76 = arith.cmpi slt, %jit3A, %sign3A_75 : i32
      %sign3A_77 = arith.extui %sign3A_76 : i1 to i32
      %sign3A_78 = arith.subi %sign3A_74, %sign3A_77 : i32
      %ne3A = arith.cmpi ne, %sign3A_71, %sign3A_78 : i32
      %rem3A = arith.remsi %scan3A_64, %jit3A : i32
      %ne3A_79 = arith.constant 0 : i32
      %ne3A_80 = arith.cmpi ne, %rem3A, %ne3A_79 : i32
      %and3A = arith.andi %ne3A, %ne3A_80 : i1
      %sub3A = arith.constant 1 : i32
      %sub3A_81 = arith.subi %div3A, %sub3A : i32
      %select_n3A = arith.select %and3A, %sub3A_81, %div3A : i32
      %jit3A_82 = arith.constant 4 : i32
      %eq3A = arith.constant 0 : i32
      %eq3A_83 = arith.cmpi eq, %jit3A_82, %eq3A : i32
      %jit3A_84 = arith.constant 1 : i32
      %select_n3A_85 = arith.select %eq3A_83, %jit3A_84, %jit3A_82 : i32
      %rem3A_86 = arith.remsi %scan3A_64, %select_n3A_85 : i32
      %ne3A_87 = arith.constant 0 : i32
      %ne3A_88 = arith.cmpi ne, %rem3A_86, %ne3A_87 : i32
      %lt3A = arith.constant 0 : i32
      %lt3A_89 = arith.cmpi slt, %rem3A_86, %lt3A : i32
      %lt3A_90 = arith.constant 0 : i32
      %lt3A_91 = arith.cmpi slt, %select_n3A_85, %lt3A_90 : i32
      %ne3A_92 = arith.xori %lt3A_89, %lt3A_91 : i1
      %and3A_93 = arith.andi %ne3A_92, %ne3A_88 : i1
      %add3A_94 = arith.addi %rem3A_86, %select_n3A_85 : i32
      %select_n3A_95 = arith.select %and3A_93, %add3A_94, %rem3A_86 : i32
      %broadcast_in_dim3A = arith.constant 0.000000e+00 : f32
      %broadcast_in_dim3A_96 = vector.broadcast %broadcast_in_dim3A : f32 to vector<16xf32>
      %mul3A_97 = arith.constant 16 : i32
      %mul3A_98 = arith.muli %select_n3A_95, %mul3A_97 : i32
      %swap3A = arith.index_cast %select_n3A : i32 to index
      %swap3A_99 = arith.index_cast %mul3A_98 : i32 to index
      %swap3A_100 = tpu.vector_load %arg8[%swap3A, %swap3A_99] {strides = array<i32>} : memref<128x64xf32, #tpu.memory_space<vmem>>, vector<1x16xf32>,
      %swap3A_101 = vector.shape_cast %swap3A_100 : vector<1x16xf32> to vector<16xf32>
      %swap3A_102 = vector.shape_cast %broadcast_in_dim3A_96 : vector<16xf32> to vector<1x16xf32>
      tpu.vector_store %arg8[%swap3A, %swap3A_99], %swap3A_102 {strides = array<i32>} : memref<128x64xf32, #tpu.memory_space<vmem>>, vector<1x16xf32>,
      %scan3A_103 = arith.constant 0 : i32
      scf.yield %scan3A_103 : i32
    }
    %scan3A_15 = arith.constant 512 : i32
    %add3A_16 = arith.constant 0 : i32
    %add3A_17 = arith.addi %mul3A_0, %add3A_16 : i32
    "tpu.region"() ({
      %run_scoped3A = tpu.sem_alloc : memref<!tpu.dma_semaphore, #tpu.memory_space<semaphore_mem>>
      %dma_start3A_64 = arith.constant 0 : i32
      %dma_start3A_65 = tpu.memref_slice %arg12[%add3A_17, %dma_start3A_64] : memref<10112x64xf32, #tpu.memory_space<vmem_shared>> -> memref<128x64xf32, #tpu.memory_space<vmem_shared>>
      %dma_start3A_66 = arith.constant 0 : i32
      %dma_start3A_67 = tpu.memref_slice %arg12[%add3A_17, %dma_start3A_66] : memref<10112x64xf32, #tpu.memory_space<vmem_shared>> -> memref<128x64xf32, #tpu.memory_space<vmem_shared>>
      tpu.enqueue_dma source(%arg8 : memref<128x64xf32, #tpu.memory_space<vmem>>) target(%dma_start3A_67 : memref<128x64xf32, #tpu.memory_space<vmem_shared>>) target_semaphore(%run_scoped3A : memref<!tpu.dma_semaphore, #tpu.memory_space<semaphore_mem>>)
      %dma_wait3A = arith.constant 0 : i32
      %dma_wait3A_68 = tpu.memref_slice %arg12[%add3A_17, %dma_wait3A] : memref<10112x64xf32, #tpu.memory_space<vmem_shared>> -> memref<128x64xf32, #tpu.memory_space<vmem_shared>>
      %dma_wait3A_69 = arith.constant 0 : i32
      %dma_wait3A_70 = tpu.memref_slice %arg12[%add3A_17, %dma_wait3A_69] : memref<10112x64xf32, #tpu.memory_space<vmem_shared>> -> memref<128x64xf32, #tpu.memory_space<vmem_shared>>
      tpu.wait_dma2 semaphore(%run_scoped3A : memref<!tpu.dma_semaphore, #tpu.memory_space<semaphore_mem>>) src(%arg8 : memref<128x64xf32, #tpu.memory_space<vmem>>) dst(%dma_wait3A_70 : memref<128x64xf32, #tpu.memory_space<vmem_shared>>)
      tpu.yield
    }) : () -> ()
    %add3A_18 = arith.constant 128 : i32
    %add3A_19 = arith.addi %mul3A_0, %add3A_18 : i32
    "tpu.region"() ({
      %run_scoped3A = tpu.sem_alloc : memref<!tpu.dma_semaphore, #tpu.memory_space<semaphore_mem>>
      %dma_start3A_64 = arith.constant 0 : i32
      %dma_start3A_65 = tpu.memref_slice %arg12[%add3A_19, %dma_start3A_64] : memref<10112x64xf32, #tpu.memory_space<vmem_shared>> -> memref<128x64xf32, #tpu.memory_space<vmem_shared>>
      %dma_start3A_66 = arith.constant 0 : i32
      %dma_start3A_67 = tpu.memref_slice %arg12[%add3A_19, %dma_start3A_66] : memref<10112x64xf32, #tpu.memory_space<vmem_shared>> -> memref<128x64xf32, #tpu.memory_space<vmem_shared>>
      tpu.enqueue_dma source(%arg8 : memref<128x64xf32, #tpu.memory_space<vmem>>) target(%dma_start3A_67 : memref<128x64xf32, #tpu.memory_space<vmem_shared>>) target_semaphore(%run_scoped3A : memref<!tpu.dma_semaphore, #tpu.memory_space<semaphore_mem>>)
      %dma_wait3A = arith.constant 0 : i32
      %dma_wait3A_68 = tpu.memref_slice %arg12[%add3A_19, %dma_wait3A] : memref<10112x64xf32, #tpu.memory_space<vmem_shared>> -> memref<128x64xf32, #tpu.memory_space<vmem_shared>>
      %dma_wait3A_69 = arith.constant 0 : i32
      %dma_wait3A_70 = tpu.memref_slice %arg12[%add3A_19, %dma_wait3A_69] : memref<10112x64xf32, #tpu.memory_space<vmem_shared>> -> memref<128x64xf32, #tpu.memory_space<vmem_shared>>
      tpu.wait_dma2 semaphore(%run_scoped3A : memref<!tpu.dma_semaphore, #tpu.memory_space<semaphore_mem>>) src(%arg8 : memref<128x64xf32, #tpu.memory_space<vmem>>) dst(%dma_wait3A_70 : memref<128x64xf32, #tpu.memory_space<vmem_shared>>)
      tpu.yield
    }) : () -> ()
    %add3A_20 = arith.constant 256 : i32
    %add3A_21 = arith.addi %mul3A_0, %add3A_20 : i32
    "tpu.region"() ({
      %run_scoped3A = tpu.sem_alloc : memref<!tpu.dma_semaphore, #tpu.memory_space<semaphore_mem>>
      %dma_start3A_64 = arith.constant 0 : i32
      %dma_start3A_65 = tpu.memref_slice %arg12[%add3A_21, %dma_start3A_64] : memref<10112x64xf32, #tpu.memory_space<vmem_shared>> -> memref<128x64xf32, #tpu.memory_space<vmem_shared>>
      %dma_start3A_66 = arith.constant 0 : i32
      %dma_start3A_67 = tpu.memref_slice %arg12[%add3A_21, %dma_start3A_66] : memref<10112x64xf32, #tpu.memory_space<vmem_shared>> -> memref<128x64xf32, #tpu.memory_space<vmem_shared>>
      tpu.enqueue_dma source(%arg8 : memref<128x64xf32, #tpu.memory_space<vmem>>) target(%dma_start3A_67 : memref<128x64xf32, #tpu.memory_space<vmem_shared>>) target_semaphore(%run_scoped3A : memref<!tpu.dma_semaphore, #tpu.memory_space<semaphore_mem>>)
      %dma_wait3A = arith.constant 0 : i32
      %dma_wait3A_68 = tpu.memref_slice %arg12[%add3A_21, %dma_wait3A] : memref<10112x64xf32, #tpu.memory_space<vmem_shared>> -> memref<128x64xf32, #tpu.memory_space<vmem_shared>>
      %dma_wait3A_69 = arith.constant 0 : i32
      %dma_wait3A_70 = tpu.memref_slice %arg12[%add3A_21, %dma_wait3A_69] : memref<10112x64xf32, #tpu.memory_space<vmem_shared>> -> memref<128x64xf32, #tpu.memory_space<vmem_shared>>
      tpu.wait_dma2 semaphore(%run_scoped3A : memref<!tpu.dma_semaphore, #tpu.memory_space<semaphore_mem>>) src(%arg8 : memref<128x64xf32, #tpu.memory_space<vmem>>) dst(%dma_wait3A_70 : memref<128x64xf32, #tpu.memory_space<vmem_shared>>)
      tpu.yield
    }) : () -> ()
    %add3A_22 = arith.constant 384 : i32
    %add3A_23 = arith.addi %mul3A_0, %add3A_22 : i32
    "tpu.region"() ({
      %run_scoped3A = tpu.sem_alloc : memref<!tpu.dma_semaphore, #tpu.memory_space<semaphore_mem>>
      %dma_start3A_64 = arith.constant 0 : i32
      %dma_start3A_65 = tpu.memref_slice %arg12[%add3A_23, %dma_start3A_64] : memref<10112x64xf32, #tpu.memory_space<vmem_shared>> -> memref<128x64xf32, #tpu.memory_space<vmem_shared>>
      %dma_start3A_66 = arith.constant 0 : i32
      %dma_start3A_67 = tpu.memref_slice %arg12[%add3A_23, %dma_start3A_66] : memref<10112x64xf32, #tpu.memory_space<vmem_shared>> -> memref<128x64xf32, #tpu.memory_space<vmem_shared>>
      tpu.enqueue_dma source(%arg8 : memref<128x64xf32, #tpu.memory_space<vmem>>) target(%dma_start3A_67 : memref<128x64xf32, #tpu.memory_space<vmem_shared>>) target_semaphore(%run_scoped3A : memref<!tpu.dma_semaphore, #tpu.memory_space<semaphore_mem>>)
      %dma_wait3A = arith.constant 0 : i32
      %dma_wait3A_68 = tpu.memref_slice %arg12[%add3A_23, %dma_wait3A] : memref<10112x64xf32, #tpu.memory_space<vmem_shared>> -> memref<128x64xf32, #tpu.memory_space<vmem_shared>>
      %dma_wait3A_69 = arith.constant 0 : i32
      %dma_wait3A_70 = tpu.memref_slice %arg12[%add3A_23, %dma_wait3A_69] : memref<10112x64xf32, #tpu.memory_space<vmem_shared>> -> memref<128x64xf32, #tpu.memory_space<vmem_shared>>
      tpu.wait_dma2 semaphore(%run_scoped3A : memref<!tpu.dma_semaphore, #tpu.memory_space<semaphore_mem>>) src(%arg8 : memref<128x64xf32, #tpu.memory_space<vmem>>) dst(%dma_wait3A_70 : memref<128x64xf32, #tpu.memory_space<vmem_shared>>)
      tpu.yield
    }) : () -> ()
    %add3A_24 = arith.constant 512 : i32
    %add3A_25 = arith.addi %mul3A_0, %add3A_24 : i32
    "tpu.region"() ({
      %run_scoped3A = tpu.sem_alloc : memref<!tpu.dma_semaphore, #tpu.memory_space<semaphore_mem>>
      %dma_start3A_64 = arith.constant 0 : i32
      %dma_start3A_65 = arith.constant 0 : i32
      %dma_start3A_66 = tpu.memref_slice %arg8[%dma_start3A_64, %dma_start3A_65] : memref<128x64xf32, #tpu.memory_space<vmem>> -> memref<120x64xf32, #tpu.memory_space<vmem>>
      %dma_start3A_67 = arith.constant 0 : i32
      %dma_start3A_68 = tpu.memref_slice %arg12[%add3A_25, %dma_start3A_67] : memref<10112x64xf32, #tpu.memory_space<vmem_shared>> -> memref<120x64xf32, #tpu.memory_space<vmem_shared>>
      %dma_start3A_69 = arith.constant 0 : i32
      %dma_start3A_70 = tpu.memref_slice %arg12[%add3A_25, %dma_start3A_69] : memref<10112x64xf32, #tpu.memory_space<vmem_shared>> -> memref<120x64xf32, #tpu.memory_space<vmem_shared>>
      %dma_start3A_71 = arith.constant 0 : i32
      %dma_start3A_72 = arith.constant 0 : i32
      %dma_start3A_73 = tpu.memref_slice %arg8[%dma_start3A_71, %dma_start3A_72] : memref<128x64xf32, #tpu.memory_space<vmem>> -> memref<120x64xf32, #tpu.memory_space<vmem>>
      tpu.enqueue_dma source(%dma_start3A_73 : memref<120x64xf32, #tpu.memory_space<vmem>>) target(%dma_start3A_70 : memref<120x64xf32, #tpu.memory_space<vmem_shared>>) target_semaphore(%run_scoped3A : memref<!tpu.dma_semaphore, #tpu.memory_space<semaphore_mem>>)
      %dma_wait3A = arith.constant 0 : i32
      %dma_wait3A_74 = arith.constant 0 : i32
      %dma_wait3A_75 = tpu.memref_slice %arg8[%dma_wait3A, %dma_wait3A_74] : memref<128x64xf32, #tpu.memory_space<vmem>> -> memref<120x64xf32, #tpu.memory_space<vmem>>
      %dma_wait3A_76 = arith.constant 0 : i32
      %dma_wait3A_77 = tpu.memref_slice %arg12[%add3A_25, %dma_wait3A_76] : memref<10112x64xf32, #tpu.memory_space<vmem_shared>> -> memref<120x64xf32, #tpu.memory_space<vmem_shared>>
      %dma_wait3A_78 = arith.constant 0 : i32
      %dma_wait3A_79 = tpu.memref_slice %arg12[%add3A_25, %dma_wait3A_78] : memref<10112x64xf32, #tpu.memory_space<vmem_shared>> -> memref<120x64xf32, #tpu.memory_space<vmem_shared>>
      %dma_wait3A_80 = arith.constant 0 : i32
      %dma_wait3A_81 = arith.constant 0 : i32
      %dma_wait3A_82 = tpu.memref_slice %arg8[%dma_wait3A_80, %dma_wait3A_81] : memref<128x64xf32, #tpu.memory_space<vmem>> -> memref<120x64xf32, #tpu.memory_space<vmem>>
      tpu.wait_dma2 semaphore(%run_scoped3A : memref<!tpu.dma_semaphore, #tpu.memory_space<semaphore_mem>>) src(%dma_wait3A_82 : memref<120x64xf32, #tpu.memory_space<vmem>>) dst(%dma_wait3A_79 : memref<120x64xf32, #tpu.memory_space<vmem_shared>>)
      tpu.yield
    }) : () -> ()
    %barrier3A = arith.constant 0 : index
    tpu.barrier barrier_id(%barrier3A)
    %dma_start3A = arith.constant 0 : i32
    %dma_start3A_26 = arith.constant 0 : i32
    %dma_start3A_27 = tpu.memref_slice %arg6[%dma_start3A, %dma_start3A_26] : memref<144x128xi32, #tpu.memory_space<vmem>> -> memref<1x128xi32, #tpu.memory_space<vmem>>
    %dma_start3A_28 = tpu.memref_squeeze %dma_start3A_27 : memref<1x128xi32, #tpu.memory_space<vmem>> -> memref<128xi32, #tpu.memory_space<vmem>>
    %dma_start3A_29 = arith.constant 0 : i32
    %dma_start3A_30 = arith.constant 0 : i32
    %dma_start3A_31 = tpu.memref_slice %arg4[%dma_start3A_29, %dma_start3A_30] : memref<10000x64xf32, #tpu.memory_space<hbm>> -> memref<10000x64xf32, #tpu.memory_space<hbm>>
    tpu.enqueue_indirect_dma source(%dma_start3A_31 : memref<10000x64xf32, #tpu.memory_space<hbm>>) target(%arg8 : memref<128x64xf32, #tpu.memory_space<vmem>>) offsets(%dma_start3A_28 : memref<128xi32, #tpu.memory_space<vmem>>) semaphore(%arg13 : memref<!tpu.dma_semaphore, #tpu.memory_space<semaphore_mem>>)
    %dma_start3A_32 = arith.constant 1 : i32
    %dma_start3A_33 = arith.constant 0 : i32
    %dma_start3A_34 = tpu.memref_slice %arg6[%dma_start3A_32, %dma_start3A_33] : memref<144x128xi32, #tpu.memory_space<vmem>> -> memref<1x128xi32, #tpu.memory_space<vmem>>
    %dma_start3A_35 = tpu.memref_squeeze %dma_start3A_34 : memref<1x128xi32, #tpu.memory_space<vmem>> -> memref<128xi32, #tpu.memory_space<vmem>>
    %dma_start3A_36 = arith.constant 0 : i32
    %dma_start3A_37 = arith.constant 0 : i32
    %dma_start3A_38 = tpu.memref_slice %arg4[%dma_start3A_36, %dma_start3A_37] : memref<10000x64xf32, #tpu.memory_space<hbm>> -> memref<10000x64xf32, #tpu.memory_space<hbm>>
    tpu.enqueue_indirect_dma source(%dma_start3A_38 : memref<10000x64xf32, #tpu.memory_space<hbm>>) target(%arg9 : memref<128x64xf32, #tpu.memory_space<vmem>>) offsets(%dma_start3A_35 : memref<128xi32, #tpu.memory_space<vmem>>) semaphore(%arg14 : memref<!tpu.dma_semaphore, #tpu.memory_space<semaphore_mem>>)
    %dma_start3A_39 = arith.constant 2 : i32
    %dma_start3A_40 = arith.constant 0 : i32
    %dma_start3A_41 = tpu.memref_slice %arg6[%dma_start3A_39, %dma_start3A_40] : memref<144x128xi32, #tpu.memory_space<vmem>> -> memref<1x128xi32, #tpu.memory_space<vmem>>
    %dma_start3A_42 = tpu.memref_squeeze %dma_start3A_41 : memref<1x128xi32, #tpu.memory_space<vmem>> -> memref<128xi32, #tpu.memory_space<vmem>>
    %dma_start3A_43 = arith.constant 0 : i32
    %dma_start3A_44 = arith.constant 0 : i32
    %dma_start3A_45 = tpu.memref_slice %arg4[%dma_start3A_43, %dma_start3A_44] : memref<10000x64xf32, #tpu.memory_space<hbm>> -> memref<10000x64xf32, #tpu.memory_space<hbm>>
    tpu.enqueue_indirect_dma source(%dma_start3A_45 : memref<10000x64xf32, #tpu.memory_space<hbm>>) target(%arg10 : memref<128x64xf32, #tpu.memory_space<vmem>>) offsets(%dma_start3A_42 : memref<128xi32, #tpu.memory_space<vmem>>) semaphore(%arg15 : memref<!tpu.dma_semaphore, #tpu.memory_space<semaphore_mem>>)
    %scan3A_46 = arith.constant 0 : i32
    %scan3A_47 = arith.constant 0 : i32
    %scan3A_48 = arith.constant 36 : i32
    %scan3A_49 = arith.addi %scan3A_47, %scan3A_48 : i32
    %scan3A_50 = arith.constant 1 : i32
    %scan3A_51 = scf.for %scan3A_64 = %scan3A_47 to %scan3A_49 step %scan3A_50 iter_args(%scan3A_65 = %scan3A_46) -> (i32)  : i32 {
      %mul3A_66 = arith.constant 4 : i32
      %mul3A_67 = arith.muli %scan3A_64, %mul3A_66 : i32
      %add3A_68 = arith.constant 0 : i32
      %add3A_69 = arith.addi %mul3A_67, %add3A_68 : i32
      %lt3A = arith.cmpi slt, %add3A_69, %add3A_3 : i32
      %convert_element_type3A = arith.extui %lt3A : i1 to i32
      %cond3A = arith.constant 0 : i32
      %cond3A_70 = arith.cmpi ne, %convert_element_type3A, %cond3A : i32
      scf.if %cond3A_70 {
        %dma_wait3A = arith.constant 0 : i32
        %dma_wait3A_127 = tpu.memref_slice %arg6[%add3A_69, %dma_wait3A] : memref<144x128xi32, #tpu.memory_space<vmem>> -> memref<1x128xi32, #tpu.memory_space<vmem>>
        %dma_wait3A_128 = tpu.memref_squeeze %dma_wait3A_127 : memref<1x128xi32, #tpu.memory_space<vmem>> -> memref<128xi32, #tpu.memory_space<vmem>>
        %dma_wait3A_129 = arith.constant 0 : i32
        %dma_wait3A_130 = arith.constant 0 : i32
        %dma_wait3A_131 = tpu.memref_slice %arg4[%dma_wait3A_129, %dma_wait3A_130] : memref<10000x64xf32, #tpu.memory_space<hbm>> -> memref<10000x64xf32, #tpu.memory_space<hbm>>
        tpu.wait_indirect_dma semaphore(%arg13 : memref<!tpu.dma_semaphore, #tpu.memory_space<semaphore_mem>>) src(%dma_wait3A_131 : memref<10000x64xf32, #tpu.memory_space<hbm>>) dst(%arg8 : memref<128x64xf32, #tpu.memory_space<vmem>>)
        "tpu.region"() ({
          %run_scoped3A = tpu.sem_alloc : memref<!tpu.dma_semaphore, #tpu.memory_space<semaphore_mem>>
          %dma_start3A_132 = arith.constant 0 : i32
          %dma_start3A_133 = tpu.memref_slice %arg7[%add3A_69, %dma_start3A_132] : memref<144x128xi32, #tpu.memory_space<vmem>> -> memref<1x128xi32, #tpu.memory_space<vmem>>
          %dma_start3A_134 = tpu.memref_squeeze %dma_start3A_133 : memref<1x128xi32, #tpu.memory_space<vmem>> -> memref<128xi32, #tpu.memory_space<vmem>>
          %dma_start3A_135 = arith.constant 0 : i32
          %dma_start3A_136 = arith.constant 0 : i32
          %dma_start3A_137 = tpu.memref_slice %arg12[%dma_start3A_135, %dma_start3A_136] : memref<10112x64xf32, #tpu.memory_space<vmem_shared>> -> memref<10112x64xf32, #tpu.memory_space<vmem_shared>>
          tpu.enqueue_indirect_dma source(%arg8 : memref<128x64xf32, #tpu.memory_space<vmem>>) target(%dma_start3A_137 : memref<10112x64xf32, #tpu.memory_space<vmem_shared>>) offsets(%dma_start3A_134 : memref<128xi32, #tpu.memory_space<vmem>>) semaphore(%run_scoped3A : memref<!tpu.dma_semaphore, #tpu.memory_space<semaphore_mem>>) {add = true}
          %dma_wait3A_138 = arith.constant 0 : i32
          %dma_wait3A_139 = tpu.memref_slice %arg7[%add3A_69, %dma_wait3A_138] : memref<144x128xi32, #tpu.memory_space<vmem>> -> memref<1x128xi32, #tpu.memory_space<vmem>>
          %dma_wait3A_140 = tpu.memref_squeeze %dma_wait3A_139 : memref<1x128xi32, #tpu.memory_space<vmem>> -> memref<128xi32, #tpu.memory_space<vmem>>
          %dma_wait3A_141 = arith.constant 0 : i32
          %dma_wait3A_142 = arith.constant 0 : i32
          %dma_wait3A_143 = tpu.memref_slice %arg12[%dma_wait3A_141, %dma_wait3A_142] : memref<10112x64xf32, #tpu.memory_space<vmem_shared>> -> memref<10112x64xf32, #tpu.memory_space<vmem_shared>>
          tpu.wait_indirect_dma semaphore(%run_scoped3A : memref<!tpu.dma_semaphore, #tpu.memory_space<semaphore_mem>>) src(%arg8 : memref<128x64xf32, #tpu.memory_space<vmem>>) dst(%dma_wait3A_143 : memref<10112x64xf32, #tpu.memory_space<vmem_shared>>)
          tpu.yield
        }) : () -> ()
      } else {
      }
      %add3A_71 = arith.constant 4 : i32
      %add3A_72 = arith.addi %add3A_69, %add3A_71 : i32
      %sub3A = arith.constant 1 : i32
      %sub3A_73 = arith.subi %add3A_72, %sub3A : i32
      %lt3A_74 = arith.cmpi slt, %sub3A_73, %add3A_3 : i32
      %convert_element_type3A_75 = arith.extui %lt3A_74 : i1 to i32
      %cond3A_76 = arith.constant 0 : i32
      %cond3A_77 = arith.cmpi ne, %convert_element_type3A_75, %cond3A_76 : i32
      scf.if %cond3A_77 {
        %dma_start3A_127 = arith.constant 0 : i32
        %dma_start3A_128 = tpu.memref_slice %arg6[%sub3A_73, %dma_start3A_127] : memref<144x128xi32, #tpu.memory_space<vmem>> -> memref<1x128xi32, #tpu.memory_space<vmem>>
        %dma_start3A_129 = tpu.memref_squeeze %dma_start3A_128 : memref<1x128xi32, #tpu.memory_space<vmem>> -> memref<128xi32, #tpu.memory_space<vmem>>
        %dma_start3A_130 = arith.constant 0 : i32
        %dma_start3A_131 = arith.constant 0 : i32
        %dma_start3A_132 = tpu.memref_slice %arg4[%dma_start3A_130, %dma_start3A_131] : memref<10000x64xf32, #tpu.memory_space<hbm>> -> memref<10000x64xf32, #tpu.memory_space<hbm>>
        tpu.enqueue_indirect_dma source(%dma_start3A_132 : memref<10000x64xf32, #tpu.memory_space<hbm>>) target(%arg11 : memref<128x64xf32, #tpu.memory_space<vmem>>) offsets(%dma_start3A_129 : memref<128xi32, #tpu.memory_space<vmem>>) semaphore(%arg16 : memref<!tpu.dma_semaphore, #tpu.memory_space<semaphore_mem>>)
      } else {
      }
      %mul3A_78 = arith.constant 4 : i32
      %mul3A_79 = arith.muli %scan3A_64, %mul3A_78 : i32
      %add3A_80 = arith.constant 1 : i32
      %add3A_81 = arith.addi %mul3A_79, %add3A_80 : i32
      %lt3A_82 = arith.cmpi slt, %add3A_81, %add3A_3 : i32
      %convert_element_type3A_83 = arith.extui %lt3A_82 : i1 to i32
      %cond3A_84 = arith.constant 0 : i32
      %cond3A_85 = arith.cmpi ne, %convert_element_type3A_83, %cond3A_84 : i32
      scf.if %cond3A_85 {
        %dma_wait3A = arith.constant 0 : i32
        %dma_wait3A_127 = tpu.memref_slice %arg6[%add3A_81, %dma_wait3A] : memref<144x128xi32, #tpu.memory_space<vmem>> -> memref<1x128xi32, #tpu.memory_space<vmem>>
        %dma_wait3A_128 = tpu.memref_squeeze %dma_wait3A_127 : memref<1x128xi32, #tpu.memory_space<vmem>> -> memref<128xi32, #tpu.memory_space<vmem>>
        %dma_wait3A_129 = arith.constant 0 : i32
        %dma_wait3A_130 = arith.constant 0 : i32
        %dma_wait3A_131 = tpu.memref_slice %arg4[%dma_wait3A_129, %dma_wait3A_130] : memref<10000x64xf32, #tpu.memory_space<hbm>> -> memref<10000x64xf32, #tpu.memory_space<hbm>>
        tpu.wait_indirect_dma semaphore(%arg14 : memref<!tpu.dma_semaphore, #tpu.memory_space<semaphore_mem>>) src(%dma_wait3A_131 : memref<10000x64xf32, #tpu.memory_space<hbm>>) dst(%arg9 : memref<128x64xf32, #tpu.memory_space<vmem>>)
        "tpu.region"() ({
          %run_scoped3A = tpu.sem_alloc : memref<!tpu.dma_semaphore, #tpu.memory_space<semaphore_mem>>
          %dma_start3A_132 = arith.constant 0 : i32
          %dma_start3A_133 = tpu.memref_slice %arg7[%add3A_81, %dma_start3A_132] : memref<144x128xi32, #tpu.memory_space<vmem>> -> memref<1x128xi32, #tpu.memory_space<vmem>>
          %dma_start3A_134 = tpu.memref_squeeze %dma_start3A_133 : memref<1x128xi32, #tpu.memory_space<vmem>> -> memref<128xi32, #tpu.memory_space<vmem>>
          %dma_start3A_135 = arith.constant 0 : i32
          %dma_start3A_136 = arith.constant 0 : i32
          %dma_start3A_137 = tpu.memref_slice %arg12[%dma_start3A_135, %dma_start3A_136] : memref<10112x64xf32, #tpu.memory_space<vmem_shared>> -> memref<10112x64xf32, #tpu.memory_space<vmem_shared>>
          tpu.enqueue_indirect_dma source(%arg9 : memref<128x64xf32, #tpu.memory_space<vmem>>) target(%dma_start3A_137 : memref<10112x64xf32, #tpu.memory_space<vmem_shared>>) offsets(%dma_start3A_134 : memref<128xi32, #tpu.memory_space<vmem>>) semaphore(%run_scoped3A : memref<!tpu.dma_semaphore, #tpu.memory_space<semaphore_mem>>) {add = true}
          %dma_wait3A_138 = arith.constant 0 : i32
          %dma_wait3A_139 = tpu.memref_slice %arg7[%add3A_81, %dma_wait3A_138] : memref<144x128xi32, #tpu.memory_space<vmem>> -> memref<1x128xi32, #tpu.memory_space<vmem>>
          %dma_wait3A_140 = tpu.memref_squeeze %dma_wait3A_139 : memref<1x128xi32, #tpu.memory_space<vmem>> -> memref<128xi32, #tpu.memory_space<vmem>>
          %dma_wait3A_141 = arith.constant 0 : i32
          %dma_wait3A_142 = arith.constant 0 : i32
          %dma_wait3A_143 = tpu.memref_slice %arg12[%dma_wait3A_141, %dma_wait3A_142] : memref<10112x64xf32, #tpu.memory_space<vmem_shared>> -> memref<10112x64xf32, #tpu.memory_space<vmem_shared>>
          tpu.wait_indirect_dma semaphore(%run_scoped3A : memref<!tpu.dma_semaphore, #tpu.memory_space<semaphore_mem>>) src(%arg9 : memref<128x64xf32, #tpu.memory_space<vmem>>) dst(%dma_wait3A_143 : memref<10112x64xf32, #tpu.memory_space<vmem_shared>>)
          tpu.yield
        }) : () -> ()
      } else {
      }
      %add3A_86 = arith.constant 4 : i32
      %add3A_87 = arith.addi %add3A_81, %add3A_86 : i32
      %sub3A_88 = arith.constant 1 : i32
      %sub3A_89 = arith.subi %add3A_87, %sub3A_88 : i32
      %lt3A_90 = arith.cmpi slt, %sub3A_89, %add3A_3 : i32
      %convert_element_type3A_91 = arith.extui %lt3A_90 : i1 to i32
      %cond3A_92 = arith.constant 0 : i32
      %cond3A_93 = arith.cmpi ne, %convert_element_type3A_91, %cond3A_92 : i32
      scf.if %cond3A_93 {
        %dma_start3A_127 = arith.constant 0 : i32
        %dma_start3A_128 = tpu.memref_slice %arg6[%sub3A_89, %dma_start3A_127] : memref<144x128xi32, #tpu.memory_space<vmem>> -> memref<1x128xi32, #tpu.memory_space<vmem>>
        %dma_start3A_129 = tpu.memref_squeeze %dma_start3A_128 : memref<1x128xi32, #tpu.memory_space<vmem>> -> memref<128xi32, #tpu.memory_space<vmem>>
        %dma_start3A_130 = arith.constant 0 : i32
        %dma_start3A_131 = arith.constant 0 : i32
        %dma_start3A_132 = tpu.memref_slice %arg4[%dma_start3A_130, %dma_start3A_131] : memref<10000x64xf32, #tpu.memory_space<hbm>> -> memref<10000x64xf32, #tpu.memory_space<hbm>>
        tpu.enqueue_indirect_dma source(%dma_start3A_132 : memref<10000x64xf32, #tpu.memory_space<hbm>>) target(%arg8 : memref<128x64xf32, #tpu.memory_space<vmem>>) offsets(%dma_start3A_129 : memref<128xi32, #tpu.memory_space<vmem>>) semaphore(%arg13 : memref<!tpu.dma_semaphore, #tpu.memory_space<semaphore_mem>>)
      } else {
      }
      %mul3A_94 = arith.constant 4 : i32
      %mul3A_95 = arith.muli %scan3A_64, %mul3A_94 : i32
      %add3A_96 = arith.constant 2 : i32
      %add3A_97 = arith.addi %mul3A_95, %add3A_96 : i32
      %lt3A_98 = arith.cmpi slt, %add3A_97, %add3A_3 : i32
      %convert_element_type3A_99 = arith.extui %lt3A_98 : i1 to i32
      %cond3A_100 = arith.constant 0 : i32
      %cond3A_101 = arith.cmpi ne, %convert_element_type3A_99, %cond3A_100 : i32
      scf.if %cond3A_101 {
        %dma_wait3A = arith.constant 0 : i32
        %dma_wait3A_127 = tpu.memref_slice %arg6[%add3A_97, %dma_wait3A] : memref<144x128xi32, #tpu.memory_space<vmem>> -> memref<1x128xi32, #tpu.memory_space<vmem>>
        %dma_wait3A_128 = tpu.memref_squeeze %dma_wait3A_127 : memref<1x128xi32, #tpu.memory_space<vmem>> -> memref<128xi32, #tpu.memory_space<vmem>>
        %dma_wait3A_129 = arith.constant 0 : i32
        %dma_wait3A_130 = arith.constant 0 : i32
        %dma_wait3A_131 = tpu.memref_slice %arg4[%dma_wait3A_129, %dma_wait3A_130] : memref<10000x64xf32, #tpu.memory_space<hbm>> -> memref<10000x64xf32, #tpu.memory_space<hbm>>
        tpu.wait_indirect_dma semaphore(%arg15 : memref<!tpu.dma_semaphore, #tpu.memory_space<semaphore_mem>>) src(%dma_wait3A_131 : memref<10000x64xf32, #tpu.memory_space<hbm>>) dst(%arg10 : memref<128x64xf32, #tpu.memory_space<vmem>>)
        "tpu.region"() ({
          %run_scoped3A = tpu.sem_alloc : memref<!tpu.dma_semaphore, #tpu.memory_space<semaphore_mem>>
          %dma_start3A_132 = arith.constant 0 : i32
          %dma_start3A_133 = tpu.memref_slice %arg7[%add3A_97, %dma_start3A_132] : memref<144x128xi32, #tpu.memory_space<vmem>> -> memref<1x128xi32, #tpu.memory_space<vmem>>
          %dma_start3A_134 = tpu.memref_squeeze %dma_start3A_133 : memref<1x128xi32, #tpu.memory_space<vmem>> -> memref<128xi32, #tpu.memory_space<vmem>>
          %dma_start3A_135 = arith.constant 0 : i32
          %dma_start3A_136 = arith.constant 0 : i32
          %dma_start3A_137 = tpu.memref_slice %arg12[%dma_start3A_135, %dma_start3A_136] : memref<10112x64xf32, #tpu.memory_space<vmem_shared>> -> memref<10112x64xf32, #tpu.memory_space<vmem_shared>>
          tpu.enqueue_indirect_dma source(%arg10 : memref<128x64xf32, #tpu.memory_space<vmem>>) target(%dma_start3A_137 : memref<10112x64xf32, #tpu.memory_space<vmem_shared>>) offsets(%dma_start3A_134 : memref<128xi32, #tpu.memory_space<vmem>>) semaphore(%run_scoped3A : memref<!tpu.dma_semaphore, #tpu.memory_space<semaphore_mem>>) {add = true}
          %dma_wait3A_138 = arith.constant 0 : i32
          %dma_wait3A_139 = tpu.memref_slice %arg7[%add3A_97, %dma_wait3A_138] : memref<144x128xi32, #tpu.memory_space<vmem>> -> memref<1x128xi32, #tpu.memory_space<vmem>>
          %dma_wait3A_140 = tpu.memref_squeeze %dma_wait3A_139 : memref<1x128xi32, #tpu.memory_space<vmem>> -> memref<128xi32, #tpu.memory_space<vmem>>
          %dma_wait3A_141 = arith.constant 0 : i32
          %dma_wait3A_142 = arith.constant 0 : i32
          %dma_wait3A_143 = tpu.memref_slice %arg12[%dma_wait3A_141, %dma_wait3A_142] : memref<10112x64xf32, #tpu.memory_space<vmem_shared>> -> memref<10112x64xf32, #tpu.memory_space<vmem_shared>>
          tpu.wait_indirect_dma semaphore(%run_scoped3A : memref<!tpu.dma_semaphore, #tpu.memory_space<semaphore_mem>>) src(%arg10 : memref<128x64xf32, #tpu.memory_space<vmem>>) dst(%dma_wait3A_143 : memref<10112x64xf32, #tpu.memory_space<vmem_shared>>)
          tpu.yield
        }) : () -> ()
      } else {
      }
      %add3A_102 = arith.constant 4 : i32
      %add3A_103 = arith.addi %add3A_97, %add3A_102 : i32
      %sub3A_104 = arith.constant 1 : i32
      %sub3A_105 = arith.subi %add3A_103, %sub3A_104 : i32
      %lt3A_106 = arith.cmpi slt, %sub3A_105, %add3A_3 : i32
      %convert_element_type3A_107 = arith.extui %lt3A_106 : i1 to i32
      %cond3A_108 = arith.constant 0 : i32
      %cond3A_109 = arith.cmpi ne, %convert_element_type3A_107, %cond3A_108 : i32
      scf.if %cond3A_109 {
        %dma_start3A_127 = arith.constant 0 : i32
        %dma_start3A_128 = tpu.memref_slice %arg6[%sub3A_105, %dma_start3A_127] : memref<144x128xi32, #tpu.memory_space<vmem>> -> memref<1x128xi32, #tpu.memory_space<vmem>>
        %dma_start3A_129 = tpu.memref_squeeze %dma_start3A_128 : memref<1x128xi32, #tpu.memory_space<vmem>> -> memref<128xi32, #tpu.memory_space<vmem>>
        %dma_start3A_130 = arith.constant 0 : i32
        %dma_start3A_131 = arith.constant 0 : i32
        %dma_start3A_132 = tpu.memref_slice %arg4[%dma_start3A_130, %dma_start3A_131] : memref<10000x64xf32, #tpu.memory_space<hbm>> -> memref<10000x64xf32, #tpu.memory_space<hbm>>
        tpu.enqueue_indirect_dma source(%dma_start3A_132 : memref<10000x64xf32, #tpu.memory_space<hbm>>) target(%arg9 : memref<128x64xf32, #tpu.memory_space<vmem>>) offsets(%dma_start3A_129 : memref<128xi32, #tpu.memory_space<vmem>>) semaphore(%arg14 : memref<!tpu.dma_semaphore, #tpu.memory_space<semaphore_mem>>)
      } else {
      }
      %mul3A_110 = arith.constant 4 : i32
      %mul3A_111 = arith.muli %scan3A_64, %mul3A_110 : i32
      %add3A_112 = arith.constant 3 : i32
      %add3A_113 = arith.addi %mul3A_111, %add3A_112 : i32
      %lt3A_114 = arith.cmpi slt, %add3A_113, %add3A_3 : i32
      %convert_element_type3A_115 = arith.extui %lt3A_114 : i1 to i32
      %cond3A_116 = arith.constant 0 : i32
      %cond3A_117 = arith.cmpi ne, %convert_element_type3A_115, %cond3A_116 : i32
      scf.if %cond3A_117 {
        %dma_wait3A = arith.constant 0 : i32
        %dma_wait3A_127 = tpu.memref_slice %arg6[%add3A_113, %dma_wait3A] : memref<144x128xi32, #tpu.memory_space<vmem>> -> memref<1x128xi32, #tpu.memory_space<vmem>>
        %dma_wait3A_128 = tpu.memref_squeeze %dma_wait3A_127 : memref<1x128xi32, #tpu.memory_space<vmem>> -> memref<128xi32, #tpu.memory_space<vmem>>
        %dma_wait3A_129 = arith.constant 0 : i32
        %dma_wait3A_130 = arith.constant 0 : i32
        %dma_wait3A_131 = tpu.memref_slice %arg4[%dma_wait3A_129, %dma_wait3A_130] : memref<10000x64xf32, #tpu.memory_space<hbm>> -> memref<10000x64xf32, #tpu.memory_space<hbm>>
        tpu.wait_indirect_dma semaphore(%arg16 : memref<!tpu.dma_semaphore, #tpu.memory_space<semaphore_mem>>) src(%dma_wait3A_131 : memref<10000x64xf32, #tpu.memory_space<hbm>>) dst(%arg11 : memref<128x64xf32, #tpu.memory_space<vmem>>)
        "tpu.region"() ({
          %run_scoped3A = tpu.sem_alloc : memref<!tpu.dma_semaphore, #tpu.memory_space<semaphore_mem>>
          %dma_start3A_132 = arith.constant 0 : i32
          %dma_start3A_133 = tpu.memref_slice %arg7[%add3A_113, %dma_start3A_132] : memref<144x128xi32, #tpu.memory_space<vmem>> -> memref<1x128xi32, #tpu.memory_space<vmem>>
          %dma_start3A_134 = tpu.memref_squeeze %dma_start3A_133 : memref<1x128xi32, #tpu.memory_space<vmem>> -> memref<128xi32, #tpu.memory_space<vmem>>
          %dma_start3A_135 = arith.constant 0 : i32
          %dma_start3A_136 = arith.constant 0 : i32
          %dma_start3A_137 = tpu.memref_slice %arg12[%dma_start3A_135, %dma_start3A_136] : memref<10112x64xf32, #tpu.memory_space<vmem_shared>> -> memref<10112x64xf32, #tpu.memory_space<vmem_shared>>
          tpu.enqueue_indirect_dma source(%arg11 : memref<128x64xf32, #tpu.memory_space<vmem>>) target(%dma_start3A_137 : memref<10112x64xf32, #tpu.memory_space<vmem_shared>>) offsets(%dma_start3A_134 : memref<128xi32, #tpu.memory_space<vmem>>) semaphore(%run_scoped3A : memref<!tpu.dma_semaphore, #tpu.memory_space<semaphore_mem>>) {add = true}
          %dma_wait3A_138 = arith.constant 0 : i32
          %dma_wait3A_139 = tpu.memref_slice %arg7[%add3A_113, %dma_wait3A_138] : memref<144x128xi32, #tpu.memory_space<vmem>> -> memref<1x128xi32, #tpu.memory_space<vmem>>
          %dma_wait3A_140 = tpu.memref_squeeze %dma_wait3A_139 : memref<1x128xi32, #tpu.memory_space<vmem>> -> memref<128xi32, #tpu.memory_space<vmem>>
          %dma_wait3A_141 = arith.constant 0 : i32
          %dma_wait3A_142 = arith.constant 0 : i32
          %dma_wait3A_143 = tpu.memref_slice %arg12[%dma_wait3A_141, %dma_wait3A_142] : memref<10112x64xf32, #tpu.memory_space<vmem_shared>> -> memref<10112x64xf32, #tpu.memory_space<vmem_shared>>
          tpu.wait_indirect_dma semaphore(%run_scoped3A : memref<!tpu.dma_semaphore, #tpu.memory_space<semaphore_mem>>) src(%arg11 : memref<128x64xf32, #tpu.memory_space<vmem>>) dst(%dma_wait3A_143 : memref<10112x64xf32, #tpu.memory_space<vmem_shared>>)
          tpu.yield
        }) : () -> ()
      } else {
      }
      %add3A_118 = arith.constant 4 : i32
      %add3A_119 = arith.addi %add3A_113, %add3A_118 : i32
      %sub3A_120 = arith.constant 1 : i32
      %sub3A_121 = arith.subi %add3A_119, %sub3A_120 : i32
      %lt3A_122 = arith.cmpi slt, %sub3A_121, %add3A_3 : i32
      %convert_element_type3A_123 = arith.extui %lt3A_122 : i1 to i32
      %cond3A_124 = arith.constant 0 : i32
      %cond3A_125 = arith.cmpi ne, %convert_element_type3A_123, %cond3A_124 : i32
      scf.if %cond3A_125 {
        %dma_start3A_127 = arith.constant 0 : i32
        %dma_start3A_128 = tpu.memref_slice %arg6[%sub3A_121, %dma_start3A_127] : memref<144x128xi32, #tpu.memory_space<vmem>> -> memref<1x128xi32, #tpu.memory_space<vmem>>
        %dma_start3A_129 = tpu.memref_squeeze %dma_start3A_128 : memref<1x128xi32, #tpu.memory_space<vmem>> -> memref<128xi32, #tpu.memory_space<vmem>>
        %dma_start3A_130 = arith.constant 0 : i32
        %dma_start3A_131 = arith.constant 0 : i32
        %dma_start3A_132 = tpu.memref_slice %arg4[%dma_start3A_130, %dma_start3A_131] : memref<10000x64xf32, #tpu.memory_space<hbm>> -> memref<10000x64xf32, #tpu.memory_space<hbm>>
        tpu.enqueue_indirect_dma source(%dma_start3A_132 : memref<10000x64xf32, #tpu.memory_space<hbm>>) target(%arg10 : memref<128x64xf32, #tpu.memory_space<vmem>>) offsets(%dma_start3A_129 : memref<128xi32, #tpu.memory_space<vmem>>) semaphore(%arg15 : memref<!tpu.dma_semaphore, #tpu.memory_space<semaphore_mem>>)
      } else {
      }
      %scan3A_126 = arith.constant 0 : i32
      scf.yield %scan3A_126 : i32
    }
    %scan3A_52 = arith.constant 36 : i32
    %barrier3A_53 = arith.constant 0 : index
    tpu.barrier barrier_id(%barrier3A_53)
    %add3A_54 = arith.constant 0 : i32
    %add3A_55 = arith.addi %mul3A_0, %add3A_54 : i32
    "tpu.region"() ({
      %run_scoped3A = tpu.sem_alloc : memref<!tpu.dma_semaphore, #tpu.memory_space<semaphore_mem>>
      %dma_start3A_64 = arith.constant 0 : i32
      %dma_start3A_65 = arith.constant 0 : i32
      %dma_start3A_66 = tpu.memref_slice %arg8[%dma_start3A_64, %dma_start3A_65] : memref<128x64xf32, #tpu.memory_space<vmem>> -> memref<128x64xf32, #tpu.memory_space<vmem>>
      %dma_start3A_67 = arith.constant 0 : i32
      %dma_start3A_68 = tpu.memref_slice %arg12[%add3A_55, %dma_start3A_67] : memref<10112x64xf32, #tpu.memory_space<vmem_shared>> -> memref<128x64xf32, #tpu.memory_space<vmem_shared>>
      %dma_start3A_69 = arith.constant 0 : i32
      %dma_start3A_70 = arith.constant 0 : i32
      %dma_start3A_71 = tpu.memref_slice %arg8[%dma_start3A_69, %dma_start3A_70] : memref<128x64xf32, #tpu.memory_space<vmem>> -> memref<128x64xf32, #tpu.memory_space<vmem>>
      %dma_start3A_72 = arith.constant 0 : i32
      %dma_start3A_73 = tpu.memref_slice %arg12[%add3A_55, %dma_start3A_72] : memref<10112x64xf32, #tpu.memory_space<vmem_shared>> -> memref<128x64xf32, #tpu.memory_space<vmem_shared>>
      tpu.enqueue_dma source(%dma_start3A_73 : memref<128x64xf32, #tpu.memory_space<vmem_shared>>) target(%dma_start3A_71 : memref<128x64xf32, #tpu.memory_space<vmem>>) target_semaphore(%run_scoped3A : memref<!tpu.dma_semaphore, #tpu.memory_space<semaphore_mem>>)
      %dma_wait3A = arith.constant 0 : i32
      %dma_wait3A_74 = arith.constant 0 : i32
      %dma_wait3A_75 = tpu.memref_slice %arg8[%dma_wait3A, %dma_wait3A_74] : memref<128x64xf32, #tpu.memory_space<vmem>> -> memref<128x64xf32, #tpu.memory_space<vmem>>
      %dma_wait3A_76 = arith.constant 0 : i32
      %dma_wait3A_77 = tpu.memref_slice %arg12[%add3A_55, %dma_wait3A_76] : memref<10112x64xf32, #tpu.memory_space<vmem_shared>> -> memref<128x64xf32, #tpu.memory_space<vmem_shared>>
      %dma_wait3A_78 = arith.constant 0 : i32
      %dma_wait3A_79 = arith.constant 0 : i32
      %dma_wait3A_80 = tpu.memref_slice %arg8[%dma_wait3A_78, %dma_wait3A_79] : memref<128x64xf32, #tpu.memory_space<vmem>> -> memref<128x64xf32, #tpu.memory_space<vmem>>
      %dma_wait3A_81 = arith.constant 0 : i32
      %dma_wait3A_82 = tpu.memref_slice %arg12[%add3A_55, %dma_wait3A_81] : memref<10112x64xf32, #tpu.memory_space<vmem_shared>> -> memref<128x64xf32, #tpu.memory_space<vmem_shared>>
      tpu.wait_dma2 semaphore(%run_scoped3A : memref<!tpu.dma_semaphore, #tpu.memory_space<semaphore_mem>>) src(%dma_wait3A_82 : memref<128x64xf32, #tpu.memory_space<vmem_shared>>) dst(%dma_wait3A_80 : memref<128x64xf32, #tpu.memory_space<vmem>>)
      tpu.yield
    }) : () -> ()
    "tpu.region"() ({
      %run_scoped3A = tpu.sem_alloc : memref<!tpu.dma_semaphore, #tpu.memory_space<semaphore_mem>>
      %dma_start3A_64 = arith.constant 0 : i32
      %dma_start3A_65 = arith.constant 0 : i32
      %dma_start3A_66 = tpu.memref_slice %arg8[%dma_start3A_64, %dma_start3A_65] : memref<128x64xf32, #tpu.memory_space<vmem>> -> memref<128x64xf32, #tpu.memory_space<vmem>>
      %dma_start3A_67 = arith.constant 0 : i32
      %dma_start3A_68 = tpu.memref_slice %arg5[%arg0, %add3A_55, %dma_start3A_67] : memref<2x10112x64xf32, #tpu.memory_space<hbm>> -> memref<1x128x64xf32, #tpu.memory_space<hbm>>
      %dma_start3A_69 = tpu.memref_squeeze %dma_start3A_68 : memref<1x128x64xf32, #tpu.memory_space<hbm>> -> memref<128x64xf32, #tpu.memory_space<hbm>>
      %dma_start3A_70 = arith.constant 0 : i32
      %dma_start3A_71 = tpu.memref_slice %arg5[%arg0, %add3A_55, %dma_start3A_70] : memref<2x10112x64xf32, #tpu.memory_space<hbm>> -> memref<1x128x64xf32, #tpu.memory_space<hbm>>
      %dma_start3A_72 = tpu.memref_squeeze %dma_start3A_71 : memref<1x128x64xf32, #tpu.memory_space<hbm>> -> memref<128x64xf32, #tpu.memory_space<hbm>>
      %dma_start3A_73 = arith.constant 0 : i32
      %dma_start3A_74 = arith.constant 0 : i32
      %dma_start3A_75 = tpu.memref_slice %arg8[%dma_start3A_73, %dma_start3A_74] : memref<128x64xf32, #tpu.memory_space<vmem>> -> memref<128x64xf32, #tpu.memory_space<vmem>>
      tpu.enqueue_dma source(%dma_start3A_75 : memref<128x64xf32, #tpu.memory_space<vmem>>) target(%dma_start3A_72 : memref<128x64xf32, #tpu.memory_space<hbm>>) target_semaphore(%run_scoped3A : memref<!tpu.dma_semaphore, #tpu.memory_space<semaphore_mem>>)
      %dma_wait3A = arith.constant 0 : i32
      %dma_wait3A_76 = arith.constant 0 : i32
      %dma_wait3A_77 = tpu.memref_slice %arg8[%dma_wait3A, %dma_wait3A_76] : memref<128x64xf32, #tpu.memory_space<vmem>> -> memref<128x64xf32, #tpu.memory_space<vmem>>
      %dma_wait3A_78 = arith.constant 0 : i32
      %dma_wait3A_79 = tpu.memref_slice %arg5[%arg0, %add3A_55, %dma_wait3A_78] : memref<2x10112x64xf32, #tpu.memory_space<hbm>> -> memref<1x128x64xf32, #tpu.memory_space<hbm>>
      %dma_wait3A_80 = tpu.memref_squeeze %dma_wait3A_79 : memref<1x128x64xf32, #tpu.memory_space<hbm>> -> memref<128x64xf32, #tpu.memory_space<hbm>>
      %dma_wait3A_81 = arith.constant 0 : i32
      %dma_wait3A_82 = tpu.memref_slice %arg5[%arg0, %add3A_55, %dma_wait3A_81] : memref<2x10112x64xf32, #tpu.memory_space<hbm>> -> memref<1x128x64xf32, #tpu.memory_space<hbm>>
      %dma_wait3A_83 = tpu.memref_squeeze %dma_wait3A_82 : memref<1x128x64xf32, #tpu.memory_space<hbm>> -> memref<128x64xf32, #tpu.memory_space<hbm>>
      %dma_wait3A_84 = arith.constant 0 : i32
      %dma_wait3A_85 = arith.constant 0 : i32
      %dma_wait3A_86 = tpu.memref_slice %arg8[%dma_wait3A_84, %dma_wait3A_85] : memref<128x64xf32, #tpu.memory_space<vmem>> -> memref<128x64xf32, #tpu.memory_space<vmem>>
      tpu.wait_dma2 semaphore(%run_scoped3A : memref<!tpu.dma_semaphore, #tpu.memory_space<semaphore_mem>>) src(%dma_wait3A_86 : memref<128x64xf32, #tpu.memory_space<vmem>>) dst(%dma_wait3A_83 : memref<128x64xf32, #tpu.memory_space<hbm>>)
      tpu.yield
    }) : () -> ()
    %add3A_56 = arith.constant 128 : i32
    %add3A_57 = arith.addi %mul3A_0, %add3A_56 : i32
    "tpu.region"() ({
      %run_scoped3A = tpu.sem_alloc : memref<!tpu.dma_semaphore, #tpu.memory_space<semaphore_mem>>
      %dma_start3A_64 = arith.constant 0 : i32
      %dma_start3A_65 = arith.constant 0 : i32
      %dma_start3A_66 = tpu.memref_slice %arg8[%dma_start3A_64, %dma_start3A_65] : memref<128x64xf32, #tpu.memory_space<vmem>> -> memref<128x64xf32, #tpu.memory_space<vmem>>
      %dma_start3A_67 = arith.constant 0 : i32
      %dma_start3A_68 = tpu.memref_slice %arg12[%add3A_57, %dma_start3A_67] : memref<10112x64xf32, #tpu.memory_space<vmem_shared>> -> memref<128x64xf32, #tpu.memory_space<vmem_shared>>
      %dma_start3A_69 = arith.constant 0 : i32
      %dma_start3A_70 = arith.constant 0 : i32
      %dma_start3A_71 = tpu.memref_slice %arg8[%dma_start3A_69, %dma_start3A_70] : memref<128x64xf32, #tpu.memory_space<vmem>> -> memref<128x64xf32, #tpu.memory_space<vmem>>
      %dma_start3A_72 = arith.constant 0 : i32
      %dma_start3A_73 = tpu.memref_slice %arg12[%add3A_57, %dma_start3A_72] : memref<10112x64xf32, #tpu.memory_space<vmem_shared>> -> memref<128x64xf32, #tpu.memory_space<vmem_shared>>
      tpu.enqueue_dma source(%dma_start3A_73 : memref<128x64xf32, #tpu.memory_space<vmem_shared>>) target(%dma_start3A_71 : memref<128x64xf32, #tpu.memory_space<vmem>>) target_semaphore(%run_scoped3A : memref<!tpu.dma_semaphore, #tpu.memory_space<semaphore_mem>>)
      %dma_wait3A = arith.constant 0 : i32
      %dma_wait3A_74 = arith.constant 0 : i32
      %dma_wait3A_75 = tpu.memref_slice %arg8[%dma_wait3A, %dma_wait3A_74] : memref<128x64xf32, #tpu.memory_space<vmem>> -> memref<128x64xf32, #tpu.memory_space<vmem>>
      %dma_wait3A_76 = arith.constant 0 : i32
      %dma_wait3A_77 = tpu.memref_slice %arg12[%add3A_57, %dma_wait3A_76] : memref<10112x64xf32, #tpu.memory_space<vmem_shared>> -> memref<128x64xf32, #tpu.memory_space<vmem_shared>>
      %dma_wait3A_78 = arith.constant 0 : i32
      %dma_wait3A_79 = arith.constant 0 : i32
      %dma_wait3A_80 = tpu.memref_slice %arg8[%dma_wait3A_78, %dma_wait3A_79] : memref<128x64xf32, #tpu.memory_space<vmem>> -> memref<128x64xf32, #tpu.memory_space<vmem>>
      %dma_wait3A_81 = arith.constant 0 : i32
      %dma_wait3A_82 = tpu.memref_slice %arg12[%add3A_57, %dma_wait3A_81] : memref<10112x64xf32, #tpu.memory_space<vmem_shared>> -> memref<128x64xf32, #tpu.memory_space<vmem_shared>>
      tpu.wait_dma2 semaphore(%run_scoped3A : memref<!tpu.dma_semaphore, #tpu.memory_space<semaphore_mem>>) src(%dma_wait3A_82 : memref<128x64xf32, #tpu.memory_space<vmem_shared>>) dst(%dma_wait3A_80 : memref<128x64xf32, #tpu.memory_space<vmem>>)
      tpu.yield
    }) : () -> ()
    "tpu.region"() ({
      %run_scoped3A = tpu.sem_alloc : memref<!tpu.dma_semaphore, #tpu.memory_space<semaphore_mem>>
      %dma_start3A_64 = arith.constant 0 : i32
      %dma_start3A_65 = arith.constant 0 : i32
      %dma_start3A_66 = tpu.memref_slice %arg8[%dma_start3A_64, %dma_start3A_65] : memref<128x64xf32, #tpu.memory_space<vmem>> -> memref<128x64xf32, #tpu.memory_space<vmem>>
      %dma_start3A_67 = arith.constant 0 : i32
      %dma_start3A_68 = tpu.memref_slice %arg5[%arg0, %add3A_57, %dma_start3A_67] : memref<2x10112x64xf32, #tpu.memory_space<hbm>> -> memref<1x128x64xf32, #tpu.memory_space<hbm>>
      %dma_start3A_69 = tpu.memref_squeeze %dma_start3A_68 : memref<1x128x64xf32, #tpu.memory_space<hbm>> -> memref<128x64xf32, #tpu.memory_space<hbm>>
      %dma_start3A_70 = arith.constant 0 : i32
      %dma_start3A_71 = tpu.memref_slice %arg5[%arg0, %add3A_57, %dma_start3A_70] : memref<2x10112x64xf32, #tpu.memory_space<hbm>> -> memref<1x128x64xf32, #tpu.memory_space<hbm>>
      %dma_start3A_72 = tpu.memref_squeeze %dma_start3A_71 : memref<1x128x64xf32, #tpu.memory_space<hbm>> -> memref<128x64xf32, #tpu.memory_space<hbm>>
      %dma_start3A_73 = arith.constant 0 : i32
      %dma_start3A_74 = arith.constant 0 : i32
      %dma_start3A_75 = tpu.memref_slice %arg8[%dma_start3A_73, %dma_start3A_74] : memref<128x64xf32, #tpu.memory_space<vmem>> -> memref<128x64xf32, #tpu.memory_space<vmem>>
      tpu.enqueue_dma source(%dma_start3A_75 : memref<128x64xf32, #tpu.memory_space<vmem>>) target(%dma_start3A_72 : memref<128x64xf32, #tpu.memory_space<hbm>>) target_semaphore(%run_scoped3A : memref<!tpu.dma_semaphore, #tpu.memory_space<semaphore_mem>>)
      %dma_wait3A = arith.constant 0 : i32
      %dma_wait3A_76 = arith.constant 0 : i32
      %dma_wait3A_77 = tpu.memref_slice %arg8[%dma_wait3A, %dma_wait3A_76] : memref<128x64xf32, #tpu.memory_space<vmem>> -> memref<128x64xf32, #tpu.memory_space<vmem>>
      %dma_wait3A_78 = arith.constant 0 : i32
      %dma_wait3A_79 = tpu.memref_slice %arg5[%arg0, %add3A_57, %dma_wait3A_78] : memref<2x10112x64xf32, #tpu.memory_space<hbm>> -> memref<1x128x64xf32, #tpu.memory_space<hbm>>
      %dma_wait3A_80 = tpu.memref_squeeze %dma_wait3A_79 : memref<1x128x64xf32, #tpu.memory_space<hbm>> -> memref<128x64xf32, #tpu.memory_space<hbm>>
      %dma_wait3A_81 = arith.constant 0 : i32
      %dma_wait3A_82 = tpu.memref_slice %arg5[%arg0, %add3A_57, %dma_wait3A_81] : memref<2x10112x64xf32, #tpu.memory_space<hbm>> -> memref<1x128x64xf32, #tpu.memory_space<hbm>>
      %dma_wait3A_83 = tpu.memref_squeeze %dma_wait3A_82 : memref<1x128x64xf32, #tpu.memory_space<hbm>> -> memref<128x64xf32, #tpu.memory_space<hbm>>
      %dma_wait3A_84 = arith.constant 0 : i32
      %dma_wait3A_85 = arith.constant 0 : i32
      %dma_wait3A_86 = tpu.memref_slice %arg8[%dma_wait3A_84, %dma_wait3A_85] : memref<128x64xf32, #tpu.memory_space<vmem>> -> memref<128x64xf32, #tpu.memory_space<vmem>>
      tpu.wait_dma2 semaphore(%run_scoped3A : memref<!tpu.dma_semaphore, #tpu.memory_space<semaphore_mem>>) src(%dma_wait3A_86 : memref<128x64xf32, #tpu.memory_space<vmem>>) dst(%dma_wait3A_83 : memref<128x64xf32, #tpu.memory_space<hbm>>)
      tpu.yield
    }) : () -> ()
    %add3A_58 = arith.constant 256 : i32
    %add3A_59 = arith.addi %mul3A_0, %add3A_58 : i32
    "tpu.region"() ({
      %run_scoped3A = tpu.sem_alloc : memref<!tpu.dma_semaphore, #tpu.memory_space<semaphore_mem>>
      %dma_start3A_64 = arith.constant 0 : i32
      %dma_start3A_65 = arith.constant 0 : i32
      %dma_start3A_66 = tpu.memref_slice %arg8[%dma_start3A_64, %dma_start3A_65] : memref<128x64xf32, #tpu.memory_space<vmem>> -> memref<128x64xf32, #tpu.memory_space<vmem>>
      %dma_start3A_67 = arith.constant 0 : i32
      %dma_start3A_68 = tpu.memref_slice %arg12[%add3A_59, %dma_start3A_67] : memref<10112x64xf32, #tpu.memory_space<vmem_shared>> -> memref<128x64xf32, #tpu.memory_space<vmem_shared>>
      %dma_start3A_69 = arith.constant 0 : i32
      %dma_start3A_70 = arith.constant 0 : i32
      %dma_start3A_71 = tpu.memref_slice %arg8[%dma_start3A_69, %dma_start3A_70] : memref<128x64xf32, #tpu.memory_space<vmem>> -> memref<128x64xf32, #tpu.memory_space<vmem>>
      %dma_start3A_72 = arith.constant 0 : i32
      %dma_start3A_73 = tpu.memref_slice %arg12[%add3A_59, %dma_start3A_72] : memref<10112x64xf32, #tpu.memory_space<vmem_shared>> -> memref<128x64xf32, #tpu.memory_space<vmem_shared>>
      tpu.enqueue_dma source(%dma_start3A_73 : memref<128x64xf32, #tpu.memory_space<vmem_shared>>) target(%dma_start3A_71 : memref<128x64xf32, #tpu.memory_space<vmem>>) target_semaphore(%run_scoped3A : memref<!tpu.dma_semaphore, #tpu.memory_space<semaphore_mem>>)
      %dma_wait3A = arith.constant 0 : i32
      %dma_wait3A_74 = arith.constant 0 : i32
      %dma_wait3A_75 = tpu.memref_slice %arg8[%dma_wait3A, %dma_wait3A_74] : memref<128x64xf32, #tpu.memory_space<vmem>> -> memref<128x64xf32, #tpu.memory_space<vmem>>
      %dma_wait3A_76 = arith.constant 0 : i32
      %dma_wait3A_77 = tpu.memref_slice %arg12[%add3A_59, %dma_wait3A_76] : memref<10112x64xf32, #tpu.memory_space<vmem_shared>> -> memref<128x64xf32, #tpu.memory_space<vmem_shared>>
      %dma_wait3A_78 = arith.constant 0 : i32
      %dma_wait3A_79 = arith.constant 0 : i32
      %dma_wait3A_80 = tpu.memref_slice %arg8[%dma_wait3A_78, %dma_wait3A_79] : memref<128x64xf32, #tpu.memory_space<vmem>> -> memref<128x64xf32, #tpu.memory_space<vmem>>
      %dma_wait3A_81 = arith.constant 0 : i32
      %dma_wait3A_82 = tpu.memref_slice %arg12[%add3A_59, %dma_wait3A_81] : memref<10112x64xf32, #tpu.memory_space<vmem_shared>> -> memref<128x64xf32, #tpu.memory_space<vmem_shared>>
      tpu.wait_dma2 semaphore(%run_scoped3A : memref<!tpu.dma_semaphore, #tpu.memory_space<semaphore_mem>>) src(%dma_wait3A_82 : memref<128x64xf32, #tpu.memory_space<vmem_shared>>) dst(%dma_wait3A_80 : memref<128x64xf32, #tpu.memory_space<vmem>>)
      tpu.yield
    }) : () -> ()
    "tpu.region"() ({
      %run_scoped3A = tpu.sem_alloc : memref<!tpu.dma_semaphore, #tpu.memory_space<semaphore_mem>>
      %dma_start3A_64 = arith.constant 0 : i32
      %dma_start3A_65 = arith.constant 0 : i32
      %dma_start3A_66 = tpu.memref_slice %arg8[%dma_start3A_64, %dma_start3A_65] : memref<128x64xf32, #tpu.memory_space<vmem>> -> memref<128x64xf32, #tpu.memory_space<vmem>>
      %dma_start3A_67 = arith.constant 0 : i32
      %dma_start3A_68 = tpu.memref_slice %arg5[%arg0, %add3A_59, %dma_start3A_67] : memref<2x10112x64xf32, #tpu.memory_space<hbm>> -> memref<1x128x64xf32, #tpu.memory_space<hbm>>
      %dma_start3A_69 = tpu.memref_squeeze %dma_start3A_68 : memref<1x128x64xf32, #tpu.memory_space<hbm>> -> memref<128x64xf32, #tpu.memory_space<hbm>>
      %dma_start3A_70 = arith.constant 0 : i32
      %dma_start3A_71 = tpu.memref_slice %arg5[%arg0, %add3A_59, %dma_start3A_70] : memref<2x10112x64xf32, #tpu.memory_space<hbm>> -> memref<1x128x64xf32, #tpu.memory_space<hbm>>
      %dma_start3A_72 = tpu.memref_squeeze %dma_start3A_71 : memref<1x128x64xf32, #tpu.memory_space<hbm>> -> memref<128x64xf32, #tpu.memory_space<hbm>>
      %dma_start3A_73 = arith.constant 0 : i32
      %dma_start3A_74 = arith.constant 0 : i32
      %dma_start3A_75 = tpu.memref_slice %arg8[%dma_start3A_73, %dma_start3A_74] : memref<128x64xf32, #tpu.memory_space<vmem>> -> memref<128x64xf32, #tpu.memory_space<vmem>>
      tpu.enqueue_dma source(%dma_start3A_75 : memref<128x64xf32, #tpu.memory_space<vmem>>) target(%dma_start3A_72 : memref<128x64xf32, #tpu.memory_space<hbm>>) target_semaphore(%run_scoped3A : memref<!tpu.dma_semaphore, #tpu.memory_space<semaphore_mem>>)
      %dma_wait3A = arith.constant 0 : i32
      %dma_wait3A_76 = arith.constant 0 : i32
      %dma_wait3A_77 = tpu.memref_slice %arg8[%dma_wait3A, %dma_wait3A_76] : memref<128x64xf32, #tpu.memory_space<vmem>> -> memref<128x64xf32, #tpu.memory_space<vmem>>
      %dma_wait3A_78 = arith.constant 0 : i32
      %dma_wait3A_79 = tpu.memref_slice %arg5[%arg0, %add3A_59, %dma_wait3A_78] : memref<2x10112x64xf32, #tpu.memory_space<hbm>> -> memref<1x128x64xf32, #tpu.memory_space<hbm>>
      %dma_wait3A_80 = tpu.memref_squeeze %dma_wait3A_79 : memref<1x128x64xf32, #tpu.memory_space<hbm>> -> memref<128x64xf32, #tpu.memory_space<hbm>>
      %dma_wait3A_81 = arith.constant 0 : i32
      %dma_wait3A_82 = tpu.memref_slice %arg5[%arg0, %add3A_59, %dma_wait3A_81] : memref<2x10112x64xf32, #tpu.memory_space<hbm>> -> memref<1x128x64xf32, #tpu.memory_space<hbm>>
      %dma_wait3A_83 = tpu.memref_squeeze %dma_wait3A_82 : memref<1x128x64xf32, #tpu.memory_space<hbm>> -> memref<128x64xf32, #tpu.memory_space<hbm>>
      %dma_wait3A_84 = arith.constant 0 : i32
      %dma_wait3A_85 = arith.constant 0 : i32
      %dma_wait3A_86 = tpu.memref_slice %arg8[%dma_wait3A_84, %dma_wait3A_85] : memref<128x64xf32, #tpu.memory_space<vmem>> -> memref<128x64xf32, #tpu.memory_space<vmem>>
      tpu.wait_dma2 semaphore(%run_scoped3A : memref<!tpu.dma_semaphore, #tpu.memory_space<semaphore_mem>>) src(%dma_wait3A_86 : memref<128x64xf32, #tpu.memory_space<vmem>>) dst(%dma_wait3A_83 : memref<128x64xf32, #tpu.memory_space<hbm>>)
      tpu.yield
    }) : () -> ()
    %add3A_60 = arith.constant 384 : i32
    %add3A_61 = arith.addi %mul3A_0, %add3A_60 : i32
    "tpu.region"() ({
      %run_scoped3A = tpu.sem_alloc : memref<!tpu.dma_semaphore, #tpu.memory_space<semaphore_mem>>
      %dma_start3A_64 = arith.constant 0 : i32
      %dma_start3A_65 = arith.constant 0 : i32
      %dma_start3A_66 = tpu.memref_slice %arg8[%dma_start3A_64, %dma_start3A_65] : memref<128x64xf32, #tpu.memory_space<vmem>> -> memref<128x64xf32, #tpu.memory_space<vmem>>
      %dma_start3A_67 = arith.constant 0 : i32
      %dma_start3A_68 = tpu.memref_slice %arg12[%add3A_61, %dma_start3A_67] : memref<10112x64xf32, #tpu.memory_space<vmem_shared>> -> memref<128x64xf32, #tpu.memory_space<vmem_shared>>
      %dma_start3A_69 = arith.constant 0 : i32
      %dma_start3A_70 = arith.constant 0 : i32
      %dma_start3A_71 = tpu.memref_slice %arg8[%dma_start3A_69, %dma_start3A_70] : memref<128x64xf32, #tpu.memory_space<vmem>> -> memref<128x64xf32, #tpu.memory_space<vmem>>
      %dma_start3A_72 = arith.constant 0 : i32
      %dma_start3A_73 = tpu.memref_slice %arg12[%add3A_61, %dma_start3A_72] : memref<10112x64xf32, #tpu.memory_space<vmem_shared>> -> memref<128x64xf32, #tpu.memory_space<vmem_shared>>
      tpu.enqueue_dma source(%dma_start3A_73 : memref<128x64xf32, #tpu.memory_space<vmem_shared>>) target(%dma_start3A_71 : memref<128x64xf32, #tpu.memory_space<vmem>>) target_semaphore(%run_scoped3A : memref<!tpu.dma_semaphore, #tpu.memory_space<semaphore_mem>>)
      %dma_wait3A = arith.constant 0 : i32
      %dma_wait3A_74 = arith.constant 0 : i32
      %dma_wait3A_75 = tpu.memref_slice %arg8[%dma_wait3A, %dma_wait3A_74] : memref<128x64xf32, #tpu.memory_space<vmem>> -> memref<128x64xf32, #tpu.memory_space<vmem>>
      %dma_wait3A_76 = arith.constant 0 : i32
      %dma_wait3A_77 = tpu.memref_slice %arg12[%add3A_61, %dma_wait3A_76] : memref<10112x64xf32, #tpu.memory_space<vmem_shared>> -> memref<128x64xf32, #tpu.memory_space<vmem_shared>>
      %dma_wait3A_78 = arith.constant 0 : i32
      %dma_wait3A_79 = arith.constant 0 : i32
      %dma_wait3A_80 = tpu.memref_slice %arg8[%dma_wait3A_78, %dma_wait3A_79] : memref<128x64xf32, #tpu.memory_space<vmem>> -> memref<128x64xf32, #tpu.memory_space<vmem>>
      %dma_wait3A_81 = arith.constant 0 : i32
      %dma_wait3A_82 = tpu.memref_slice %arg12[%add3A_61, %dma_wait3A_81] : memref<10112x64xf32, #tpu.memory_space<vmem_shared>> -> memref<128x64xf32, #tpu.memory_space<vmem_shared>>
      tpu.wait_dma2 semaphore(%run_scoped3A : memref<!tpu.dma_semaphore, #tpu.memory_space<semaphore_mem>>) src(%dma_wait3A_82 : memref<128x64xf32, #tpu.memory_space<vmem_shared>>) dst(%dma_wait3A_80 : memref<128x64xf32, #tpu.memory_space<vmem>>)
      tpu.yield
    }) : () -> ()
    "tpu.region"() ({
      %run_scoped3A = tpu.sem_alloc : memref<!tpu.dma_semaphore, #tpu.memory_space<semaphore_mem>>
      %dma_start3A_64 = arith.constant 0 : i32
      %dma_start3A_65 = arith.constant 0 : i32
      %dma_start3A_66 = tpu.memref_slice %arg8[%dma_start3A_64, %dma_start3A_65] : memref<128x64xf32, #tpu.memory_space<vmem>> -> memref<128x64xf32, #tpu.memory_space<vmem>>
      %dma_start3A_67 = arith.constant 0 : i32
      %dma_start3A_68 = tpu.memref_slice %arg5[%arg0, %add3A_61, %dma_start3A_67] : memref<2x10112x64xf32, #tpu.memory_space<hbm>> -> memref<1x128x64xf32, #tpu.memory_space<hbm>>
      %dma_start3A_69 = tpu.memref_squeeze %dma_start3A_68 : memref<1x128x64xf32, #tpu.memory_space<hbm>> -> memref<128x64xf32, #tpu.memory_space<hbm>>
      %dma_start3A_70 = arith.constant 0 : i32
      %dma_start3A_71 = tpu.memref_slice %arg5[%arg0, %add3A_61, %dma_start3A_70] : memref<2x10112x64xf32, #tpu.memory_space<hbm>> -> memref<1x128x64xf32, #tpu.memory_space<hbm>>
      %dma_start3A_72 = tpu.memref_squeeze %dma_start3A_71 : memref<1x128x64xf32, #tpu.memory_space<hbm>> -> memref<128x64xf32, #tpu.memory_space<hbm>>
      %dma_start3A_73 = arith.constant 0 : i32
      %dma_start3A_74 = arith.constant 0 : i32
      %dma_start3A_75 = tpu.memref_slice %arg8[%dma_start3A_73, %dma_start3A_74] : memref<128x64xf32, #tpu.memory_space<vmem>> -> memref<128x64xf32, #tpu.memory_space<vmem>>
      tpu.enqueue_dma source(%dma_start3A_75 : memref<128x64xf32, #tpu.memory_space<vmem>>) target(%dma_start3A_72 : memref<128x64xf32, #tpu.memory_space<hbm>>) target_semaphore(%run_scoped3A : memref<!tpu.dma_semaphore, #tpu.memory_space<semaphore_mem>>)
      %dma_wait3A = arith.constant 0 : i32
      %dma_wait3A_76 = arith.constant 0 : i32
      %dma_wait3A_77 = tpu.memref_slice %arg8[%dma_wait3A, %dma_wait3A_76] : memref<128x64xf32, #tpu.memory_space<vmem>> -> memref<128x64xf32, #tpu.memory_space<vmem>>
      %dma_wait3A_78 = arith.constant 0 : i32
      %dma_wait3A_79 = tpu.memref_slice %arg5[%arg0, %add3A_61, %dma_wait3A_78] : memref<2x10112x64xf32, #tpu.memory_space<hbm>> -> memref<1x128x64xf32, #tpu.memory_space<hbm>>
      %dma_wait3A_80 = tpu.memref_squeeze %dma_wait3A_79 : memref<1x128x64xf32, #tpu.memory_space<hbm>> -> memref<128x64xf32, #tpu.memory_space<hbm>>
      %dma_wait3A_81 = arith.constant 0 : i32
      %dma_wait3A_82 = tpu.memref_slice %arg5[%arg0, %add3A_61, %dma_wait3A_81] : memref<2x10112x64xf32, #tpu.memory_space<hbm>> -> memref<1x128x64xf32, #tpu.memory_space<hbm>>
      %dma_wait3A_83 = tpu.memref_squeeze %dma_wait3A_82 : memref<1x128x64xf32, #tpu.memory_space<hbm>> -> memref<128x64xf32, #tpu.memory_space<hbm>>
      %dma_wait3A_84 = arith.constant 0 : i32
      %dma_wait3A_85 = arith.constant 0 : i32
      %dma_wait3A_86 = tpu.memref_slice %arg8[%dma_wait3A_84, %dma_wait3A_85] : memref<128x64xf32, #tpu.memory_space<vmem>> -> memref<128x64xf32, #tpu.memory_space<vmem>>
      tpu.wait_dma2 semaphore(%run_scoped3A : memref<!tpu.dma_semaphore, #tpu.memory_space<semaphore_mem>>) src(%dma_wait3A_86 : memref<128x64xf32, #tpu.memory_space<vmem>>) dst(%dma_wait3A_83 : memref<128x64xf32, #tpu.memory_space<hbm>>)
      tpu.yield
    }) : () -> ()
    %add3A_62 = arith.constant 512 : i32
    %add3A_63 = arith.addi %mul3A_0, %add3A_62 : i32
    "tpu.region"() ({
      %run_scoped3A = tpu.sem_alloc : memref<!tpu.dma_semaphore, #tpu.memory_space<semaphore_mem>>
      %dma_start3A_64 = arith.constant 0 : i32
      %dma_start3A_65 = arith.constant 0 : i32
      %dma_start3A_66 = tpu.memref_slice %arg8[%dma_start3A_64, %dma_start3A_65] : memref<128x64xf32, #tpu.memory_space<vmem>> -> memref<120x64xf32, #tpu.memory_space<vmem>>
      %dma_start3A_67 = arith.constant 0 : i32
      %dma_start3A_68 = tpu.memref_slice %arg12[%add3A_63, %dma_start3A_67] : memref<10112x64xf32, #tpu.memory_space<vmem_shared>> -> memref<120x64xf32, #tpu.memory_space<vmem_shared>>
      %dma_start3A_69 = arith.constant 0 : i32
      %dma_start3A_70 = arith.constant 0 : i32
      %dma_start3A_71 = tpu.memref_slice %arg8[%dma_start3A_69, %dma_start3A_70] : memref<128x64xf32, #tpu.memory_space<vmem>> -> memref<120x64xf32, #tpu.memory_space<vmem>>
      %dma_start3A_72 = arith.constant 0 : i32
      %dma_start3A_73 = tpu.memref_slice %arg12[%add3A_63, %dma_start3A_72] : memref<10112x64xf32, #tpu.memory_space<vmem_shared>> -> memref<120x64xf32, #tpu.memory_space<vmem_shared>>
      tpu.enqueue_dma source(%dma_start3A_73 : memref<120x64xf32, #tpu.memory_space<vmem_shared>>) target(%dma_start3A_71 : memref<120x64xf32, #tpu.memory_space<vmem>>) target_semaphore(%run_scoped3A : memref<!tpu.dma_semaphore, #tpu.memory_space<semaphore_mem>>)
      %dma_wait3A = arith.constant 0 : i32
      %dma_wait3A_74 = arith.constant 0 : i32
      %dma_wait3A_75 = tpu.memref_slice %arg8[%dma_wait3A, %dma_wait3A_74] : memref<128x64xf32, #tpu.memory_space<vmem>> -> memref<120x64xf32, #tpu.memory_space<vmem>>
      %dma_wait3A_76 = arith.constant 0 : i32
      %dma_wait3A_77 = tpu.memref_slice %arg12[%add3A_63, %dma_wait3A_76] : memref<10112x64xf32, #tpu.memory_space<vmem_shared>> -> memref<120x64xf32, #tpu.memory_space<vmem_shared>>
      %dma_wait3A_78 = arith.constant 0 : i32
      %dma_wait3A_79 = arith.constant 0 : i32
      %dma_wait3A_80 = tpu.memref_slice %arg8[%dma_wait3A_78, %dma_wait3A_79] : memref<128x64xf32, #tpu.memory_space<vmem>> -> memref<120x64xf32, #tpu.memory_space<vmem>>
      %dma_wait3A_81 = arith.constant 0 : i32
      %dma_wait3A_82 = tpu.memref_slice %arg12[%add3A_63, %dma_wait3A_81] : memref<10112x64xf32, #tpu.memory_space<vmem_shared>> -> memref<120x64xf32, #tpu.memory_space<vmem_shared>>
      tpu.wait_dma2 semaphore(%run_scoped3A : memref<!tpu.dma_semaphore, #tpu.memory_space<semaphore_mem>>) src(%dma_wait3A_82 : memref<120x64xf32, #tpu.memory_space<vmem_shared>>) dst(%dma_wait3A_80 : memref<120x64xf32, #tpu.memory_space<vmem>>)
      tpu.yield
    }) : () -> ()
    "tpu.region"() ({
      %run_scoped3A = tpu.sem_alloc : memref<!tpu.dma_semaphore, #tpu.memory_space<semaphore_mem>>
      %dma_start3A_64 = arith.constant 0 : i32
      %dma_start3A_65 = arith.constant 0 : i32
      %dma_start3A_66 = tpu.memref_slice %arg8[%dma_start3A_64, %dma_start3A_65] : memref<128x64xf32, #tpu.memory_space<vmem>> -> memref<120x64xf32, #tpu.memory_space<vmem>>
      %dma_start3A_67 = arith.constant 0 : i32
      %dma_start3A_68 = tpu.memref_slice %arg5[%arg0, %add3A_63, %dma_start3A_67] : memref<2x10112x64xf32, #tpu.memory_space<hbm>> -> memref<1x120x64xf32, #tpu.memory_space<hbm>>
      %dma_start3A_69 = tpu.memref_squeeze %dma_start3A_68 : memref<1x120x64xf32, #tpu.memory_space<hbm>> -> memref<120x64xf32, #tpu.memory_space<hbm>>
      %dma_start3A_70 = arith.constant 0 : i32
      %dma_start3A_71 = tpu.memref_slice %arg5[%arg0, %add3A_63, %dma_start3A_70] : memref<2x10112x64xf32, #tpu.memory_space<hbm>> -> memref<1x120x64xf32, #tpu.memory_space<hbm>>
      %dma_start3A_72 = tpu.memref_squeeze %dma_start3A_71 : memref<1x120x64xf32, #tpu.memory_space<hbm>> -> memref<120x64xf32, #tpu.memory_space<hbm>>
      %dma_start3A_73 = arith.constant 0 : i32
      %dma_start3A_74 = arith.constant 0 : i32
      %dma_start3A_75 = tpu.memref_slice %arg8[%dma_start3A_73, %dma_start3A_74] : memref<128x64xf32, #tpu.memory_space<vmem>> -> memref<120x64xf32, #tpu.memory_space<vmem>>
      tpu.enqueue_dma source(%dma_start3A_75 : memref<120x64xf32, #tpu.memory_space<vmem>>) target(%dma_start3A_72 : memref<120x64xf32, #tpu.memory_space<hbm>>) target_semaphore(%run_scoped3A : memref<!tpu.dma_semaphore, #tpu.memory_space<semaphore_mem>>)
      %dma_wait3A = arith.constant 0 : i32
      %dma_wait3A_76 = arith.constant 0 : i32
      %dma_wait3A_77 = tpu.memref_slice %arg8[%dma_wait3A, %dma_wait3A_76] : memref<128x64xf32, #tpu.memory_space<vmem>> -> memref<120x64xf32, #tpu.memory_space<vmem>>
      %dma_wait3A_78 = arith.constant 0 : i32
      %dma_wait3A_79 = tpu.memref_slice %arg5[%arg0, %add3A_63, %dma_wait3A_78] : memref<2x10112x64xf32, #tpu.memory_space<hbm>> -> memref<1x120x64xf32, #tpu.memory_space<hbm>>
      %dma_wait3A_80 = tpu.memref_squeeze %dma_wait3A_79 : memref<1x120x64xf32, #tpu.memory_space<hbm>> -> memref<120x64xf32, #tpu.memory_space<hbm>>
      %dma_wait3A_81 = arith.constant 0 : i32
      %dma_wait3A_82 = tpu.memref_slice %arg5[%arg0, %add3A_63, %dma_wait3A_81] : memref<2x10112x64xf32, #tpu.memory_space<hbm>> -> memref<1x120x64xf32, #tpu.memory_space<hbm>>
      %dma_wait3A_83 = tpu.memref_squeeze %dma_wait3A_82 : memref<1x120x64xf32, #tpu.memory_space<hbm>> -> memref<120x64xf32, #tpu.memory_space<hbm>>
      %dma_wait3A_84 = arith.constant 0 : i32
      %dma_wait3A_85 = arith.constant 0 : i32
      %dma_wait3A_86 = tpu.memref_slice %arg8[%dma_wait3A_84, %dma_wait3A_85] : memref<128x64xf32, #tpu.memory_space<vmem>> -> memref<120x64xf32, #tpu.memory_space<vmem>>
      tpu.wait_dma2 semaphore(%run_scoped3A : memref<!tpu.dma_semaphore, #tpu.memory_space<semaphore_mem>>) src(%dma_wait3A_86 : memref<120x64xf32, #tpu.memory_space<vmem>>) dst(%dma_wait3A_83 : memref<120x64xf32, #tpu.memory_space<hbm>>)
      tpu.yield
    }) : () -> ()
    return
  }
}

#map = affine_map<(d0, d1) -> (0, 0)>
#map1 = affine_map<(d0, d1) -> (0, 0, 0)>
module attributes {stable_mosaic.version = 14 : i64} {
  func.func @scatter_kernel(%arg0: i32, %arg1: i32, %arg2: memref<2688x128xi32, #tpu.memory_space<hbm>>, %arg3: memref<2688x128xi32, #tpu.memory_space<hbm>>, %arg4: memref<10000x64xf32, #tpu.memory_space<hbm>>, %arg5: memref<2x10112x64xf32, #tpu.memory_space<hbm>>, %arg6: memref<144x128xi32, #tpu.memory_space<vmem>>, %arg7: memref<144x128xi32, #tpu.memory_space<vmem>>, %arg8: memref<128x64xf32, #tpu.memory_space<vmem>>, %arg9: memref<128x64xf32, #tpu.memory_space<vmem>>, %arg10: memref<128x64xf32, #tpu.memory_space<vmem>>, %arg11: memref<128x64xf32, #tpu.memory_space<vmem>>, %arg12: memref<10112x64xf32, #tpu.memory_space<vmem_shared>>, %arg13: memref<!tpu.dma_semaphore, #tpu.memory_space<semaphore_mem>>, %arg14: memref<!tpu.dma_semaphore, #tpu.memory_space<semaphore_mem>>, %arg15: memref<!tpu.dma_semaphore, #tpu.memory_space<semaphore_mem>>, %arg16: memref<!tpu.dma_semaphore, #tpu.memory_space<semaphore_mem>>) attributes {dimension_semantics = [#tpu.dimension_semantics<core_parallel>, #tpu.dimension_semantics<subcore_parallel>], iteration_bounds = array<i64: 2, 16>, scalar_prefetch = 0 : i64, scratch_operands = 11 : i64, tpu.core_type = #tpu.core_type<sc_vector_subcore>, window_params = [{transform_indices = #map}, {transform_indices = #map}, {transform_indices = #map}, {transform_indices = #map1}]} {
    %mul3A = arith.constant 632 : i32
    %mul3A_0 = arith.muli %arg1, %mul3A : i32
    %mul3A_1 = arith.constant -128 : i32
    %mul3A_2 = arith.muli %mul3A_1, %arg0 : i32
    %add3A = arith.constant 144 : i32
    %add3A_3 = arith.addi %add3A, %mul3A_2 : i32
    %mul3A_4 = arith.constant 16 : i32
    %mul3A_5 = arith.muli %arg0, %mul3A_4 : i32
    %mul3A_6 = arith.constant 144 : i32
    %mul3A_7 = arith.muli %mul3A_5, %mul3A_6 : i32
    %mul3A_8 = arith.muli %arg1, %add3A_3 : i32
    %add3A_9 = arith.addi %mul3A_7, %mul3A_8 : i32
    "tpu.region"() ({
      %run_scoped3A = tpu.sem_alloc : memref<!tpu.dma_semaphore, #tpu.memory_space<semaphore_mem>>
      %dma_start3A_64 = arith.constant 0 : i32
      %dma_start3A_65 = tpu.memref_slice %arg2[%add3A_9, %dma_start3A_64] : memref<2688x128xi32, #tpu.memory_space<hbm>> -> memref<144x128xi32, #tpu.memory_space<hbm>>
      %dma_start3A_66 = arith.constant 0 : i32
      %dma_start3A_67 = tpu.memref_slice %arg2[%add3A_9, %dma_start3A_66] : memref<2688x128xi32, #tpu.memory_space<hbm>> -> memref<144x128xi32, #tpu.memory_space<hbm>>
      tpu.enqueue_dma source(%dma_start3A_67 : memref<144x128xi32, #tpu.memory_space<hbm>>) target(%arg6 : memref<144x128xi32, #tpu.memory_space<vmem>>) target_semaphore(%run_scoped3A : memref<!tpu.dma_semaphore, #tpu.memory_space<semaphore_mem>>)
      %dma_wait3A = arith.constant 0 : i32
      %dma_wait3A_68 = tpu.memref_slice %arg2[%add3A_9, %dma_wait3A] : memref<2688x128xi32, #tpu.memory_space<hbm>> -> memref<144x128xi32, #tpu.memory_space<hbm>>
      %dma_wait3A_69 = arith.constant 0 : i32
      %dma_wait3A_70 = tpu.memref_slice %arg2[%add3A_9, %dma_wait3A_69] : memref<2688x128xi32, #tpu.memory_space<hbm>> -> memref<144x128xi32, #tpu.memory_space<hbm>>
      tpu.wait_dma2 semaphore(%run_scoped3A : memref<!tpu.dma_semaphore, #tpu.memory_space<semaphore_mem>>) src(%dma_wait3A_70 : memref<144x128xi32, #tpu.memory_space<hbm>>) dst(%arg6 : memref<144x128xi32, #tpu.memory_space<vmem>>)
      tpu.yield
    }) : () -> ()
    "tpu.region"() ({
      %run_scoped3A = tpu.sem_alloc : memref<!tpu.dma_semaphore, #tpu.memory_space<semaphore_mem>>
      %dma_start3A_64 = arith.constant 0 : i32
      %dma_start3A_65 = tpu.memref_slice %arg3[%add3A_9, %dma_start3A_64] : memref<2688x128xi32, #tpu.memory_space<hbm>> -> memref<144x128xi32, #tpu.memory_space<hbm>>
      %dma_start3A_66 = arith.constant 0 : i32
      %dma_start3A_67 = tpu.memref_slice %arg3[%add3A_9, %dma_start3A_66] : memref<2688x128xi32, #tpu.memory_space<hbm>> -> memref<144x128xi32, #tpu.memory_space<hbm>>
      tpu.enqueue_dma source(%dma_start3A_67 : memref<144x128xi32, #tpu.memory_space<hbm>>) target(%arg7 : memref<144x128xi32, #tpu.memory_space<vmem>>) target_semaphore(%run_scoped3A : memref<!tpu.dma_semaphore, #tpu.memory_space<semaphore_mem>>)
      %dma_wait3A = arith.constant 0 : i32
      %dma_wait3A_68 = tpu.memref_slice %arg3[%add3A_9, %dma_wait3A] : memref<2688x128xi32, #tpu.memory_space<hbm>> -> memref<144x128xi32, #tpu.memory_space<hbm>>
      %dma_wait3A_69 = arith.constant 0 : i32
      %dma_wait3A_70 = tpu.memref_slice %arg3[%add3A_9, %dma_wait3A_69] : memref<2688x128xi32, #tpu.memory_space<hbm>> -> memref<144x128xi32, #tpu.memory_space<hbm>>
      tpu.wait_dma2 semaphore(%run_scoped3A : memref<!tpu.dma_semaphore, #tpu.memory_space<semaphore_mem>>) src(%dma_wait3A_70 : memref<144x128xi32, #tpu.memory_space<hbm>>) dst(%arg7 : memref<144x128xi32, #tpu.memory_space<vmem>>)
      tpu.yield
    }) : () -> ()
    %scan3A = arith.constant 0 : i32
    %scan3A_10 = arith.constant 0 : i32
    %scan3A_11 = arith.constant 512 : i32
    %scan3A_12 = arith.addi %scan3A_10, %scan3A_11 : i32
    %scan3A_13 = arith.constant 1 : i32
    %scan3A_14 = scf.for %scan3A_64 = %scan3A_10 to %scan3A_12 step %scan3A_13 iter_args(%scan3A_65 = %scan3A) -> (i32)  : i32 {
      %jit3A = arith.constant 4 : i32
      %div3A = arith.divsi %scan3A_64, %jit3A : i32
      %sign3A = arith.constant 0 : i32
      %sign3A_66 = arith.cmpi sgt, %scan3A_64, %sign3A : i32
      %sign3A_67 = arith.extui %sign3A_66 : i1 to i32
      %sign3A_68 = arith.constant 0 : i32
      %sign3A_69 = arith.cmpi slt, %scan3A_64, %sign3A_68 : i32
      %sign3A_70 = arith.extui %sign3A_69 : i1 to i32
      %sign3A_71 = arith.subi %sign3A_67, %sign3A_70 : i32
      %sign3A_72 = arith.constant 0 : i32
      %sign3A_73 = arith.cmpi sgt, %jit3A, %sign3A_72 : i32
      %sign3A_74 = arith.extui %sign3A_73 : i1 to i32
      %sign3A_75 = arith.constant 0 : i32
      %sign3A_76 = arith.cmpi slt, %jit3A, %sign3A_75 : i32
      %sign3A_77 = arith.extui %sign3A_76 : i1 to i32
      %sign3A_78 = arith.subi %sign3A_74, %sign3A_77 : i32
      %ne3A = arith.cmpi ne, %sign3A_71, %sign3A_78 : i32
      %rem3A = arith.remsi %scan3A_64, %jit3A : i32
      %ne3A_79 = arith.constant 0 : i32
      %ne3A_80 = arith.cmpi ne, %rem3A, %ne3A_79 : i32
      %and3A = arith.andi %ne3A, %ne3A_80 : i1
      %sub3A = arith.constant 1 : i32
      %sub3A_81 = arith.subi %div3A, %sub3A : i32
      %select_n3A = arith.select %and3A, %sub3A_81, %div3A : i32
      %jit3A_82 = arith.constant 4 : i32
      %eq3A = arith.constant 0 : i32
      %eq3A_83 = arith.cmpi eq, %jit3A_82, %eq3A : i32
      %jit3A_84 = arith.constant 1 : i32
      %select_n3A_85 = arith.select %eq3A_83, %jit3A_84, %jit3A_82 : i32
      %rem3A_86 = arith.remsi %scan3A_64, %select_n3A_85 : i32
      %ne3A_87 = arith.constant 0 : i32
      %ne3A_88 = arith.cmpi ne, %rem3A_86, %ne3A_87 : i32
      %lt3A = arith.constant 0 : i32
      %lt3A_89 = arith.cmpi slt, %rem3A_86, %lt3A : i32
      %lt3A_90 = arith.constant 0 : i32
      %lt3A_91 = arith.cmpi slt, %select_n3A_85, %lt3A_90 : i32
      %ne3A_92 = arith.xori %lt3A_89, %lt3A_91 : i1
      %and3A_93 = arith.andi %ne3A_92, %ne3A_88 : i1
      %add3A_94 = arith.addi %rem3A_86, %select_n3A_85 : i32
      %select_n3A_95 = arith.select %and3A_93, %add3A_94, %rem3A_86 : i32
      %broadcast_in_dim3A = arith.constant 0.000000e+00 : f32
      %broadcast_in_dim3A_96 = vector.broadcast %broadcast_in_dim3A : f32 to vector<16xf32>
      %mul3A_97 = arith.constant 16 : i32
      %mul3A_98 = arith.muli %select_n3A_95, %mul3A_97 : i32
      %swap3A = arith.index_cast %select_n3A : i32 to index
      %swap3A_99 = arith.index_cast %mul3A_98 : i32 to index
      %swap3A_100 = tpu.vector_load %arg8[%swap3A, %swap3A_99] {strides = array<i32>} : memref<128x64xf32, #tpu.memory_space<vmem>>, vector<1x16xf32>,
      %swap3A_101 = vector.shape_cast %swap3A_100 : vector<1x16xf32> to vector<16xf32>
      %swap3A_102 = vector.shape_cast %broadcast_in_dim3A_96 : vector<16xf32> to vector<1x16xf32>
      tpu.vector_store %arg8[%swap3A, %swap3A_99], %swap3A_102 {strides = array<i32>} : memref<128x64xf32, #tpu.memory_space<vmem>>, vector<1x16xf32>,
      %scan3A_103 = arith.constant 0 : i32
      scf.yield %scan3A_103 : i32
    }
    %scan3A_15 = arith.constant 512 : i32
    %add3A_16 = arith.constant 0 : i32
    %add3A_17 = arith.addi %mul3A_0, %add3A_16 : i32
    "tpu.region"() ({
      %run_scoped3A = tpu.sem_alloc : memref<!tpu.dma_semaphore, #tpu.memory_space<semaphore_mem>>
      %dma_start3A_64 = arith.constant 0 : i32
      %dma_start3A_65 = tpu.memref_slice %arg12[%add3A_17, %dma_start3A_64] : memref<10112x64xf32, #tpu.memory_space<vmem_shared>> -> memref<128x64xf32, #tpu.memory_space<vmem_shared>>
      %dma_start3A_66 = arith.constant 0 : i32
      %dma_start3A_67 = tpu.memref_slice %arg12[%add3A_17, %dma_start3A_66] : memref<10112x64xf32, #tpu.memory_space<vmem_shared>> -> memref<128x64xf32, #tpu.memory_space<vmem_shared>>
      tpu.enqueue_dma source(%arg8 : memref<128x64xf32, #tpu.memory_space<vmem>>) target(%dma_start3A_67 : memref<128x64xf32, #tpu.memory_space<vmem_shared>>) target_semaphore(%run_scoped3A : memref<!tpu.dma_semaphore, #tpu.memory_space<semaphore_mem>>)
      %dma_wait3A = arith.constant 0 : i32
      %dma_wait3A_68 = tpu.memref_slice %arg12[%add3A_17, %dma_wait3A] : memref<10112x64xf32, #tpu.memory_space<vmem_shared>> -> memref<128x64xf32, #tpu.memory_space<vmem_shared>>
      %dma_wait3A_69 = arith.constant 0 : i32
      %dma_wait3A_70 = tpu.memref_slice %arg12[%add3A_17, %dma_wait3A_69] : memref<10112x64xf32, #tpu.memory_space<vmem_shared>> -> memref<128x64xf32, #tpu.memory_space<vmem_shared>>
      tpu.wait_dma2 semaphore(%run_scoped3A : memref<!tpu.dma_semaphore, #tpu.memory_space<semaphore_mem>>) src(%arg8 : memref<128x64xf32, #tpu.memory_space<vmem>>) dst(%dma_wait3A_70 : memref<128x64xf32, #tpu.memory_space<vmem_shared>>)
      tpu.yield
    }) : () -> ()
    %add3A_18 = arith.constant 128 : i32
    %add3A_19 = arith.addi %mul3A_0, %add3A_18 : i32
    "tpu.region"() ({
      %run_scoped3A = tpu.sem_alloc : memref<!tpu.dma_semaphore, #tpu.memory_space<semaphore_mem>>
      %dma_start3A_64 = arith.constant 0 : i32
      %dma_start3A_65 = tpu.memref_slice %arg12[%add3A_19, %dma_start3A_64] : memref<10112x64xf32, #tpu.memory_space<vmem_shared>> -> memref<128x64xf32, #tpu.memory_space<vmem_shared>>
      %dma_start3A_66 = arith.constant 0 : i32
      %dma_start3A_67 = tpu.memref_slice %arg12[%add3A_19, %dma_start3A_66] : memref<10112x64xf32, #tpu.memory_space<vmem_shared>> -> memref<128x64xf32, #tpu.memory_space<vmem_shared>>
      tpu.enqueue_dma source(%arg8 : memref<128x64xf32, #tpu.memory_space<vmem>>) target(%dma_start3A_67 : memref<128x64xf32, #tpu.memory_space<vmem_shared>>) target_semaphore(%run_scoped3A : memref<!tpu.dma_semaphore, #tpu.memory_space<semaphore_mem>>)
      %dma_wait3A = arith.constant 0 : i32
      %dma_wait3A_68 = tpu.memref_slice %arg12[%add3A_19, %dma_wait3A] : memref<10112x64xf32, #tpu.memory_space<vmem_shared>> -> memref<128x64xf32, #tpu.memory_space<vmem_shared>>
      %dma_wait3A_69 = arith.constant 0 : i32
      %dma_wait3A_70 = tpu.memref_slice %arg12[%add3A_19, %dma_wait3A_69] : memref<10112x64xf32, #tpu.memory_space<vmem_shared>> -> memref<128x64xf32, #tpu.memory_space<vmem_shared>>
      tpu.wait_dma2 semaphore(%run_scoped3A : memref<!tpu.dma_semaphore, #tpu.memory_space<semaphore_mem>>) src(%arg8 : memref<128x64xf32, #tpu.memory_space<vmem>>) dst(%dma_wait3A_70 : memref<128x64xf32, #tpu.memory_space<vmem_shared>>)
      tpu.yield
    }) : () -> ()
    %add3A_20 = arith.constant 256 : i32
    %add3A_21 = arith.addi %mul3A_0, %add3A_20 : i32
    "tpu.region"() ({
      %run_scoped3A = tpu.sem_alloc : memref<!tpu.dma_semaphore, #tpu.memory_space<semaphore_mem>>
      %dma_start3A_64 = arith.constant 0 : i32
      %dma_start3A_65 = tpu.memref_slice %arg12[%add3A_21, %dma_start3A_64] : memref<10112x64xf32, #tpu.memory_space<vmem_shared>> -> memref<128x64xf32, #tpu.memory_space<vmem_shared>>
      %dma_start3A_66 = arith.constant 0 : i32
      %dma_start3A_67 = tpu.memref_slice %arg12[%add3A_21, %dma_start3A_66] : memref<10112x64xf32, #tpu.memory_space<vmem_shared>> -> memref<128x64xf32, #tpu.memory_space<vmem_shared>>
      tpu.enqueue_dma source(%arg8 : memref<128x64xf32, #tpu.memory_space<vmem>>) target(%dma_start3A_67 : memref<128x64xf32, #tpu.memory_space<vmem_shared>>) target_semaphore(%run_scoped3A : memref<!tpu.dma_semaphore, #tpu.memory_space<semaphore_mem>>)
      %dma_wait3A = arith.constant 0 : i32
      %dma_wait3A_68 = tpu.memref_slice %arg12[%add3A_21, %dma_wait3A] : memref<10112x64xf32, #tpu.memory_space<vmem_shared>> -> memref<128x64xf32, #tpu.memory_space<vmem_shared>>
      %dma_wait3A_69 = arith.constant 0 : i32
      %dma_wait3A_70 = tpu.memref_slice %arg12[%add3A_21, %dma_wait3A_69] : memref<10112x64xf32, #tpu.memory_space<vmem_shared>> -> memref<128x64xf32, #tpu.memory_space<vmem_shared>>
      tpu.wait_dma2 semaphore(%run_scoped3A : memref<!tpu.dma_semaphore, #tpu.memory_space<semaphore_mem>>) src(%arg8 : memref<128x64xf32, #tpu.memory_space<vmem>>) dst(%dma_wait3A_70 : memref<128x64xf32, #tpu.memory_space<vmem_shared>>)
      tpu.yield
    }) : () -> ()
    %add3A_22 = arith.constant 384 : i32
    %add3A_23 = arith.addi %mul3A_0, %add3A_22 : i32
    "tpu.region"() ({
      %run_scoped3A = tpu.sem_alloc : memref<!tpu.dma_semaphore, #tpu.memory_space<semaphore_mem>>
      %dma_start3A_64 = arith.constant 0 : i32
      %dma_start3A_65 = tpu.memref_slice %arg12[%add3A_23, %dma_start3A_64] : memref<10112x64xf32, #tpu.memory_space<vmem_shared>> -> memref<128x64xf32, #tpu.memory_space<vmem_shared>>
      %dma_start3A_66 = arith.constant 0 : i32
      %dma_start3A_67 = tpu.memref_slice %arg12[%add3A_23, %dma_start3A_66] : memref<10112x64xf32, #tpu.memory_space<vmem_shared>> -> memref<128x64xf32, #tpu.memory_space<vmem_shared>>
      tpu.enqueue_dma source(%arg8 : memref<128x64xf32, #tpu.memory_space<vmem>>) target(%dma_start3A_67 : memref<128x64xf32, #tpu.memory_space<vmem_shared>>) target_semaphore(%run_scoped3A : memref<!tpu.dma_semaphore, #tpu.memory_space<semaphore_mem>>)
      %dma_wait3A = arith.constant 0 : i32
      %dma_wait3A_68 = tpu.memref_slice %arg12[%add3A_23, %dma_wait3A] : memref<10112x64xf32, #tpu.memory_space<vmem_shared>> -> memref<128x64xf32, #tpu.memory_space<vmem_shared>>
      %dma_wait3A_69 = arith.constant 0 : i32
      %dma_wait3A_70 = tpu.memref_slice %arg12[%add3A_23, %dma_wait3A_69] : memref<10112x64xf32, #tpu.memory_space<vmem_shared>> -> memref<128x64xf32, #tpu.memory_space<vmem_shared>>
      tpu.wait_dma2 semaphore(%run_scoped3A : memref<!tpu.dma_semaphore, #tpu.memory_space<semaphore_mem>>) src(%arg8 : memref<128x64xf32, #tpu.memory_space<vmem>>) dst(%dma_wait3A_70 : memref<128x64xf32, #tpu.memory_space<vmem_shared>>)
      tpu.yield
    }) : () -> ()
    %add3A_24 = arith.constant 512 : i32
    %add3A_25 = arith.addi %mul3A_0, %add3A_24 : i32
    "tpu.region"() ({
      %run_scoped3A = tpu.sem_alloc : memref<!tpu.dma_semaphore, #tpu.memory_space<semaphore_mem>>
      %dma_start3A_64 = arith.constant 0 : i32
      %dma_start3A_65 = arith.constant 0 : i32
      %dma_start3A_66 = tpu.memref_slice %arg8[%dma_start3A_64, %dma_start3A_65] : memref<128x64xf32, #tpu.memory_space<vmem>> -> memref<120x64xf32, #tpu.memory_space<vmem>>
      %dma_start3A_67 = arith.constant 0 : i32
      %dma_start3A_68 = tpu.memref_slice %arg12[%add3A_25, %dma_start3A_67] : memref<10112x64xf32, #tpu.memory_space<vmem_shared>> -> memref<120x64xf32, #tpu.memory_space<vmem_shared>>
      %dma_start3A_69 = arith.constant 0 : i32
      %dma_start3A_70 = tpu.memref_slice %arg12[%add3A_25, %dma_start3A_69] : memref<10112x64xf32, #tpu.memory_space<vmem_shared>> -> memref<120x64xf32, #tpu.memory_space<vmem_shared>>
      %dma_start3A_71 = arith.constant 0 : i32
      %dma_start3A_72 = arith.constant 0 : i32
      %dma_start3A_73 = tpu.memref_slice %arg8[%dma_start3A_71, %dma_start3A_72] : memref<128x64xf32, #tpu.memory_space<vmem>> -> memref<120x64xf32, #tpu.memory_space<vmem>>
      tpu.enqueue_dma source(%dma_start3A_73 : memref<120x64xf32, #tpu.memory_space<vmem>>) target(%dma_start3A_70 : memref<120x64xf32, #tpu.memory_space<vmem_shared>>) target_semaphore(%run_scoped3A : memref<!tpu.dma_semaphore, #tpu.memory_space<semaphore_mem>>)
      %dma_wait3A = arith.constant 0 : i32
      %dma_wait3A_74 = arith.constant 0 : i32
      %dma_wait3A_75 = tpu.memref_slice %arg8[%dma_wait3A, %dma_wait3A_74] : memref<128x64xf32, #tpu.memory_space<vmem>> -> memref<120x64xf32, #tpu.memory_space<vmem>>
      %dma_wait3A_76 = arith.constant 0 : i32
      %dma_wait3A_77 = tpu.memref_slice %arg12[%add3A_25, %dma_wait3A_76] : memref<10112x64xf32, #tpu.memory_space<vmem_shared>> -> memref<120x64xf32, #tpu.memory_space<vmem_shared>>
      %dma_wait3A_78 = arith.constant 0 : i32
      %dma_wait3A_79 = tpu.memref_slice %arg12[%add3A_25, %dma_wait3A_78] : memref<10112x64xf32, #tpu.memory_space<vmem_shared>> -> memref<120x64xf32, #tpu.memory_space<vmem_shared>>
      %dma_wait3A_80 = arith.constant 0 : i32
      %dma_wait3A_81 = arith.constant 0 : i32
      %dma_wait3A_82 = tpu.memref_slice %arg8[%dma_wait3A_80, %dma_wait3A_81] : memref<128x64xf32, #tpu.memory_space<vmem>> -> memref<120x64xf32, #tpu.memory_space<vmem>>
      tpu.wait_dma2 semaphore(%run_scoped3A : memref<!tpu.dma_semaphore, #tpu.memory_space<semaphore_mem>>) src(%dma_wait3A_82 : memref<120x64xf32, #tpu.memory_space<vmem>>) dst(%dma_wait3A_79 : memref<120x64xf32, #tpu.memory_space<vmem_shared>>)
      tpu.yield
    }) : () -> ()
    %barrier3A = arith.constant 0 : index
    tpu.barrier barrier_id(%barrier3A)
    %dma_start3A = arith.constant 0 : i32
    %dma_start3A_26 = arith.constant 0 : i32
    %dma_start3A_27 = tpu.memref_slice %arg6[%dma_start3A, %dma_start3A_26] : memref<144x128xi32, #tpu.memory_space<vmem>> -> memref<1x128xi32, #tpu.memory_space<vmem>>
    %dma_start3A_28 = tpu.memref_squeeze %dma_start3A_27 : memref<1x128xi32, #tpu.memory_space<vmem>> -> memref<128xi32, #tpu.memory_space<vmem>>
    %dma_start3A_29 = arith.constant 0 : i32
    %dma_start3A_30 = arith.constant 0 : i32
    %dma_start3A_31 = tpu.memref_slice %arg4[%dma_start3A_29, %dma_start3A_30] : memref<10000x64xf32, #tpu.memory_space<hbm>> -> memref<10000x64xf32, #tpu.memory_space<hbm>>
    tpu.enqueue_indirect_dma source(%dma_start3A_31 : memref<10000x64xf32, #tpu.memory_space<hbm>>) target(%arg8 : memref<128x64xf32, #tpu.memory_space<vmem>>) offsets(%dma_start3A_28 : memref<128xi32, #tpu.memory_space<vmem>>) semaphore(%arg13 : memref<!tpu.dma_semaphore, #tpu.memory_space<semaphore_mem>>)
    %dma_start3A_32 = arith.constant 1 : i32
    %dma_start3A_33 = arith.constant 0 : i32
    %dma_start3A_34 = tpu.memref_slice %arg6[%dma_start3A_32, %dma_start3A_33] : memref<144x128xi32, #tpu.memory_space<vmem>> -> memref<1x128xi32, #tpu.memory_space<vmem>>
    %dma_start3A_35 = tpu.memref_squeeze %dma_start3A_34 : memref<1x128xi32, #tpu.memory_space<vmem>> -> memref<128xi32, #tpu.memory_space<vmem>>
    %dma_start3A_36 = arith.constant 0 : i32
    %dma_start3A_37 = arith.constant 0 : i32
    %dma_start3A_38 = tpu.memref_slice %arg4[%dma_start3A_36, %dma_start3A_37] : memref<10000x64xf32, #tpu.memory_space<hbm>> -> memref<10000x64xf32, #tpu.memory_space<hbm>>
    tpu.enqueue_indirect_dma source(%dma_start3A_38 : memref<10000x64xf32, #tpu.memory_space<hbm>>) target(%arg9 : memref<128x64xf32, #tpu.memory_space<vmem>>) offsets(%dma_start3A_35 : memref<128xi32, #tpu.memory_space<vmem>>) semaphore(%arg14 : memref<!tpu.dma_semaphore, #tpu.memory_space<semaphore_mem>>)
    %dma_start3A_39 = arith.constant 2 : i32
    %dma_start3A_40 = arith.constant 0 : i32
    %dma_start3A_41 = tpu.memref_slice %arg6[%dma_start3A_39, %dma_start3A_40] : memref<144x128xi32, #tpu.memory_space<vmem>> -> memref<1x128xi32, #tpu.memory_space<vmem>>
    %dma_start3A_42 = tpu.memref_squeeze %dma_start3A_41 : memref<1x128xi32, #tpu.memory_space<vmem>> -> memref<128xi32, #tpu.memory_space<vmem>>
    %dma_start3A_43 = arith.constant 0 : i32
    %dma_start3A_44 = arith.constant 0 : i32
    %dma_start3A_45 = tpu.memref_slice %arg4[%dma_start3A_43, %dma_start3A_44] : memref<10000x64xf32, #tpu.memory_space<hbm>> -> memref<10000x64xf32, #tpu.memory_space<hbm>>
    tpu.enqueue_indirect_dma source(%dma_start3A_45 : memref<10000x64xf32, #tpu.memory_space<hbm>>) target(%arg10 : memref<128x64xf32, #tpu.memory_space<vmem>>) offsets(%dma_start3A_42 : memref<128xi32, #tpu.memory_space<vmem>>) semaphore(%arg15 : memref<!tpu.dma_semaphore, #tpu.memory_space<semaphore_mem>>)
    %scan3A_46 = arith.constant 0 : i32
    %scan3A_47 = arith.constant 0 : i32
    %scan3A_48 = arith.constant 36 : i32
    %scan3A_49 = arith.addi %scan3A_47, %scan3A_48 : i32
    %scan3A_50 = arith.constant 1 : i32
    %scan3A_51 = scf.for %scan3A_64 = %scan3A_47 to %scan3A_49 step %scan3A_50 iter_args(%scan3A_65 = %scan3A_46) -> (i32)  : i32 {
      %mul3A_66 = arith.constant 4 : i32
      %mul3A_67 = arith.muli %scan3A_64, %mul3A_66 : i32
      %add3A_68 = arith.constant 0 : i32
      %add3A_69 = arith.addi %mul3A_67, %add3A_68 : i32
      %lt3A = arith.cmpi slt, %add3A_69, %add3A_3 : i32
      %convert_element_type3A = arith.extui %lt3A : i1 to i32
      %cond3A = arith.constant 0 : i32
      %cond3A_70 = arith.cmpi ne, %convert_element_type3A, %cond3A : i32
      scf.if %cond3A_70 {
        %dma_wait3A = arith.constant 0 : i32
        %dma_wait3A_127 = tpu.memref_slice %arg6[%add3A_69, %dma_wait3A] : memref<144x128xi32, #tpu.memory_space<vmem>> -> memref<1x128xi32, #tpu.memory_space<vmem>>
        %dma_wait3A_128 = tpu.memref_squeeze %dma_wait3A_127 : memref<1x128xi32, #tpu.memory_space<vmem>> -> memref<128xi32, #tpu.memory_space<vmem>>
        %dma_wait3A_129 = arith.constant 0 : i32
        %dma_wait3A_130 = arith.constant 0 : i32
        %dma_wait3A_131 = tpu.memref_slice %arg4[%dma_wait3A_129, %dma_wait3A_130] : memref<10000x64xf32, #tpu.memory_space<hbm>> -> memref<10000x64xf32, #tpu.memory_space<hbm>>
        tpu.wait_indirect_dma semaphore(%arg13 : memref<!tpu.dma_semaphore, #tpu.memory_space<semaphore_mem>>) src(%dma_wait3A_131 : memref<10000x64xf32, #tpu.memory_space<hbm>>) dst(%arg8 : memref<128x64xf32, #tpu.memory_space<vmem>>)
        "tpu.region"() ({
          %run_scoped3A = tpu.sem_alloc : memref<!tpu.dma_semaphore, #tpu.memory_space<semaphore_mem>>
          %dma_start3A_132 = arith.constant 0 : i32
          %dma_start3A_133 = tpu.memref_slice %arg7[%add3A_69, %dma_start3A_132] : memref<144x128xi32, #tpu.memory_space<vmem>> -> memref<1x128xi32, #tpu.memory_space<vmem>>
          %dma_start3A_134 = tpu.memref_squeeze %dma_start3A_133 : memref<1x128xi32, #tpu.memory_space<vmem>> -> memref<128xi32, #tpu.memory_space<vmem>>
          %dma_start3A_135 = arith.constant 0 : i32
          %dma_start3A_136 = arith.constant 0 : i32
          %dma_start3A_137 = tpu.memref_slice %arg12[%dma_start3A_135, %dma_start3A_136] : memref<10112x64xf32, #tpu.memory_space<vmem_shared>> -> memref<10112x64xf32, #tpu.memory_space<vmem_shared>>
          tpu.enqueue_indirect_dma source(%arg8 : memref<128x64xf32, #tpu.memory_space<vmem>>) target(%dma_start3A_137 : memref<10112x64xf32, #tpu.memory_space<vmem_shared>>) offsets(%dma_start3A_134 : memref<128xi32, #tpu.memory_space<vmem>>) semaphore(%run_scoped3A : memref<!tpu.dma_semaphore, #tpu.memory_space<semaphore_mem>>) {add = true}
          %dma_wait3A_138 = arith.constant 0 : i32
          %dma_wait3A_139 = tpu.memref_slice %arg7[%add3A_69, %dma_wait3A_138] : memref<144x128xi32, #tpu.memory_space<vmem>> -> memref<1x128xi32, #tpu.memory_space<vmem>>
          %dma_wait3A_140 = tpu.memref_squeeze %dma_wait3A_139 : memref<1x128xi32, #tpu.memory_space<vmem>> -> memref<128xi32, #tpu.memory_space<vmem>>
          %dma_wait3A_141 = arith.constant 0 : i32
          %dma_wait3A_142 = arith.constant 0 : i32
          %dma_wait3A_143 = tpu.memref_slice %arg12[%dma_wait3A_141, %dma_wait3A_142] : memref<10112x64xf32, #tpu.memory_space<vmem_shared>> -> memref<10112x64xf32, #tpu.memory_space<vmem_shared>>
          tpu.wait_indirect_dma semaphore(%run_scoped3A : memref<!tpu.dma_semaphore, #tpu.memory_space<semaphore_mem>>) src(%arg8 : memref<128x64xf32, #tpu.memory_space<vmem>>) dst(%dma_wait3A_143 : memref<10112x64xf32, #tpu.memory_space<vmem_shared>>)
          tpu.yield
        }) : () -> ()
      } else {
      }
      %add3A_71 = arith.constant 4 : i32
      %add3A_72 = arith.addi %add3A_69, %add3A_71 : i32
      %sub3A = arith.constant 1 : i32
      %sub3A_73 = arith.subi %add3A_72, %sub3A : i32
      %lt3A_74 = arith.cmpi slt, %sub3A_73, %add3A_3 : i32
      %convert_element_type3A_75 = arith.extui %lt3A_74 : i1 to i32
      %cond3A_76 = arith.constant 0 : i32
      %cond3A_77 = arith.cmpi ne, %convert_element_type3A_75, %cond3A_76 : i32
      scf.if %cond3A_77 {
        %dma_start3A_127 = arith.constant 0 : i32
        %dma_start3A_128 = tpu.memref_slice %arg6[%sub3A_73, %dma_start3A_127] : memref<144x128xi32, #tpu.memory_space<vmem>> -> memref<1x128xi32, #tpu.memory_space<vmem>>
        %dma_start3A_129 = tpu.memref_squeeze %dma_start3A_128 : memref<1x128xi32, #tpu.memory_space<vmem>> -> memref<128xi32, #tpu.memory_space<vmem>>
        %dma_start3A_130 = arith.constant 0 : i32
        %dma_start3A_131 = arith.constant 0 : i32
        %dma_start3A_132 = tpu.memref_slice %arg4[%dma_start3A_130, %dma_start3A_131] : memref<10000x64xf32, #tpu.memory_space<hbm>> -> memref<10000x64xf32, #tpu.memory_space<hbm>>
        tpu.enqueue_indirect_dma source(%dma_start3A_132 : memref<10000x64xf32, #tpu.memory_space<hbm>>) target(%arg11 : memref<128x64xf32, #tpu.memory_space<vmem>>) offsets(%dma_start3A_129 : memref<128xi32, #tpu.memory_space<vmem>>) semaphore(%arg16 : memref<!tpu.dma_semaphore, #tpu.memory_space<semaphore_mem>>)
      } else {
      }
      %mul3A_78 = arith.constant 4 : i32
      %mul3A_79 = arith.muli %scan3A_64, %mul3A_78 : i32
      %add3A_80 = arith.constant 1 : i32
      %add3A_81 = arith.addi %mul3A_79, %add3A_80 : i32
      %lt3A_82 = arith.cmpi slt, %add3A_81, %add3A_3 : i32
      %convert_element_type3A_83 = arith.extui %lt3A_82 : i1 to i32
      %cond3A_84 = arith.constant 0 : i32
      %cond3A_85 = arith.cmpi ne, %convert_element_type3A_83, %cond3A_84 : i32
      scf.if %cond3A_85 {
        %dma_wait3A = arith.constant 0 : i32
        %dma_wait3A_127 = tpu.memref_slice %arg6[%add3A_81, %dma_wait3A] : memref<144x128xi32, #tpu.memory_space<vmem>> -> memref<1x128xi32, #tpu.memory_space<vmem>>
        %dma_wait3A_128 = tpu.memref_squeeze %dma_wait3A_127 : memref<1x128xi32, #tpu.memory_space<vmem>> -> memref<128xi32, #tpu.memory_space<vmem>>
        %dma_wait3A_129 = arith.constant 0 : i32
        %dma_wait3A_130 = arith.constant 0 : i32
        %dma_wait3A_131 = tpu.memref_slice %arg4[%dma_wait3A_129, %dma_wait3A_130] : memref<10000x64xf32, #tpu.memory_space<hbm>> -> memref<10000x64xf32, #tpu.memory_space<hbm>>
        tpu.wait_indirect_dma semaphore(%arg14 : memref<!tpu.dma_semaphore, #tpu.memory_space<semaphore_mem>>) src(%dma_wait3A_131 : memref<10000x64xf32, #tpu.memory_space<hbm>>) dst(%arg9 : memref<128x64xf32, #tpu.memory_space<vmem>>)
        "tpu.region"() ({
          %run_scoped3A = tpu.sem_alloc : memref<!tpu.dma_semaphore, #tpu.memory_space<semaphore_mem>>
          %dma_start3A_132 = arith.constant 0 : i32
          %dma_start3A_133 = tpu.memref_slice %arg7[%add3A_81, %dma_start3A_132] : memref<144x128xi32, #tpu.memory_space<vmem>> -> memref<1x128xi32, #tpu.memory_space<vmem>>
          %dma_start3A_134 = tpu.memref_squeeze %dma_start3A_133 : memref<1x128xi32, #tpu.memory_space<vmem>> -> memref<128xi32, #tpu.memory_space<vmem>>
          %dma_start3A_135 = arith.constant 0 : i32
          %dma_start3A_136 = arith.constant 0 : i32
          %dma_start3A_137 = tpu.memref_slice %arg12[%dma_start3A_135, %dma_start3A_136] : memref<10112x64xf32, #tpu.memory_space<vmem_shared>> -> memref<10112x64xf32, #tpu.memory_space<vmem_shared>>
          tpu.enqueue_indirect_dma source(%arg9 : memref<128x64xf32, #tpu.memory_space<vmem>>) target(%dma_start3A_137 : memref<10112x64xf32, #tpu.memory_space<vmem_shared>>) offsets(%dma_start3A_134 : memref<128xi32, #tpu.memory_space<vmem>>) semaphore(%run_scoped3A : memref<!tpu.dma_semaphore, #tpu.memory_space<semaphore_mem>>) {add = true}
          %dma_wait3A_138 = arith.constant 0 : i32
          %dma_wait3A_139 = tpu.memref_slice %arg7[%add3A_81, %dma_wait3A_138] : memref<144x128xi32, #tpu.memory_space<vmem>> -> memref<1x128xi32, #tpu.memory_space<vmem>>
          %dma_wait3A_140 = tpu.memref_squeeze %dma_wait3A_139 : memref<1x128xi32, #tpu.memory_space<vmem>> -> memref<128xi32, #tpu.memory_space<vmem>>
          %dma_wait3A_141 = arith.constant 0 : i32
          %dma_wait3A_142 = arith.constant 0 : i32
          %dma_wait3A_143 = tpu.memref_slice %arg12[%dma_wait3A_141, %dma_wait3A_142] : memref<10112x64xf32, #tpu.memory_space<vmem_shared>> -> memref<10112x64xf32, #tpu.memory_space<vmem_shared>>
          tpu.wait_indirect_dma semaphore(%run_scoped3A : memref<!tpu.dma_semaphore, #tpu.memory_space<semaphore_mem>>) src(%arg9 : memref<128x64xf32, #tpu.memory_space<vmem>>) dst(%dma_wait3A_143 : memref<10112x64xf32, #tpu.memory_space<vmem_shared>>)
          tpu.yield
        }) : () -> ()
      } else {
      }
      %add3A_86 = arith.constant 4 : i32
      %add3A_87 = arith.addi %add3A_81, %add3A_86 : i32
      %sub3A_88 = arith.constant 1 : i32
      %sub3A_89 = arith.subi %add3A_87, %sub3A_88 : i32
      %lt3A_90 = arith.cmpi slt, %sub3A_89, %add3A_3 : i32
      %convert_element_type3A_91 = arith.extui %lt3A_90 : i1 to i32
      %cond3A_92 = arith.constant 0 : i32
      %cond3A_93 = arith.cmpi ne, %convert_element_type3A_91, %cond3A_92 : i32
      scf.if %cond3A_93 {
        %dma_start3A_127 = arith.constant 0 : i32
        %dma_start3A_128 = tpu.memref_slice %arg6[%sub3A_89, %dma_start3A_127] : memref<144x128xi32, #tpu.memory_space<vmem>> -> memref<1x128xi32, #tpu.memory_space<vmem>>
        %dma_start3A_129 = tpu.memref_squeeze %dma_start3A_128 : memref<1x128xi32, #tpu.memory_space<vmem>> -> memref<128xi32, #tpu.memory_space<vmem>>
        %dma_start3A_130 = arith.constant 0 : i32
        %dma_start3A_131 = arith.constant 0 : i32
        %dma_start3A_132 = tpu.memref_slice %arg4[%dma_start3A_130, %dma_start3A_131] : memref<10000x64xf32, #tpu.memory_space<hbm>> -> memref<10000x64xf32, #tpu.memory_space<hbm>>
        tpu.enqueue_indirect_dma source(%dma_start3A_132 : memref<10000x64xf32, #tpu.memory_space<hbm>>) target(%arg8 : memref<128x64xf32, #tpu.memory_space<vmem>>) offsets(%dma_start3A_129 : memref<128xi32, #tpu.memory_space<vmem>>) semaphore(%arg13 : memref<!tpu.dma_semaphore, #tpu.memory_space<semaphore_mem>>)
      } else {
      }
      %mul3A_94 = arith.constant 4 : i32
      %mul3A_95 = arith.muli %scan3A_64, %mul3A_94 : i32
      %add3A_96 = arith.constant 2 : i32
      %add3A_97 = arith.addi %mul3A_95, %add3A_96 : i32
      %lt3A_98 = arith.cmpi slt, %add3A_97, %add3A_3 : i32
      %convert_element_type3A_99 = arith.extui %lt3A_98 : i1 to i32
      %cond3A_100 = arith.constant 0 : i32
      %cond3A_101 = arith.cmpi ne, %convert_element_type3A_99, %cond3A_100 : i32
      scf.if %cond3A_101 {
        %dma_wait3A = arith.constant 0 : i32
        %dma_wait3A_127 = tpu.memref_slice %arg6[%add3A_97, %dma_wait3A] : memref<144x128xi32, #tpu.memory_space<vmem>> -> memref<1x128xi32, #tpu.memory_space<vmem>>
        %dma_wait3A_128 = tpu.memref_squeeze %dma_wait3A_127 : memref<1x128xi32, #tpu.memory_space<vmem>> -> memref<128xi32, #tpu.memory_space<vmem>>
        %dma_wait3A_129 = arith.constant 0 : i32
        %dma_wait3A_130 = arith.constant 0 : i32
        %dma_wait3A_131 = tpu.memref_slice %arg4[%dma_wait3A_129, %dma_wait3A_130] : memref<10000x64xf32, #tpu.memory_space<hbm>> -> memref<10000x64xf32, #tpu.memory_space<hbm>>
        tpu.wait_indirect_dma semaphore(%arg15 : memref<!tpu.dma_semaphore, #tpu.memory_space<semaphore_mem>>) src(%dma_wait3A_131 : memref<10000x64xf32, #tpu.memory_space<hbm>>) dst(%arg10 : memref<128x64xf32, #tpu.memory_space<vmem>>)
        "tpu.region"() ({
          %run_scoped3A = tpu.sem_alloc : memref<!tpu.dma_semaphore, #tpu.memory_space<semaphore_mem>>
          %dma_start3A_132 = arith.constant 0 : i32
          %dma_start3A_133 = tpu.memref_slice %arg7[%add3A_97, %dma_start3A_132] : memref<144x128xi32, #tpu.memory_space<vmem>> -> memref<1x128xi32, #tpu.memory_space<vmem>>
          %dma_start3A_134 = tpu.memref_squeeze %dma_start3A_133 : memref<1x128xi32, #tpu.memory_space<vmem>> -> memref<128xi32, #tpu.memory_space<vmem>>
          %dma_start3A_135 = arith.constant 0 : i32
          %dma_start3A_136 = arith.constant 0 : i32
          %dma_start3A_137 = tpu.memref_slice %arg12[%dma_start3A_135, %dma_start3A_136] : memref<10112x64xf32, #tpu.memory_space<vmem_shared>> -> memref<10112x64xf32, #tpu.memory_space<vmem_shared>>
          tpu.enqueue_indirect_dma source(%arg10 : memref<128x64xf32, #tpu.memory_space<vmem>>) target(%dma_start3A_137 : memref<10112x64xf32, #tpu.memory_space<vmem_shared>>) offsets(%dma_start3A_134 : memref<128xi32, #tpu.memory_space<vmem>>) semaphore(%run_scoped3A : memref<!tpu.dma_semaphore, #tpu.memory_space<semaphore_mem>>) {add = true}
          %dma_wait3A_138 = arith.constant 0 : i32
          %dma_wait3A_139 = tpu.memref_slice %arg7[%add3A_97, %dma_wait3A_138] : memref<144x128xi32, #tpu.memory_space<vmem>> -> memref<1x128xi32, #tpu.memory_space<vmem>>
          %dma_wait3A_140 = tpu.memref_squeeze %dma_wait3A_139 : memref<1x128xi32, #tpu.memory_space<vmem>> -> memref<128xi32, #tpu.memory_space<vmem>>
          %dma_wait3A_141 = arith.constant 0 : i32
          %dma_wait3A_142 = arith.constant 0 : i32
          %dma_wait3A_143 = tpu.memref_slice %arg12[%dma_wait3A_141, %dma_wait3A_142] : memref<10112x64xf32, #tpu.memory_space<vmem_shared>> -> memref<10112x64xf32, #tpu.memory_space<vmem_shared>>
          tpu.wait_indirect_dma semaphore(%run_scoped3A : memref<!tpu.dma_semaphore, #tpu.memory_space<semaphore_mem>>) src(%arg10 : memref<128x64xf32, #tpu.memory_space<vmem>>) dst(%dma_wait3A_143 : memref<10112x64xf32, #tpu.memory_space<vmem_shared>>)
          tpu.yield
        }) : () -> ()
      } else {
      }
      %add3A_102 = arith.constant 4 : i32
      %add3A_103 = arith.addi %add3A_97, %add3A_102 : i32
      %sub3A_104 = arith.constant 1 : i32
      %sub3A_105 = arith.subi %add3A_103, %sub3A_104 : i32
      %lt3A_106 = arith.cmpi slt, %sub3A_105, %add3A_3 : i32
      %convert_element_type3A_107 = arith.extui %lt3A_106 : i1 to i32
      %cond3A_108 = arith.constant 0 : i32
      %cond3A_109 = arith.cmpi ne, %convert_element_type3A_107, %cond3A_108 : i32
      scf.if %cond3A_109 {
        %dma_start3A_127 = arith.constant 0 : i32
        %dma_start3A_128 = tpu.memref_slice %arg6[%sub3A_105, %dma_start3A_127] : memref<144x128xi32, #tpu.memory_space<vmem>> -> memref<1x128xi32, #tpu.memory_space<vmem>>
        %dma_start3A_129 = tpu.memref_squeeze %dma_start3A_128 : memref<1x128xi32, #tpu.memory_space<vmem>> -> memref<128xi32, #tpu.memory_space<vmem>>
        %dma_start3A_130 = arith.constant 0 : i32
        %dma_start3A_131 = arith.constant 0 : i32
        %dma_start3A_132 = tpu.memref_slice %arg4[%dma_start3A_130, %dma_start3A_131] : memref<10000x64xf32, #tpu.memory_space<hbm>> -> memref<10000x64xf32, #tpu.memory_space<hbm>>
        tpu.enqueue_indirect_dma source(%dma_start3A_132 : memref<10000x64xf32, #tpu.memory_space<hbm>>) target(%arg9 : memref<128x64xf32, #tpu.memory_space<vmem>>) offsets(%dma_start3A_129 : memref<128xi32, #tpu.memory_space<vmem>>) semaphore(%arg14 : memref<!tpu.dma_semaphore, #tpu.memory_space<semaphore_mem>>)
      } else {
      }
      %mul3A_110 = arith.constant 4 : i32
      %mul3A_111 = arith.muli %scan3A_64, %mul3A_110 : i32
      %add3A_112 = arith.constant 3 : i32
      %add3A_113 = arith.addi %mul3A_111, %add3A_112 : i32
      %lt3A_114 = arith.cmpi slt, %add3A_113, %add3A_3 : i32
      %convert_element_type3A_115 = arith.extui %lt3A_114 : i1 to i32
      %cond3A_116 = arith.constant 0 : i32
      %cond3A_117 = arith.cmpi ne, %convert_element_type3A_115, %cond3A_116 : i32
      scf.if %cond3A_117 {
        %dma_wait3A = arith.constant 0 : i32
        %dma_wait3A_127 = tpu.memref_slice %arg6[%add3A_113, %dma_wait3A] : memref<144x128xi32, #tpu.memory_space<vmem>> -> memref<1x128xi32, #tpu.memory_space<vmem>>
        %dma_wait3A_128 = tpu.memref_squeeze %dma_wait3A_127 : memref<1x128xi32, #tpu.memory_space<vmem>> -> memref<128xi32, #tpu.memory_space<vmem>>
        %dma_wait3A_129 = arith.constant 0 : i32
        %dma_wait3A_130 = arith.constant 0 : i32
        %dma_wait3A_131 = tpu.memref_slice %arg4[%dma_wait3A_129, %dma_wait3A_130] : memref<10000x64xf32, #tpu.memory_space<hbm>> -> memref<10000x64xf32, #tpu.memory_space<hbm>>
        tpu.wait_indirect_dma semaphore(%arg16 : memref<!tpu.dma_semaphore, #tpu.memory_space<semaphore_mem>>) src(%dma_wait3A_131 : memref<10000x64xf32, #tpu.memory_space<hbm>>) dst(%arg11 : memref<128x64xf32, #tpu.memory_space<vmem>>)
        "tpu.region"() ({
          %run_scoped3A = tpu.sem_alloc : memref<!tpu.dma_semaphore, #tpu.memory_space<semaphore_mem>>
          %dma_start3A_132 = arith.constant 0 : i32
          %dma_start3A_133 = tpu.memref_slice %arg7[%add3A_113, %dma_start3A_132] : memref<144x128xi32, #tpu.memory_space<vmem>> -> memref<1x128xi32, #tpu.memory_space<vmem>>
          %dma_start3A_134 = tpu.memref_squeeze %dma_start3A_133 : memref<1x128xi32, #tpu.memory_space<vmem>> -> memref<128xi32, #tpu.memory_space<vmem>>
          %dma_start3A_135 = arith.constant 0 : i32
          %dma_start3A_136 = arith.constant 0 : i32
          %dma_start3A_137 = tpu.memref_slice %arg12[%dma_start3A_135, %dma_start3A_136] : memref<10112x64xf32, #tpu.memory_space<vmem_shared>> -> memref<10112x64xf32, #tpu.memory_space<vmem_shared>>
          tpu.enqueue_indirect_dma source(%arg11 : memref<128x64xf32, #tpu.memory_space<vmem>>) target(%dma_start3A_137 : memref<10112x64xf32, #tpu.memory_space<vmem_shared>>) offsets(%dma_start3A_134 : memref<128xi32, #tpu.memory_space<vmem>>) semaphore(%run_scoped3A : memref<!tpu.dma_semaphore, #tpu.memory_space<semaphore_mem>>) {add = true}
          %dma_wait3A_138 = arith.constant 0 : i32
          %dma_wait3A_139 = tpu.memref_slice %arg7[%add3A_113, %dma_wait3A_138] : memref<144x128xi32, #tpu.memory_space<vmem>> -> memref<1x128xi32, #tpu.memory_space<vmem>>
          %dma_wait3A_140 = tpu.memref_squeeze %dma_wait3A_139 : memref<1x128xi32, #tpu.memory_space<vmem>> -> memref<128xi32, #tpu.memory_space<vmem>>
          %dma_wait3A_141 = arith.constant 0 : i32
          %dma_wait3A_142 = arith.constant 0 : i32
          %dma_wait3A_143 = tpu.memref_slice %arg12[%dma_wait3A_141, %dma_wait3A_142] : memref<10112x64xf32, #tpu.memory_space<vmem_shared>> -> memref<10112x64xf32, #tpu.memory_space<vmem_shared>>
          tpu.wait_indirect_dma semaphore(%run_scoped3A : memref<!tpu.dma_semaphore, #tpu.memory_space<semaphore_mem>>) src(%arg11 : memref<128x64xf32, #tpu.memory_space<vmem>>) dst(%dma_wait3A_143 : memref<10112x64xf32, #tpu.memory_space<vmem_shared>>)
          tpu.yield
        }) : () -> ()
      } else {
      }
      %add3A_118 = arith.constant 4 : i32
      %add3A_119 = arith.addi %add3A_113, %add3A_118 : i32
      %sub3A_120 = arith.constant 1 : i32
      %sub3A_121 = arith.subi %add3A_119, %sub3A_120 : i32
      %lt3A_122 = arith.cmpi slt, %sub3A_121, %add3A_3 : i32
      %convert_element_type3A_123 = arith.extui %lt3A_122 : i1 to i32
      %cond3A_124 = arith.constant 0 : i32
      %cond3A_125 = arith.cmpi ne, %convert_element_type3A_123, %cond3A_124 : i32
      scf.if %cond3A_125 {
        %dma_start3A_127 = arith.constant 0 : i32
        %dma_start3A_128 = tpu.memref_slice %arg6[%sub3A_121, %dma_start3A_127] : memref<144x128xi32, #tpu.memory_space<vmem>> -> memref<1x128xi32, #tpu.memory_space<vmem>>
        %dma_start3A_129 = tpu.memref_squeeze %dma_start3A_128 : memref<1x128xi32, #tpu.memory_space<vmem>> -> memref<128xi32, #tpu.memory_space<vmem>>
        %dma_start3A_130 = arith.constant 0 : i32
        %dma_start3A_131 = arith.constant 0 : i32
        %dma_start3A_132 = tpu.memref_slice %arg4[%dma_start3A_130, %dma_start3A_131] : memref<10000x64xf32, #tpu.memory_space<hbm>> -> memref<10000x64xf32, #tpu.memory_space<hbm>>
        tpu.enqueue_indirect_dma source(%dma_start3A_132 : memref<10000x64xf32, #tpu.memory_space<hbm>>) target(%arg10 : memref<128x64xf32, #tpu.memory_space<vmem>>) offsets(%dma_start3A_129 : memref<128xi32, #tpu.memory_space<vmem>>) semaphore(%arg15 : memref<!tpu.dma_semaphore, #tpu.memory_space<semaphore_mem>>)
      } else {
      }
      %scan3A_126 = arith.constant 0 : i32
      scf.yield %scan3A_126 : i32
    }
    %scan3A_52 = arith.constant 36 : i32
    %barrier3A_53 = arith.constant 0 : index
    tpu.barrier barrier_id(%barrier3A_53)
    %add3A_54 = arith.constant 0 : i32
    %add3A_55 = arith.addi %mul3A_0, %add3A_54 : i32
    "tpu.region"() ({
      %run_scoped3A = tpu.sem_alloc : memref<!tpu.dma_semaphore, #tpu.memory_space<semaphore_mem>>
      %dma_start3A_64 = arith.constant 0 : i32
      %dma_start3A_65 = arith.constant 0 : i32
      %dma_start3A_66 = tpu.memref_slice %arg8[%dma_start3A_64, %dma_start3A_65] : memref<128x64xf32, #tpu.memory_space<vmem>> -> memref<128x64xf32, #tpu.memory_space<vmem>>
      %dma_start3A_67 = arith.constant 0 : i32
      %dma_start3A_68 = tpu.memref_slice %arg12[%add3A_55, %dma_start3A_67] : memref<10112x64xf32, #tpu.memory_space<vmem_shared>> -> memref<128x64xf32, #tpu.memory_space<vmem_shared>>
      %dma_start3A_69 = arith.constant 0 : i32
      %dma_start3A_70 = arith.constant 0 : i32
      %dma_start3A_71 = tpu.memref_slice %arg8[%dma_start3A_69, %dma_start3A_70] : memref<128x64xf32, #tpu.memory_space<vmem>> -> memref<128x64xf32, #tpu.memory_space<vmem>>
      %dma_start3A_72 = arith.constant 0 : i32
      %dma_start3A_73 = tpu.memref_slice %arg12[%add3A_55, %dma_start3A_72] : memref<10112x64xf32, #tpu.memory_space<vmem_shared>> -> memref<128x64xf32, #tpu.memory_space<vmem_shared>>
      tpu.enqueue_dma source(%dma_start3A_73 : memref<128x64xf32, #tpu.memory_space<vmem_shared>>) target(%dma_start3A_71 : memref<128x64xf32, #tpu.memory_space<vmem>>) target_semaphore(%run_scoped3A : memref<!tpu.dma_semaphore, #tpu.memory_space<semaphore_mem>>)
      %dma_wait3A = arith.constant 0 : i32
      %dma_wait3A_74 = arith.constant 0 : i32
      %dma_wait3A_75 = tpu.memref_slice %arg8[%dma_wait3A, %dma_wait3A_74] : memref<128x64xf32, #tpu.memory_space<vmem>> -> memref<128x64xf32, #tpu.memory_space<vmem>>
      %dma_wait3A_76 = arith.constant 0 : i32
      %dma_wait3A_77 = tpu.memref_slice %arg12[%add3A_55, %dma_wait3A_76] : memref<10112x64xf32, #tpu.memory_space<vmem_shared>> -> memref<128x64xf32, #tpu.memory_space<vmem_shared>>
      %dma_wait3A_78 = arith.constant 0 : i32
      %dma_wait3A_79 = arith.constant 0 : i32
      %dma_wait3A_80 = tpu.memref_slice %arg8[%dma_wait3A_78, %dma_wait3A_79] : memref<128x64xf32, #tpu.memory_space<vmem>> -> memref<128x64xf32, #tpu.memory_space<vmem>>
      %dma_wait3A_81 = arith.constant 0 : i32
      %dma_wait3A_82 = tpu.memref_slice %arg12[%add3A_55, %dma_wait3A_81] : memref<10112x64xf32, #tpu.memory_space<vmem_shared>> -> memref<128x64xf32, #tpu.memory_space<vmem_shared>>
      tpu.wait_dma2 semaphore(%run_scoped3A : memref<!tpu.dma_semaphore, #tpu.memory_space<semaphore_mem>>) src(%dma_wait3A_82 : memref<128x64xf32, #tpu.memory_space<vmem_shared>>) dst(%dma_wait3A_80 : memref<128x64xf32, #tpu.memory_space<vmem>>)
      tpu.yield
    }) : () -> ()
    "tpu.region"() ({
      %run_scoped3A = tpu.sem_alloc : memref<!tpu.dma_semaphore, #tpu.memory_space<semaphore_mem>>
      %dma_start3A_64 = arith.constant 0 : i32
      %dma_start3A_65 = arith.constant 0 : i32
      %dma_start3A_66 = tpu.memref_slice %arg8[%dma_start3A_64, %dma_start3A_65] : memref<128x64xf32, #tpu.memory_space<vmem>> -> memref<128x64xf32, #tpu.memory_space<vmem>>
      %dma_start3A_67 = arith.constant 0 : i32
      %dma_start3A_68 = tpu.memref_slice %arg5[%arg0, %add3A_55, %dma_start3A_67] : memref<2x10112x64xf32, #tpu.memory_space<hbm>> -> memref<1x128x64xf32, #tpu.memory_space<hbm>>
      %dma_start3A_69 = tpu.memref_squeeze %dma_start3A_68 : memref<1x128x64xf32, #tpu.memory_space<hbm>> -> memref<128x64xf32, #tpu.memory_space<hbm>>
      %dma_start3A_70 = arith.constant 0 : i32
      %dma_start3A_71 = tpu.memref_slice %arg5[%arg0, %add3A_55, %dma_start3A_70] : memref<2x10112x64xf32, #tpu.memory_space<hbm>> -> memref<1x128x64xf32, #tpu.memory_space<hbm>>
      %dma_start3A_72 = tpu.memref_squeeze %dma_start3A_71 : memref<1x128x64xf32, #tpu.memory_space<hbm>> -> memref<128x64xf32, #tpu.memory_space<hbm>>
      %dma_start3A_73 = arith.constant 0 : i32
      %dma_start3A_74 = arith.constant 0 : i32
      %dma_start3A_75 = tpu.memref_slice %arg8[%dma_start3A_73, %dma_start3A_74] : memref<128x64xf32, #tpu.memory_space<vmem>> -> memref<128x64xf32, #tpu.memory_space<vmem>>
      tpu.enqueue_dma source(%dma_start3A_75 : memref<128x64xf32, #tpu.memory_space<vmem>>) target(%dma_start3A_72 : memref<128x64xf32, #tpu.memory_space<hbm>>) target_semaphore(%run_scoped3A : memref<!tpu.dma_semaphore, #tpu.memory_space<semaphore_mem>>)
      %dma_wait3A = arith.constant 0 : i32
      %dma_wait3A_76 = arith.constant 0 : i32
      %dma_wait3A_77 = tpu.memref_slice %arg8[%dma_wait3A, %dma_wait3A_76] : memref<128x64xf32, #tpu.memory_space<vmem>> -> memref<128x64xf32, #tpu.memory_space<vmem>>
      %dma_wait3A_78 = arith.constant 0 : i32
      %dma_wait3A_79 = tpu.memref_slice %arg5[%arg0, %add3A_55, %dma_wait3A_78] : memref<2x10112x64xf32, #tpu.memory_space<hbm>> -> memref<1x128x64xf32, #tpu.memory_space<hbm>>
      %dma_wait3A_80 = tpu.memref_squeeze %dma_wait3A_79 : memref<1x128x64xf32, #tpu.memory_space<hbm>> -> memref<128x64xf32, #tpu.memory_space<hbm>>
      %dma_wait3A_81 = arith.constant 0 : i32
      %dma_wait3A_82 = tpu.memref_slice %arg5[%arg0, %add3A_55, %dma_wait3A_81] : memref<2x10112x64xf32, #tpu.memory_space<hbm>> -> memref<1x128x64xf32, #tpu.memory_space<hbm>>
      %dma_wait3A_83 = tpu.memref_squeeze %dma_wait3A_82 : memref<1x128x64xf32, #tpu.memory_space<hbm>> -> memref<128x64xf32, #tpu.memory_space<hbm>>
      %dma_wait3A_84 = arith.constant 0 : i32
      %dma_wait3A_85 = arith.constant 0 : i32
      %dma_wait3A_86 = tpu.memref_slice %arg8[%dma_wait3A_84, %dma_wait3A_85] : memref<128x64xf32, #tpu.memory_space<vmem>> -> memref<128x64xf32, #tpu.memory_space<vmem>>
      tpu.wait_dma2 semaphore(%run_scoped3A : memref<!tpu.dma_semaphore, #tpu.memory_space<semaphore_mem>>) src(%dma_wait3A_86 : memref<128x64xf32, #tpu.memory_space<vmem>>) dst(%dma_wait3A_83 : memref<128x64xf32, #tpu.memory_space<hbm>>)
      tpu.yield
    }) : () -> ()
    %add3A_56 = arith.constant 128 : i32
    %add3A_57 = arith.addi %mul3A_0, %add3A_56 : i32
    "tpu.region"() ({
      %run_scoped3A = tpu.sem_alloc : memref<!tpu.dma_semaphore, #tpu.memory_space<semaphore_mem>>
      %dma_start3A_64 = arith.constant 0 : i32
      %dma_start3A_65 = arith.constant 0 : i32
      %dma_start3A_66 = tpu.memref_slice %arg8[%dma_start3A_64, %dma_start3A_65] : memref<128x64xf32, #tpu.memory_space<vmem>> -> memref<128x64xf32, #tpu.memory_space<vmem>>
      %dma_start3A_67 = arith.constant 0 : i32
      %dma_start3A_68 = tpu.memref_slice %arg12[%add3A_57, %dma_start3A_67] : memref<10112x64xf32, #tpu.memory_space<vmem_shared>> -> memref<128x64xf32, #tpu.memory_space<vmem_shared>>
      %dma_start3A_69 = arith.constant 0 : i32
      %dma_start3A_70 = arith.constant 0 : i32
      %dma_start3A_71 = tpu.memref_slice %arg8[%dma_start3A_69, %dma_start3A_70] : memref<128x64xf32, #tpu.memory_space<vmem>> -> memref<128x64xf32, #tpu.memory_space<vmem>>
      %dma_start3A_72 = arith.constant 0 : i32
      %dma_start3A_73 = tpu.memref_slice %arg12[%add3A_57, %dma_start3A_72] : memref<10112x64xf32, #tpu.memory_space<vmem_shared>> -> memref<128x64xf32, #tpu.memory_space<vmem_shared>>
      tpu.enqueue_dma source(%dma_start3A_73 : memref<128x64xf32, #tpu.memory_space<vmem_shared>>) target(%dma_start3A_71 : memref<128x64xf32, #tpu.memory_space<vmem>>) target_semaphore(%run_scoped3A : memref<!tpu.dma_semaphore, #tpu.memory_space<semaphore_mem>>)
      %dma_wait3A = arith.constant 0 : i32
      %dma_wait3A_74 = arith.constant 0 : i32
      %dma_wait3A_75 = tpu.memref_slice %arg8[%dma_wait3A, %dma_wait3A_74] : memref<128x64xf32, #tpu.memory_space<vmem>> -> memref<128x64xf32, #tpu.memory_space<vmem>>
      %dma_wait3A_76 = arith.constant 0 : i32
      %dma_wait3A_77 = tpu.memref_slice %arg12[%add3A_57, %dma_wait3A_76] : memref<10112x64xf32, #tpu.memory_space<vmem_shared>> -> memref<128x64xf32, #tpu.memory_space<vmem_shared>>
      %dma_wait3A_78 = arith.constant 0 : i32
      %dma_wait3A_79 = arith.constant 0 : i32
      %dma_wait3A_80 = tpu.memref_slice %arg8[%dma_wait3A_78, %dma_wait3A_79] : memref<128x64xf32, #tpu.memory_space<vmem>> -> memref<128x64xf32, #tpu.memory_space<vmem>>
      %dma_wait3A_81 = arith.constant 0 : i32
      %dma_wait3A_82 = tpu.memref_slice %arg12[%add3A_57, %dma_wait3A_81] : memref<10112x64xf32, #tpu.memory_space<vmem_shared>> -> memref<128x64xf32, #tpu.memory_space<vmem_shared>>
      tpu.wait_dma2 semaphore(%run_scoped3A : memref<!tpu.dma_semaphore, #tpu.memory_space<semaphore_mem>>) src(%dma_wait3A_82 : memref<128x64xf32, #tpu.memory_space<vmem_shared>>) dst(%dma_wait3A_80 : memref<128x64xf32, #tpu.memory_space<vmem>>)
      tpu.yield
    }) : () -> ()
    "tpu.region"() ({
      %run_scoped3A = tpu.sem_alloc : memref<!tpu.dma_semaphore, #tpu.memory_space<semaphore_mem>>
      %dma_start3A_64 = arith.constant 0 : i32
      %dma_start3A_65 = arith.constant 0 : i32
      %dma_start3A_66 = tpu.memref_slice %arg8[%dma_start3A_64, %dma_start3A_65] : memref<128x64xf32, #tpu.memory_space<vmem>> -> memref<128x64xf32, #tpu.memory_space<vmem>>
      %dma_start3A_67 = arith.constant 0 : i32
      %dma_start3A_68 = tpu.memref_slice %arg5[%arg0, %add3A_57, %dma_start3A_67] : memref<2x10112x64xf32, #tpu.memory_space<hbm>> -> memref<1x128x64xf32, #tpu.memory_space<hbm>>
      %dma_start3A_69 = tpu.memref_squeeze %dma_start3A_68 : memref<1x128x64xf32, #tpu.memory_space<hbm>> -> memref<128x64xf32, #tpu.memory_space<hbm>>
      %dma_start3A_70 = arith.constant 0 : i32
      %dma_start3A_71 = tpu.memref_slice %arg5[%arg0, %add3A_57, %dma_start3A_70] : memref<2x10112x64xf32, #tpu.memory_space<hbm>> -> memref<1x128x64xf32, #tpu.memory_space<hbm>>
      %dma_start3A_72 = tpu.memref_squeeze %dma_start3A_71 : memref<1x128x64xf32, #tpu.memory_space<hbm>> -> memref<128x64xf32, #tpu.memory_space<hbm>>
      %dma_start3A_73 = arith.constant 0 : i32
      %dma_start3A_74 = arith.constant 0 : i32
      %dma_start3A_75 = tpu.memref_slice %arg8[%dma_start3A_73, %dma_start3A_74] : memref<128x64xf32, #tpu.memory_space<vmem>> -> memref<128x64xf32, #tpu.memory_space<vmem>>
      tpu.enqueue_dma source(%dma_start3A_75 : memref<128x64xf32, #tpu.memory_space<vmem>>) target(%dma_start3A_72 : memref<128x64xf32, #tpu.memory_space<hbm>>) target_semaphore(%run_scoped3A : memref<!tpu.dma_semaphore, #tpu.memory_space<semaphore_mem>>)
      %dma_wait3A = arith.constant 0 : i32
      %dma_wait3A_76 = arith.constant 0 : i32
      %dma_wait3A_77 = tpu.memref_slice %arg8[%dma_wait3A, %dma_wait3A_76] : memref<128x64xf32, #tpu.memory_space<vmem>> -> memref<128x64xf32, #tpu.memory_space<vmem>>
      %dma_wait3A_78 = arith.constant 0 : i32
      %dma_wait3A_79 = tpu.memref_slice %arg5[%arg0, %add3A_57, %dma_wait3A_78] : memref<2x10112x64xf32, #tpu.memory_space<hbm>> -> memref<1x128x64xf32, #tpu.memory_space<hbm>>
      %dma_wait3A_80 = tpu.memref_squeeze %dma_wait3A_79 : memref<1x128x64xf32, #tpu.memory_space<hbm>> -> memref<128x64xf32, #tpu.memory_space<hbm>>
      %dma_wait3A_81 = arith.constant 0 : i32
      %dma_wait3A_82 = tpu.memref_slice %arg5[%arg0, %add3A_57, %dma_wait3A_81] : memref<2x10112x64xf32, #tpu.memory_space<hbm>> -> memref<1x128x64xf32, #tpu.memory_space<hbm>>
      %dma_wait3A_83 = tpu.memref_squeeze %dma_wait3A_82 : memref<1x128x64xf32, #tpu.memory_space<hbm>> -> memref<128x64xf32, #tpu.memory_space<hbm>>
      %dma_wait3A_84 = arith.constant 0 : i32
      %dma_wait3A_85 = arith.constant 0 : i32
      %dma_wait3A_86 = tpu.memref_slice %arg8[%dma_wait3A_84, %dma_wait3A_85] : memref<128x64xf32, #tpu.memory_space<vmem>> -> memref<128x64xf32, #tpu.memory_space<vmem>>
      tpu.wait_dma2 semaphore(%run_scoped3A : memref<!tpu.dma_semaphore, #tpu.memory_space<semaphore_mem>>) src(%dma_wait3A_86 : memref<128x64xf32, #tpu.memory_space<vmem>>) dst(%dma_wait3A_83 : memref<128x64xf32, #tpu.memory_space<hbm>>)
      tpu.yield
    }) : () -> ()
    %add3A_58 = arith.constant 256 : i32
    %add3A_59 = arith.addi %mul3A_0, %add3A_58 : i32
    "tpu.region"() ({
      %run_scoped3A = tpu.sem_alloc : memref<!tpu.dma_semaphore, #tpu.memory_space<semaphore_mem>>
      %dma_start3A_64 = arith.constant 0 : i32
      %dma_start3A_65 = arith.constant 0 : i32
      %dma_start3A_66 = tpu.memref_slice %arg8[%dma_start3A_64, %dma_start3A_65] : memref<128x64xf32, #tpu.memory_space<vmem>> -> memref<128x64xf32, #tpu.memory_space<vmem>>
      %dma_start3A_67 = arith.constant 0 : i32
      %dma_start3A_68 = tpu.memref_slice %arg12[%add3A_59, %dma_start3A_67] : memref<10112x64xf32, #tpu.memory_space<vmem_shared>> -> memref<128x64xf32, #tpu.memory_space<vmem_shared>>
      %dma_start3A_69 = arith.constant 0 : i32
      %dma_start3A_70 = arith.constant 0 : i32
      %dma_start3A_71 = tpu.memref_slice %arg8[%dma_start3A_69, %dma_start3A_70] : memref<128x64xf32, #tpu.memory_space<vmem>> -> memref<128x64xf32, #tpu.memory_space<vmem>>
      %dma_start3A_72 = arith.constant 0 : i32
      %dma_start3A_73 = tpu.memref_slice %arg12[%add3A_59, %dma_start3A_72] : memref<10112x64xf32, #tpu.memory_space<vmem_shared>> -> memref<128x64xf32, #tpu.memory_space<vmem_shared>>
      tpu.enqueue_dma source(%dma_start3A_73 : memref<128x64xf32, #tpu.memory_space<vmem_shared>>) target(%dma_start3A_71 : memref<128x64xf32, #tpu.memory_space<vmem>>) target_semaphore(%run_scoped3A : memref<!tpu.dma_semaphore, #tpu.memory_space<semaphore_mem>>)
      %dma_wait3A = arith.constant 0 : i32
      %dma_wait3A_74 = arith.constant 0 : i32
      %dma_wait3A_75 = tpu.memref_slice %arg8[%dma_wait3A, %dma_wait3A_74] : memref<128x64xf32, #tpu.memory_space<vmem>> -> memref<128x64xf32, #tpu.memory_space<vmem>>
      %dma_wait3A_76 = arith.constant 0 : i32
      %dma_wait3A_77 = tpu.memref_slice %arg12[%add3A_59, %dma_wait3A_76] : memref<10112x64xf32, #tpu.memory_space<vmem_shared>> -> memref<128x64xf32, #tpu.memory_space<vmem_shared>>
      %dma_wait3A_78 = arith.constant 0 : i32
      %dma_wait3A_79 = arith.constant 0 : i32
      %dma_wait3A_80 = tpu.memref_slice %arg8[%dma_wait3A_78, %dma_wait3A_79] : memref<128x64xf32, #tpu.memory_space<vmem>> -> memref<128x64xf32, #tpu.memory_space<vmem>>
      %dma_wait3A_81 = arith.constant 0 : i32
      %dma_wait3A_82 = tpu.memref_slice %arg12[%add3A_59, %dma_wait3A_81] : memref<10112x64xf32, #tpu.memory_space<vmem_shared>> -> memref<128x64xf32, #tpu.memory_space<vmem_shared>>
      tpu.wait_dma2 semaphore(%run_scoped3A : memref<!tpu.dma_semaphore, #tpu.memory_space<semaphore_mem>>) src(%dma_wait3A_82 : memref<128x64xf32, #tpu.memory_space<vmem_shared>>) dst(%dma_wait3A_80 : memref<128x64xf32, #tpu.memory_space<vmem>>)
      tpu.yield
    }) : () -> ()
    "tpu.region"() ({
      %run_scoped3A = tpu.sem_alloc : memref<!tpu.dma_semaphore, #tpu.memory_space<semaphore_mem>>
      %dma_start3A_64 = arith.constant 0 : i32
      %dma_start3A_65 = arith.constant 0 : i32
      %dma_start3A_66 = tpu.memref_slice %arg8[%dma_start3A_64, %dma_start3A_65] : memref<128x64xf32, #tpu.memory_space<vmem>> -> memref<128x64xf32, #tpu.memory_space<vmem>>
      %dma_start3A_67 = arith.constant 0 : i32
      %dma_start3A_68 = tpu.memref_slice %arg5[%arg0, %add3A_59, %dma_start3A_67] : memref<2x10112x64xf32, #tpu.memory_space<hbm>> -> memref<1x128x64xf32, #tpu.memory_space<hbm>>
      %dma_start3A_69 = tpu.memref_squeeze %dma_start3A_68 : memref<1x128x64xf32, #tpu.memory_space<hbm>> -> memref<128x64xf32, #tpu.memory_space<hbm>>
      %dma_start3A_70 = arith.constant 0 : i32
      %dma_start3A_71 = tpu.memref_slice %arg5[%arg0, %add3A_59, %dma_start3A_70] : memref<2x10112x64xf32, #tpu.memory_space<hbm>> -> memref<1x128x64xf32, #tpu.memory_space<hbm>>
      %dma_start3A_72 = tpu.memref_squeeze %dma_start3A_71 : memref<1x128x64xf32, #tpu.memory_space<hbm>> -> memref<128x64xf32, #tpu.memory_space<hbm>>
      %dma_start3A_73 = arith.constant 0 : i32
      %dma_start3A_74 = arith.constant 0 : i32
      %dma_start3A_75 = tpu.memref_slice %arg8[%dma_start3A_73, %dma_start3A_74] : memref<128x64xf32, #tpu.memory_space<vmem>> -> memref<128x64xf32, #tpu.memory_space<vmem>>
      tpu.enqueue_dma source(%dma_start3A_75 : memref<128x64xf32, #tpu.memory_space<vmem>>) target(%dma_start3A_72 : memref<128x64xf32, #tpu.memory_space<hbm>>) target_semaphore(%run_scoped3A : memref<!tpu.dma_semaphore, #tpu.memory_space<semaphore_mem>>)
      %dma_wait3A = arith.constant 0 : i32
      %dma_wait3A_76 = arith.constant 0 : i32
      %dma_wait3A_77 = tpu.memref_slice %arg8[%dma_wait3A, %dma_wait3A_76] : memref<128x64xf32, #tpu.memory_space<vmem>> -> memref<128x64xf32, #tpu.memory_space<vmem>>
      %dma_wait3A_78 = arith.constant 0 : i32
      %dma_wait3A_79 = tpu.memref_slice %arg5[%arg0, %add3A_59, %dma_wait3A_78] : memref<2x10112x64xf32, #tpu.memory_space<hbm>> -> memref<1x128x64xf32, #tpu.memory_space<hbm>>
      %dma_wait3A_80 = tpu.memref_squeeze %dma_wait3A_79 : memref<1x128x64xf32, #tpu.memory_space<hbm>> -> memref<128x64xf32, #tpu.memory_space<hbm>>
      %dma_wait3A_81 = arith.constant 0 : i32
      %dma_wait3A_82 = tpu.memref_slice %arg5[%arg0, %add3A_59, %dma_wait3A_81] : memref<2x10112x64xf32, #tpu.memory_space<hbm>> -> memref<1x128x64xf32, #tpu.memory_space<hbm>>
      %dma_wait3A_83 = tpu.memref_squeeze %dma_wait3A_82 : memref<1x128x64xf32, #tpu.memory_space<hbm>> -> memref<128x64xf32, #tpu.memory_space<hbm>>
      %dma_wait3A_84 = arith.constant 0 : i32
      %dma_wait3A_85 = arith.constant 0 : i32
      %dma_wait3A_86 = tpu.memref_slice %arg8[%dma_wait3A_84, %dma_wait3A_85] : memref<128x64xf32, #tpu.memory_space<vmem>> -> memref<128x64xf32, #tpu.memory_space<vmem>>
      tpu.wait_dma2 semaphore(%run_scoped3A : memref<!tpu.dma_semaphore, #tpu.memory_space<semaphore_mem>>) src(%dma_wait3A_86 : memref<128x64xf32, #tpu.memory_space<vmem>>) dst(%dma_wait3A_83 : memref<128x64xf32, #tpu.memory_space<hbm>>)
      tpu.yield
    }) : () -> ()
    %add3A_60 = arith.constant 384 : i32
    %add3A_61 = arith.addi %mul3A_0, %add3A_60 : i32
    "tpu.region"() ({
      %run_scoped3A = tpu.sem_alloc : memref<!tpu.dma_semaphore, #tpu.memory_space<semaphore_mem>>
      %dma_start3A_64 = arith.constant 0 : i32
      %dma_start3A_65 = arith.constant 0 : i32
      %dma_start3A_66 = tpu.memref_slice %arg8[%dma_start3A_64, %dma_start3A_65] : memref<128x64xf32, #tpu.memory_space<vmem>> -> memref<128x64xf32, #tpu.memory_space<vmem>>
      %dma_start3A_67 = arith.constant 0 : i32
      %dma_start3A_68 = tpu.memref_slice %arg12[%add3A_61, %dma_start3A_67] : memref<10112x64xf32, #tpu.memory_space<vmem_shared>> -> memref<128x64xf32, #tpu.memory_space<vmem_shared>>
      %dma_start3A_69 = arith.constant 0 : i32
      %dma_start3A_70 = arith.constant 0 : i32
      %dma_start3A_71 = tpu.memref_slice %arg8[%dma_start3A_69, %dma_start3A_70] : memref<128x64xf32, #tpu.memory_space<vmem>> -> memref<128x64xf32, #tpu.memory_space<vmem>>
      %dma_start3A_72 = arith.constant 0 : i32
      %dma_start3A_73 = tpu.memref_slice %arg12[%add3A_61, %dma_start3A_72] : memref<10112x64xf32, #tpu.memory_space<vmem_shared>> -> memref<128x64xf32, #tpu.memory_space<vmem_shared>>
      tpu.enqueue_dma source(%dma_start3A_73 : memref<128x64xf32, #tpu.memory_space<vmem_shared>>) target(%dma_start3A_71 : memref<128x64xf32, #tpu.memory_space<vmem>>) target_semaphore(%run_scoped3A : memref<!tpu.dma_semaphore, #tpu.memory_space<semaphore_mem>>)
      %dma_wait3A = arith.constant 0 : i32
      %dma_wait3A_74 = arith.constant 0 : i32
      %dma_wait3A_75 = tpu.memref_slice %arg8[%dma_wait3A, %dma_wait3A_74] : memref<128x64xf32, #tpu.memory_space<vmem>> -> memref<128x64xf32, #tpu.memory_space<vmem>>
      %dma_wait3A_76 = arith.constant 0 : i32
      %dma_wait3A_77 = tpu.memref_slice %arg12[%add3A_61, %dma_wait3A_76] : memref<10112x64xf32, #tpu.memory_space<vmem_shared>> -> memref<128x64xf32, #tpu.memory_space<vmem_shared>>
      %dma_wait3A_78 = arith.constant 0 : i32
      %dma_wait3A_79 = arith.constant 0 : i32
      %dma_wait3A_80 = tpu.memref_slice %arg8[%dma_wait3A_78, %dma_wait3A_79] : memref<128x64xf32, #tpu.memory_space<vmem>> -> memref<128x64xf32, #tpu.memory_space<vmem>>
      %dma_wait3A_81 = arith.constant 0 : i32
      %dma_wait3A_82 = tpu.memref_slice %arg12[%add3A_61, %dma_wait3A_81] : memref<10112x64xf32, #tpu.memory_space<vmem_shared>> -> memref<128x64xf32, #tpu.memory_space<vmem_shared>>
      tpu.wait_dma2 semaphore(%run_scoped3A : memref<!tpu.dma_semaphore, #tpu.memory_space<semaphore_mem>>) src(%dma_wait3A_82 : memref<128x64xf32, #tpu.memory_space<vmem_shared>>) dst(%dma_wait3A_80 : memref<128x64xf32, #tpu.memory_space<vmem>>)
      tpu.yield
    }) : () -> ()
    "tpu.region"() ({
      %run_scoped3A = tpu.sem_alloc : memref<!tpu.dma_semaphore, #tpu.memory_space<semaphore_mem>>
      %dma_start3A_64 = arith.constant 0 : i32
      %dma_start3A_65 = arith.constant 0 : i32
      %dma_start3A_66 = tpu.memref_slice %arg8[%dma_start3A_64, %dma_start3A_65] : memref<128x64xf32, #tpu.memory_space<vmem>> -> memref<128x64xf32, #tpu.memory_space<vmem>>
      %dma_start3A_67 = arith.constant 0 : i32
      %dma_start3A_68 = tpu.memref_slice %arg5[%arg0, %add3A_61, %dma_start3A_67] : memref<2x10112x64xf32, #tpu.memory_space<hbm>> -> memref<1x128x64xf32, #tpu.memory_space<hbm>>
      %dma_start3A_69 = tpu.memref_squeeze %dma_start3A_68 : memref<1x128x64xf32, #tpu.memory_space<hbm>> -> memref<128x64xf32, #tpu.memory_space<hbm>>
      %dma_start3A_70 = arith.constant 0 : i32
      %dma_start3A_71 = tpu.memref_slice %arg5[%arg0, %add3A_61, %dma_start3A_70] : memref<2x10112x64xf32, #tpu.memory_space<hbm>> -> memref<1x128x64xf32, #tpu.memory_space<hbm>>
      %dma_start3A_72 = tpu.memref_squeeze %dma_start3A_71 : memref<1x128x64xf32, #tpu.memory_space<hbm>> -> memref<128x64xf32, #tpu.memory_space<hbm>>
      %dma_start3A_73 = arith.constant 0 : i32
      %dma_start3A_74 = arith.constant 0 : i32
      %dma_start3A_75 = tpu.memref_slice %arg8[%dma_start3A_73, %dma_start3A_74] : memref<128x64xf32, #tpu.memory_space<vmem>> -> memref<128x64xf32, #tpu.memory_space<vmem>>
      tpu.enqueue_dma source(%dma_start3A_75 : memref<128x64xf32, #tpu.memory_space<vmem>>) target(%dma_start3A_72 : memref<128x64xf32, #tpu.memory_space<hbm>>) target_semaphore(%run_scoped3A : memref<!tpu.dma_semaphore, #tpu.memory_space<semaphore_mem>>)
      %dma_wait3A = arith.constant 0 : i32
      %dma_wait3A_76 = arith.constant 0 : i32
      %dma_wait3A_77 = tpu.memref_slice %arg8[%dma_wait3A, %dma_wait3A_76] : memref<128x64xf32, #tpu.memory_space<vmem>> -> memref<128x64xf32, #tpu.memory_space<vmem>>
      %dma_wait3A_78 = arith.constant 0 : i32
      %dma_wait3A_79 = tpu.memref_slice %arg5[%arg0, %add3A_61, %dma_wait3A_78] : memref<2x10112x64xf32, #tpu.memory_space<hbm>> -> memref<1x128x64xf32, #tpu.memory_space<hbm>>
      %dma_wait3A_80 = tpu.memref_squeeze %dma_wait3A_79 : memref<1x128x64xf32, #tpu.memory_space<hbm>> -> memref<128x64xf32, #tpu.memory_space<hbm>>
      %dma_wait3A_81 = arith.constant 0 : i32
      %dma_wait3A_82 = tpu.memref_slice %arg5[%arg0, %add3A_61, %dma_wait3A_81] : memref<2x10112x64xf32, #tpu.memory_space<hbm>> -> memref<1x128x64xf32, #tpu.memory_space<hbm>>
      %dma_wait3A_83 = tpu.memref_squeeze %dma_wait3A_82 : memref<1x128x64xf32, #tpu.memory_space<hbm>> -> memref<128x64xf32, #tpu.memory_space<hbm>>
      %dma_wait3A_84 = arith.constant 0 : i32
      %dma_wait3A_85 = arith.constant 0 : i32
      %dma_wait3A_86 = tpu.memref_slice %arg8[%dma_wait3A_84, %dma_wait3A_85] : memref<128x64xf32, #tpu.memory_space<vmem>> -> memref<128x64xf32, #tpu.memory_space<vmem>>
      tpu.wait_dma2 semaphore(%run_scoped3A : memref<!tpu.dma_semaphore, #tpu.memory_space<semaphore_mem>>) src(%dma_wait3A_86 : memref<128x64xf32, #tpu.memory_space<vmem>>) dst(%dma_wait3A_83 : memref<128x64xf32, #tpu.memory_space<hbm>>)
      tpu.yield
    }) : () -> ()
    %add3A_62 = arith.constant 512 : i32
    %add3A_63 = arith.addi %mul3A_0, %add3A_62 : i32
    "tpu.region"() ({
      %run_scoped3A = tpu.sem_alloc : memref<!tpu.dma_semaphore, #tpu.memory_space<semaphore_mem>>
      %dma_start3A_64 = arith.constant 0 : i32
      %dma_start3A_65 = arith.constant 0 : i32
      %dma_start3A_66 = tpu.memref_slice %arg8[%dma_start3A_64, %dma_start3A_65] : memref<128x64xf32, #tpu.memory_space<vmem>> -> memref<120x64xf32, #tpu.memory_space<vmem>>
      %dma_start3A_67 = arith.constant 0 : i32
      %dma_start3A_68 = tpu.memref_slice %arg12[%add3A_63, %dma_start3A_67] : memref<10112x64xf32, #tpu.memory_space<vmem_shared>> -> memref<120x64xf32, #tpu.memory_space<vmem_shared>>
      %dma_start3A_69 = arith.constant 0 : i32
      %dma_start3A_70 = arith.constant 0 : i32
      %dma_start3A_71 = tpu.memref_slice %arg8[%dma_start3A_69, %dma_start3A_70] : memref<128x64xf32, #tpu.memory_space<vmem>> -> memref<120x64xf32, #tpu.memory_space<vmem>>
      %dma_start3A_72 = arith.constant 0 : i32
      %dma_start3A_73 = tpu.memref_slice %arg12[%add3A_63, %dma_start3A_72] : memref<10112x64xf32, #tpu.memory_space<vmem_shared>> -> memref<120x64xf32, #tpu.memory_space<vmem_shared>>
      tpu.enqueue_dma source(%dma_start3A_73 : memref<120x64xf32, #tpu.memory_space<vmem_shared>>) target(%dma_start3A_71 : memref<120x64xf32, #tpu.memory_space<vmem>>) target_semaphore(%run_scoped3A : memref<!tpu.dma_semaphore, #tpu.memory_space<semaphore_mem>>)
      %dma_wait3A = arith.constant 0 : i32
      %dma_wait3A_74 = arith.constant 0 : i32
      %dma_wait3A_75 = tpu.memref_slice %arg8[%dma_wait3A, %dma_wait3A_74] : memref<128x64xf32, #tpu.memory_space<vmem>> -> memref<120x64xf32, #tpu.memory_space<vmem>>
      %dma_wait3A_76 = arith.constant 0 : i32
      %dma_wait3A_77 = tpu.memref_slice %arg12[%add3A_63, %dma_wait3A_76] : memref<10112x64xf32, #tpu.memory_space<vmem_shared>> -> memref<120x64xf32, #tpu.memory_space<vmem_shared>>
      %dma_wait3A_78 = arith.constant 0 : i32
      %dma_wait3A_79 = arith.constant 0 : i32
      %dma_wait3A_80 = tpu.memref_slice %arg8[%dma_wait3A_78, %dma_wait3A_79] : memref<128x64xf32, #tpu.memory_space<vmem>> -> memref<120x64xf32, #tpu.memory_space<vmem>>
      %dma_wait3A_81 = arith.constant 0 : i32
      %dma_wait3A_82 = tpu.memref_slice %arg12[%add3A_63, %dma_wait3A_81] : memref<10112x64xf32, #tpu.memory_space<vmem_shared>> -> memref<120x64xf32, #tpu.memory_space<vmem_shared>>
      tpu.wait_dma2 semaphore(%run_scoped3A : memref<!tpu.dma_semaphore, #tpu.memory_space<semaphore_mem>>) src(%dma_wait3A_82 : memref<120x64xf32, #tpu.memory_space<vmem_shared>>) dst(%dma_wait3A_80 : memref<120x64xf32, #tpu.memory_space<vmem>>)
      tpu.yield
    }) : () -> ()
    "tpu.region"() ({
      %run_scoped3A = tpu.sem_alloc : memref<!tpu.dma_semaphore, #tpu.memory_space<semaphore_mem>>
      %dma_start3A_64 = arith.constant 0 : i32
      %dma_start3A_65 = arith.constant 0 : i32
      %dma_start3A_66 = tpu.memref_slice %arg8[%dma_start3A_64, %dma_start3A_65] : memref<128x64xf32, #tpu.memory_space<vmem>> -> memref<120x64xf32, #tpu.memory_space<vmem>>
      %dma_start3A_67 = arith.constant 0 : i32
      %dma_start3A_68 = tpu.memref_slice %arg5[%arg0, %add3A_63, %dma_start3A_67] : memref<2x10112x64xf32, #tpu.memory_space<hbm>> -> memref<1x120x64xf32, #tpu.memory_space<hbm>>
      %dma_start3A_69 = tpu.memref_squeeze %dma_start3A_68 : memref<1x120x64xf32, #tpu.memory_space<hbm>> -> memref<120x64xf32, #tpu.memory_space<hbm>>
      %dma_start3A_70 = arith.constant 0 : i32
      %dma_start3A_71 = tpu.memref_slice %arg5[%arg0, %add3A_63, %dma_start3A_70] : memref<2x10112x64xf32, #tpu.memory_space<hbm>> -> memref<1x120x64xf32, #tpu.memory_space<hbm>>
      %dma_start3A_72 = tpu.memref_squeeze %dma_start3A_71 : memref<1x120x64xf32, #tpu.memory_space<hbm>> -> memref<120x64xf32, #tpu.memory_space<hbm>>
      %dma_start3A_73 = arith.constant 0 : i32
      %dma_start3A_74 = arith.constant 0 : i32
      %dma_start3A_75 = tpu.memref_slice %arg8[%dma_start3A_73, %dma_start3A_74] : memref<128x64xf32, #tpu.memory_space<vmem>> -> memref<120x64xf32, #tpu.memory_space<vmem>>
      tpu.enqueue_dma source(%dma_start3A_75 : memref<120x64xf32, #tpu.memory_space<vmem>>) target(%dma_start3A_72 : memref<120x64xf32, #tpu.memory_space<hbm>>) target_semaphore(%run_scoped3A : memref<!tpu.dma_semaphore, #tpu.memory_space<semaphore_mem>>)
      %dma_wait3A = arith.constant 0 : i32
      %dma_wait3A_76 = arith.constant 0 : i32
      %dma_wait3A_77 = tpu.memref_slice %arg8[%dma_wait3A, %dma_wait3A_76] : memref<128x64xf32, #tpu.memory_space<vmem>> -> memref<120x64xf32, #tpu.memory_space<vmem>>
      %dma_wait3A_78 = arith.constant 0 : i32
      %dma_wait3A_79 = tpu.memref_slice %arg5[%arg0, %add3A_63, %dma_wait3A_78] : memref<2x10112x64xf32, #tpu.memory_space<hbm>> -> memref<1x120x64xf32, #tpu.memory_space<hbm>>
      %dma_wait3A_80 = tpu.memref_squeeze %dma_wait3A_79 : memref<1x120x64xf32, #tpu.memory_space<hbm>> -> memref<120x64xf32, #tpu.memory_space<hbm>>
      %dma_wait3A_81 = arith.constant 0 : i32
      %dma_wait3A_82 = tpu.memref_slice %arg5[%arg0, %add3A_63, %dma_wait3A_81] : memref<2x10112x64xf32, #tpu.memory_space<hbm>> -> memref<1x120x64xf32, #tpu.memory_space<hbm>>
      %dma_wait3A_83 = tpu.memref_squeeze %dma_wait3A_82 : memref<1x120x64xf32, #tpu.memory_space<hbm>> -> memref<120x64xf32, #tpu.memory_space<hbm>>
      %dma_wait3A_84 = arith.constant 0 : i32
      %dma_wait3A_85 = arith.constant 0 : i32
      %dma_wait3A_86 = tpu.memref_slice %arg8[%dma_wait3A_84, %dma_wait3A_85] : memref<128x64xf32, #tpu.memory_space<vmem>> -> memref<120x64xf32, #tpu.memory_space<vmem>>
      tpu.wait_dma2 semaphore(%run_scoped3A : memref<!tpu.dma_semaphore, #tpu.memory_space<semaphore_mem>>) src(%dma_wait3A_86 : memref<120x64xf32, #tpu.memory_space<vmem>>) dst(%dma_wait3A_83 : memref<120x64xf32, #tpu.memory_space<hbm>>)
      tpu.yield
    }) : () -> ()
    return
  }
}

module attributes {stable_mosaic.version = 14 : i64} {
  func.func @body(%arg0: i32, %arg1: memref<1000x128xf32, #tpu.memory_space<vmem>>, %arg2: memref<128x64xf32, #tpu.memory_space<vmem>>, %arg3: memref<1000x2xf32, #tpu.memory_space<vmem>>, %arg4: memref<1000x64xf32, #tpu.memory_space<vmem>>) attributes {dimension_semantics = [#tpu.dimension_semantics<arbitrary>], iteration_bounds = array<i64: 10>, scalar_prefetch = 0 : i64, scratch_operands = 0 : i64, tpu.core_type = #tpu.core_type<tc>, window_params = [{transform_indices = @transform_0, window_bounds = array<i64: 1000, 128>}, {pipeline_mode = #tpu.pipeline_mode<synchronous>, transform_indices = @transform_1, window_bounds = array<i64: 128, 64>}, {transform_indices = @transform_2, window_bounds = array<i64: 1000, 2>}, {transform_indices = @transform_3, window_bounds = array<i64: 1000, 64>}]} {
    %get3A = arith.constant 0 : index
    %get3A_0 = arith.constant 0 : index
    %get3A_1 = vector.load %arg3[%get3A, %get3A_0] : memref<1000x2xf32, #tpu.memory_space<vmem>>, vector<1000x2xf32>
    %reduce_sum3A = arith.constant dense<0.000000e+00> : vector<1000xf32>
    %reduce_sum3A_2 = vector.multi_reduction <add>, %get3A_1, %reduce_sum3A [1] : vector<1000x2xf32> to vector<1000xf32>
    %broadcast_in_dim3A = vector.shape_cast %reduce_sum3A_2 : vector<1000xf32> to vector<1000x1xf32>
    %max3A = arith.constant 1.000000e+00 : f32
    %max3A_3 = vector.broadcast %max3A : f32 to vector<1000x1xf32>
    %max3A_4 = arith.maximumf %broadcast_in_dim3A, %max3A_3 : vector<1000x1xf32>
    %rsqrt3A = math.rsqrt %max3A_4 : vector<1000x1xf32>
    %get3A_5 = arith.constant 0 : index
    %get3A_6 = arith.constant 0 : index
    %get3A_7 = vector.load %arg1[%get3A_5, %get3A_6] : memref<1000x128xf32, #tpu.memory_space<vmem>>, vector<1000x128xf32>
    %get3A_8 = arith.constant 0 : index
    %get3A_9 = arith.constant 0 : index
    %get3A_10 = vector.load %arg2[%get3A_8, %get3A_9] : memref<128x64xf32, #tpu.memory_space<vmem>>, vector<128x64xf32>
    %dot_general3A = arith.constant dense<0.000000e+00> : vector<1000x64xf32>
    %dot_general3A_11 = tpu.matmul %get3A_7, %get3A_10, %dot_general3A {dimension_numbers = #tpu.dot_dimension_numbers<[1], [0], [0], [1], [0, 0, 1, 1], [], []>, transpose_lhs_hint = false} : vector<1000x128xf32>, vector<128x64xf32>, vector<1000x64xf32> -> vector<1000x64xf32>
    %mul3A = vector.broadcast %rsqrt3A : vector<1000x1xf32> to vector<1000x64xf32>
    %mul3A_12 = arith.mulf %dot_general3A_11, %mul3A : vector<1000x64xf32>
    %swap3A = arith.constant 0 : index
    %swap3A_13 = arith.constant 0 : index
    %swap3A_14 = vector.load %arg4[%swap3A, %swap3A_13] : memref<1000x64xf32, #tpu.memory_space<vmem>>, vector<1000x64xf32>
    tpu.vector_store %arg4[%swap3A, %swap3A_13], %mul3A_12 {strides = array<i32>} : memref<1000x64xf32, #tpu.memory_space<vmem>>, vector<1000x64xf32>,
    return
  }
  func.func @transform_0(%arg0: i32) -> (i32, i32) {
    %c0_i32 = arith.constant 0 : i32
    %c0_i32_0 = arith.constant 0 : i32
    return %arg0, %c0_i32 : i32, i32
  }
  func.func @transform_1(%arg0: i32) -> (i32, i32) {
    %c0_i32 = arith.constant 0 : i32
    %c0_i32_0 = arith.constant 0 : i32
    %c0_i32_1 = arith.constant 0 : i32
    return %c0_i32, %c0_i32_0 : i32, i32
  }
  func.func @transform_2(%arg0: i32) -> (i32, i32) {
    %c0_i32 = arith.constant 0 : i32
    %c0_i32_0 = arith.constant 0 : i32
    return %arg0, %c0_i32 : i32, i32
  }
  func.func @transform_3(%arg0: i32) -> (i32, i32) {
    %c0_i32 = arith.constant 0 : i32
    %c0_i32_0 = arith.constant 0 : i32
    return %arg0, %c0_i32 : i32, i32
  }
}

module attributes {stable_mosaic.version = 14 : i64} {
  func.func @body(%arg0: i32, %arg1: memref<2x1000x64xf32, #tpu.memory_space<vmem>>, %arg2: memref<1000x2xf32, #tpu.memory_space<vmem>>, %arg3: memref<1000x2xf32, #tpu.memory_space<vmem>>, %arg4: memref<1x64xf32, #tpu.memory_space<vmem>>, %arg5: memref<1000x64xf32, #tpu.memory_space<vmem>>) attributes {dimension_semantics = [#tpu.dimension_semantics<arbitrary>], iteration_bounds = array<i64: 10>, scalar_prefetch = 0 : i64, scratch_operands = 0 : i64, tpu.core_type = #tpu.core_type<tc>, window_params = [{transform_indices = @transform_0, window_bounds = array<i64: 2, 1000, 64>}, {transform_indices = @transform_1, window_bounds = array<i64: 1000, 2>}, {transform_indices = @transform_2, window_bounds = array<i64: 1000, 2>}, {pipeline_mode = #tpu.pipeline_mode<synchronous>, transform_indices = @transform_3, window_bounds = array<i64: 1, 64>}, {transform_indices = @transform_4, window_bounds = array<i64: 1000, 64>}]} {
    %get3A = arith.constant 0 : index
    %get3A_0 = arith.constant 0 : index
    %get3A_1 = arith.constant 0 : index
    %get3A_2 = vector.load %arg1[%get3A, %get3A_0, %get3A_1] : memref<2x1000x64xf32, #tpu.memory_space<vmem>>, vector<2x1000x64xf32>
    %reduce_sum3A = arith.constant dense<0.000000e+00> : vector<1000x64xf32>
    %reduce_sum3A_3 = vector.multi_reduction <add>, %get3A_2, %reduce_sum3A [0] : vector<2x1000x64xf32> to vector<1000x64xf32>
    %get3A_4 = arith.constant 0 : index
    %get3A_5 = arith.constant 0 : index
    %get3A_6 = vector.load %arg3[%get3A_4, %get3A_5] : memref<1000x2xf32, #tpu.memory_space<vmem>>, vector<1000x2xf32>
    %reduce_sum3A_7 = arith.constant dense<0.000000e+00> : vector<1000xf32>
    %reduce_sum3A_8 = vector.multi_reduction <add>, %get3A_6, %reduce_sum3A_7 [1] : vector<1000x2xf32> to vector<1000xf32>
    %broadcast_in_dim3A = vector.shape_cast %reduce_sum3A_8 : vector<1000xf32> to vector<1000x1xf32>
    %max3A = arith.constant 1.000000e+00 : f32
    %max3A_9 = vector.broadcast %max3A : f32 to vector<1000x1xf32>
    %max3A_10 = arith.maximumf %broadcast_in_dim3A, %max3A_9 : vector<1000x1xf32>
    %rsqrt3A = math.rsqrt %max3A_10 : vector<1000x1xf32>
    %mul3A = vector.broadcast %rsqrt3A : vector<1000x1xf32> to vector<1000x64xf32>
    %mul3A_11 = arith.mulf %reduce_sum3A_3, %mul3A : vector<1000x64xf32>
    %get3A_12 = arith.constant 0 : index
    %get3A_13 = arith.constant 0 : index
    %get3A_14 = vector.load %arg4[%get3A_12, %get3A_13] : memref<1x64xf32, #tpu.memory_space<vmem>>, vector<1x64xf32>
    %add3A = vector.broadcast %get3A_14 : vector<1x64xf32> to vector<1000x64xf32>
    %add3A_15 = arith.addf %mul3A_11, %add3A : vector<1000x64xf32>
    %max3A_16 = arith.constant 0.000000e+00 : f32
    %max3A_17 = vector.broadcast %max3A_16 : f32 to vector<1000x64xf32>
    %max3A_18 = arith.maximumf %add3A_15, %max3A_17 : vector<1000x64xf32>
    %get3A_19 = arith.constant 0 : index
    %get3A_20 = arith.constant 0 : index
    %get3A_21 = vector.load %arg2[%get3A_19, %get3A_20] : memref<1000x2xf32, #tpu.memory_space<vmem>>, vector<1000x2xf32>
    %reduce_sum3A_22 = arith.constant dense<0.000000e+00> : vector<1000xf32>
    %reduce_sum3A_23 = vector.multi_reduction <add>, %get3A_21, %reduce_sum3A_22 [1] : vector<1000x2xf32> to vector<1000xf32>
    %broadcast_in_dim3A_24 = vector.shape_cast %reduce_sum3A_23 : vector<1000xf32> to vector<1000x1xf32>
    %max3A_25 = arith.constant 1.000000e+00 : f32
    %max3A_26 = vector.broadcast %max3A_25 : f32 to vector<1000x1xf32>
    %max3A_27 = arith.maximumf %broadcast_in_dim3A_24, %max3A_26 : vector<1000x1xf32>
    %rsqrt3A_28 = math.rsqrt %max3A_27 : vector<1000x1xf32>
    %mul3A_29 = vector.broadcast %rsqrt3A_28 : vector<1000x1xf32> to vector<1000x64xf32>
    %mul3A_30 = arith.mulf %max3A_18, %mul3A_29 : vector<1000x64xf32>
    %swap3A = arith.constant 0 : index
    %swap3A_31 = arith.constant 0 : index
    %swap3A_32 = vector.load %arg5[%swap3A, %swap3A_31] : memref<1000x64xf32, #tpu.memory_space<vmem>>, vector<1000x64xf32>
    tpu.vector_store %arg5[%swap3A, %swap3A_31], %mul3A_30 {strides = array<i32>} : memref<1000x64xf32, #tpu.memory_space<vmem>>, vector<1000x64xf32>,
    return
  }
  func.func @transform_0(%arg0: i32) -> (i32, i32, i32) {
    %c0_i32 = arith.constant 0 : i32
    %c0_i32_0 = arith.constant 0 : i32
    %c0_i32_1 = arith.constant 0 : i32
    return %c0_i32, %arg0, %c0_i32_0 : i32, i32, i32
  }
  func.func @transform_1(%arg0: i32) -> (i32, i32) {
    %c0_i32 = arith.constant 0 : i32
    %c0_i32_0 = arith.constant 0 : i32
    return %arg0, %c0_i32 : i32, i32
  }
  func.func @transform_2(%arg0: i32) -> (i32, i32) {
    %c0_i32 = arith.constant 0 : i32
    %c0_i32_0 = arith.constant 0 : i32
    return %arg0, %c0_i32 : i32, i32
  }
  func.func @transform_3(%arg0: i32) -> (i32, i32) {
    %c0_i32 = arith.constant 0 : i32
    %c0_i32_0 = arith.constant 0 : i32
    %c0_i32_1 = arith.constant 0 : i32
    return %c0_i32, %c0_i32_0 : i32, i32
  }
  func.func @transform_4(%arg0: i32) -> (i32, i32) {
    %c0_i32 = arith.constant 0 : i32
    %c0_i32_0 = arith.constant 0 : i32
    return %arg0, %c0_i32 : i32, i32
  }
}

module attributes {stable_mosaic.version = 14 : i64} {
  func.func @body(%arg0: i32, %arg1: memref<2x1000x64xf32, #tpu.memory_space<vmem>>, %arg2: memref<1000x2xf32, #tpu.memory_space<vmem>>, %arg3: memref<64x32xf32, #tpu.memory_space<vmem>>, %arg4: memref<1x32xf32, #tpu.memory_space<vmem>>, %arg5: memref<64x32xf32, #tpu.memory_space<vmem>>, %arg6: memref<1x32xf32, #tpu.memory_space<vmem>>, %arg7: memref<1000x32xf32, #tpu.memory_space<vmem>>, %arg8: memref<1000x32xf32, #tpu.memory_space<vmem>>) attributes {dimension_semantics = [#tpu.dimension_semantics<arbitrary>], iteration_bounds = array<i64: 10>, scalar_prefetch = 0 : i64, scratch_operands = 0 : i64, tpu.core_type = #tpu.core_type<tc>, window_params = [{transform_indices = @transform_0, window_bounds = array<i64: 2, 1000, 64>}, {transform_indices = @transform_1, window_bounds = array<i64: 1000, 2>}, {pipeline_mode = #tpu.pipeline_mode<synchronous>, transform_indices = @transform_2, window_bounds = array<i64: 64, 32>}, {pipeline_mode = #tpu.pipeline_mode<synchronous>, transform_indices = @transform_3, window_bounds = array<i64: 1, 32>}, {pipeline_mode = #tpu.pipeline_mode<synchronous>, transform_indices = @transform_4, window_bounds = array<i64: 64, 32>}, {pipeline_mode = #tpu.pipeline_mode<synchronous>, transform_indices = @transform_5, window_bounds = array<i64: 1, 32>}, {transform_indices = @transform_6, window_bounds = array<i64: 1000, 32>}, {transform_indices = @transform_7, window_bounds = array<i64: 1000, 32>}]} {
    %get3A = arith.constant 0 : index
    %get3A_0 = arith.constant 0 : index
    %get3A_1 = arith.constant 0 : index
    %get3A_2 = vector.load %arg1[%get3A, %get3A_0, %get3A_1] : memref<2x1000x64xf32, #tpu.memory_space<vmem>>, vector<2x1000x64xf32>
    %reduce_sum3A = arith.constant dense<0.000000e+00> : vector<1000x64xf32>
    %reduce_sum3A_3 = vector.multi_reduction <add>, %get3A_2, %reduce_sum3A [0] : vector<2x1000x64xf32> to vector<1000x64xf32>
    %get3A_4 = arith.constant 0 : index
    %get3A_5 = arith.constant 0 : index
    %get3A_6 = vector.load %arg2[%get3A_4, %get3A_5] : memref<1000x2xf32, #tpu.memory_space<vmem>>, vector<1000x2xf32>
    %reduce_sum3A_7 = arith.constant dense<0.000000e+00> : vector<1000xf32>
    %reduce_sum3A_8 = vector.multi_reduction <add>, %get3A_6, %reduce_sum3A_7 [1] : vector<1000x2xf32> to vector<1000xf32>
    %broadcast_in_dim3A = vector.shape_cast %reduce_sum3A_8 : vector<1000xf32> to vector<1000x1xf32>
    %max3A = arith.constant 1.000000e+00 : f32
    %max3A_9 = vector.broadcast %max3A : f32 to vector<1000x1xf32>
    %max3A_10 = arith.maximumf %broadcast_in_dim3A, %max3A_9 : vector<1000x1xf32>
    %rsqrt3A = math.rsqrt %max3A_10 : vector<1000x1xf32>
    %mul3A = vector.broadcast %rsqrt3A : vector<1000x1xf32> to vector<1000x64xf32>
    %mul3A_11 = arith.mulf %reduce_sum3A_3, %mul3A : vector<1000x64xf32>
    %get3A_12 = arith.constant 0 : index
    %get3A_13 = arith.constant 0 : index
    %get3A_14 = vector.load %arg3[%get3A_12, %get3A_13] : memref<64x32xf32, #tpu.memory_space<vmem>>, vector<64x32xf32>
    %dot_general3A = arith.constant dense<0.000000e+00> : vector<1000x32xf32>
    %dot_general3A_15 = tpu.matmul %mul3A_11, %get3A_14, %dot_general3A {dimension_numbers = #tpu.dot_dimension_numbers<[1], [0], [0], [1], [0, 0, 1, 1], [], []>, transpose_lhs_hint = false} : vector<1000x64xf32>, vector<64x32xf32>, vector<1000x32xf32> -> vector<1000x32xf32>
    %get3A_16 = arith.constant 0 : index
    %get3A_17 = arith.constant 0 : index
    %get3A_18 = vector.load %arg4[%get3A_16, %get3A_17] : memref<1x32xf32, #tpu.memory_space<vmem>>, vector<1x32xf32>
    %add3A = vector.broadcast %get3A_18 : vector<1x32xf32> to vector<1000x32xf32>
    %add3A_19 = arith.addf %dot_general3A_15, %add3A : vector<1000x32xf32>
    %get3A_20 = arith.constant 0 : index
    %get3A_21 = arith.constant 0 : index
    %get3A_22 = vector.load %arg5[%get3A_20, %get3A_21] : memref<64x32xf32, #tpu.memory_space<vmem>>, vector<64x32xf32>
    %dot_general3A_23 = arith.constant dense<0.000000e+00> : vector<1000x32xf32>
    %dot_general3A_24 = tpu.matmul %mul3A_11, %get3A_22, %dot_general3A_23 {dimension_numbers = #tpu.dot_dimension_numbers<[1], [0], [0], [1], [0, 0, 1, 1], [], []>, transpose_lhs_hint = false} : vector<1000x64xf32>, vector<64x32xf32>, vector<1000x32xf32> -> vector<1000x32xf32>
    %get3A_25 = arith.constant 0 : index
    %get3A_26 = arith.constant 0 : index
    %get3A_27 = vector.load %arg6[%get3A_25, %get3A_26] : memref<1x32xf32, #tpu.memory_space<vmem>>, vector<1x32xf32>
    %add3A_28 = vector.broadcast %get3A_27 : vector<1x32xf32> to vector<1000x32xf32>
    %add3A_29 = arith.addf %dot_general3A_24, %add3A_28 : vector<1000x32xf32>
    %get3A_30 = arith.constant 0 : index
    %get3A_31 = arith.constant 0 : index
    %get3A_32 = vector.load %arg7[%get3A_30, %get3A_31] : memref<1000x32xf32, #tpu.memory_space<vmem>>, vector<1000x32xf32>
    %exp3A = math.exp %add3A_29 : vector<1000x32xf32>
    %mul3A_33 = arith.mulf %get3A_32, %exp3A : vector<1000x32xf32>
    %add3A_34 = arith.addf %add3A_19, %mul3A_33 : vector<1000x32xf32>
    %swap3A = arith.constant 0 : index
    %swap3A_35 = arith.constant 0 : index
    %swap3A_36 = vector.load %arg8[%swap3A, %swap3A_35] : memref<1000x32xf32, #tpu.memory_space<vmem>>, vector<1000x32xf32>
    tpu.vector_store %arg8[%swap3A, %swap3A_35], %add3A_34 {strides = array<i32>} : memref<1000x32xf32, #tpu.memory_space<vmem>>, vector<1000x32xf32>,
    return
  }
  func.func @transform_0(%arg0: i32) -> (i32, i32, i32) {
    %c0_i32 = arith.constant 0 : i32
    %c0_i32_0 = arith.constant 0 : i32
    %c0_i32_1 = arith.constant 0 : i32
    return %c0_i32, %arg0, %c0_i32_0 : i32, i32, i32
  }
  func.func @transform_1(%arg0: i32) -> (i32, i32) {
    %c0_i32 = arith.constant 0 : i32
    %c0_i32_0 = arith.constant 0 : i32
    return %arg0, %c0_i32 : i32, i32
  }
  func.func @transform_2(%arg0: i32) -> (i32, i32) {
    %c0_i32 = arith.constant 0 : i32
    %c0_i32_0 = arith.constant 0 : i32
    %c0_i32_1 = arith.constant 0 : i32
    return %c0_i32, %c0_i32_0 : i32, i32
  }
  func.func @transform_3(%arg0: i32) -> (i32, i32) {
    %c0_i32 = arith.constant 0 : i32
    %c0_i32_0 = arith.constant 0 : i32
    %c0_i32_1 = arith.constant 0 : i32
    return %c0_i32, %c0_i32_0 : i32, i32
  }
  func.func @transform_4(%arg0: i32) -> (i32, i32) {
    %c0_i32 = arith.constant 0 : i32
    %c0_i32_0 = arith.constant 0 : i32
    %c0_i32_1 = arith.constant 0 : i32
    return %c0_i32, %c0_i32_0 : i32, i32
  }
  func.func @transform_5(%arg0: i32) -> (i32, i32) {
    %c0_i32 = arith.constant 0 : i32
    %c0_i32_0 = arith.constant 0 : i32
    %c0_i32_1 = arith.constant 0 : i32
    return %c0_i32, %c0_i32_0 : i32, i32
  }
  func.func @transform_6(%arg0: i32) -> (i32, i32) {
    %c0_i32 = arith.constant 0 : i32
    %c0_i32_0 = arith.constant 0 : i32
    return %arg0, %c0_i32 : i32, i32
  }
  func.func @transform_7(%arg0: i32) -> (i32, i32) {
    %c0_i32 = arith.constant 0 : i32
    %c0_i32_0 = arith.constant 0 : i32
    return %arg0, %c0_i32 : i32, i32
  }
}

</mosaic_0001>

<sc_bundles>
// kernel: kernel.11.cloned.1.call-start
scs
__scs_entry_jumppad:
0x0: {  	(pc) =	sbr.rel $0x88, $3  }
0x1: {  	(tag) =	ssettag $0x0;
	lr =	simm.s32 $0x1  }
0x2: {  	[smem:$0x3F98] =	sst lr;
	_ =	strace $0xD0000000  }
0x3: {  	_ = 	snop  }
0x4: {  	_ = 	snop  }
0x5: {  	_ = 	snop  }
0x6: {  	_ = 	snop  }
0x7: {  	_ = 	snop  }
__scs_overlays_trampoline_lowered:
0x8: {  	[smem:$0x3FA7] =	sst s0  }
0x9: {  	[smem:$0x3FA8] =	sst s1  }
0xa: {  	[smem:$0x3FA9] =	sst s2  }
0xb: {  	[smem:$0x3FAA] =	sst s3  }
0xc: {  	[smem:$0x3FAB] =	sst s4  }
0xd: {  	[smem:$0x3FAC] =	sst s5  }
0xe: {  	[smem:$0x3FAD] =	sst s6  }
0xf: {  	[smem:$0x3FAE] =	sst s7  }
0x10: {  	[smem:$0x3FAF] =	sst s8  }
0x11: {  	[smem:$0x3FB0] =	sst s9;
	s0 =	simm.s32 @!p0 $0x0  }
0x12: {  	s1 =	sld [smem:$0x3F96];
	s0 =	simm.s32 @p0 $0x1  }
0x13: {  	[smem:$0x3FB1] =	sst s0;
	s0 =	simm.s32 @!p1 $0x0  }
0x14: {  	s2 =	sld [smem:$0x3F95];
	s0 =	simm.s32 @p1 $0x1  }
0x15: {  	[smem:$0x3FB2] =	sst s0;
	s0 =	simm.s32 @!p2 $0x0  }
0x16: {  	s3 =	sld [smem:$0x3FDB];
	s0 =	simm.s32 @p2 $0x1  }
0x17: {  	s4 =	simm.s32 $0x1BF5;
	[smem:$0x3FB4] =	sst s0  }
0x18: {  	s0 =	sld [smem:$0x3F97];
	_ =	swait.ge [sflag:s4], $0x0  }
0x19: {  	s7 =	sld [smem:$0x3F98]  }
0x1a: {  	s8 =	sadd.s32 $0xFFFFE003, lr  }
0x1b: {  	s9 =	sadd.s32 $0xFFFFFEF7, lr;
	s5 =	simm.s32 $0xFFFFFFFF;
	p2 =	slt.u32 s8, $0xFFFFF086  }
0x1c: {  	p1 =	slt.u32 s9, $0xF7A;
	s5 =	simm.s32 @!p2 $0x0  }
0x1d: {  	s5 =	simm.s32 @p1 $0x1;
	p0 =	seq.s32 s7, s2  }
0x1e: {  	s7 =	smul.u32 @!p0 $0xF7A, s2;
	p2 =	seq.s32 @!p0 s5, $0x0  }
0x1f: {  	s9 =	smul.u32 $0xF7A, s1;
	s8 =	simm.s32 @!p0 $0x1BF5;
	p2 =	por !p2, p0  }
0x20: {  	[sflag:s8] =	ssyncset.s32 @!p0 $0xFFFFF086;
	s6 =	sadd.s32 @!p0 s3, s7;
	s7 =	simm.s32 @!p0 $0x108  }
0x21: {  	s3 =	sadd.s32 s3, s9;
	s6 =	sadd.s32 @!p0 $0x88, s6;
	s7 =	simm.s32 @p2 $0x1082  }
0x22: {  	[simem:s7], [sflag:s8] =	dma.local @!p0 [hbm:s6], $0xF7A  }
0x23: {  	s9 =	sor.u32 $0xD0000000, s2;
	s6 =	simm.s32 $0x108;
	_ =	swait.ge @!p0 [sflag:s8], $0x0  }
0x24: {  	s3 =	sadd.s32 $0x88, s3;
	s6 =	simm.s32 @!p1 $0x1082;
	[sflag:s4] =	ssyncset.s32 $0xFFFFF086  }
0x25: {  	[simem:s6], [sflag:s4] =	dma.local [hbm:s3], $0xF7A  }
0x26: {  	[smem:$0x3F98] =	sst s1;
	(tag) =	ssettag s2;
	_ =	strace s9  }
0x27: {  	s1 =	sld [smem:$0x3FA8]  }
0x28: {  	s2 =	sld [smem:$0x3FA9]  }
0x29: {  	s4 =	sld [smem:$0x3FAB]  }
0x2a: {  	p0 =	seq.s32 s5, $0x0;
	s5 =	sld [smem:$0x3FAC]  }
0x2b: {  	s6 =	sld [smem:$0x3FAD]  }
0x2c: {  	s7 =	sld [smem:$0x3FAE]  }
0x2d: {  	s3 =	simm.s32 $0x108;
	s8 =	sld [smem:$0x3FAF]  }
0x2e: {  	s3 =	simm.s32 @!p0 $0x1082;
	s9 =	sld [smem:$0x3FB0]  }
0x2f: {  	lr =	sadd.s32 s0, s3;
	s0 =	sld [smem:$0x3FA7]  }
0x30: {  	s3 =	sld [smem:$0x3FAA]  }
0x31: {  	[smem:$0x3FB3] =	sst s10  }
0x32: {  	s10 =	sld [smem:$0x3FB1];
	_ =	sdelay $0x3  }
0x33: {  	p0 =	seq.s32 s10, $0x1;
	s10 =	sld [smem:$0x3FB3];
	_ =	sdelay $0x3  }
0x34: {  	[smem:$0x3FB3] =	sst s10  }
0x35: {  	s10 =	sld [smem:$0x3FB2];
	_ =	sdelay $0x3  }
0x36: {  	p1 =	seq.s32 s10, $0x1;
	s10 =	sld [smem:$0x3FB3];
	_ =	sdelay $0x3  }
0x37: {  	[smem:$0x3FB3] =	sst s10  }
0x38: {  	s10 =	sld [smem:$0x3FB4]  }
0x39: {  	_ = 	snop;
	(pc) =	sbr.ind lr, $3  }
0x3a: {  	_ = 	snop  }
0x3b: {  	_ = 	snop  }
0x3c: {  	p2 =	seq.s32 s10, $0x1;
	s10 =	sld [smem:$0x3FB3]  }
0x3d: {  	_ =	shalt  }
0x3e: {  	_ =	shalt  }
0x3f: {  	_ =	shalt  }
0x40: {  	_ =	shalt  }
0x41: {  	_ =	shalt  }
0x42: {  	_ =	shalt  }
0x43: {  	_ =	shalt  }
0x44: {  	_ =	shalt  }
0x45: {  	_ =	shalt  }
0x46: {  	_ =	shalt  }
0x47: {  	_ =	shalt  }
0x48: {  	_ =	shalt  }
0x49: {  	_ =	shalt  }
0x4a: {  	_ =	shalt  }
0x4b: {  	_ =	shalt  }
0x4c: {  	_ =	shalt  }
0x4d: {  	_ =	shalt  }
0x4e: {  	_ =	shalt  }
0x4f: {  	_ =	shalt  }
0x50: {  	_ =	shalt  }
0x51: {  	_ =	shalt  }
0x52: {  	_ =	shalt  }
0x53: {  	_ =	shalt  }
0x54: {  	_ =	shalt  }
0x55: {  	_ =	shalt  }
0x56: {  	_ =	shalt  }
0x57: {  	_ =	shalt  }
0x58: {  	_ =	shalt  }
0x59: {  	_ =	shalt  }
0x5a: {  	_ =	shalt  }
0x5b: {  	_ =	shalt  }
0x5c: {  	_ =	shalt  }
0x5d: {  	_ =	shalt  }
0x5e: {  	_ =	shalt  }
0x5f: {  	_ =	shalt  }
0x60: {  	_ =	shalt  }
0x61: {  	_ =	shalt  }
0x62: {  	_ =	shalt  }
0x63: {  	_ =	shalt  }
0x64: {  	_ =	shalt  }
0x65: {  	_ =	shalt  }
0x66: {  	_ =	shalt  }
0x67: {  	_ =	shalt  }
0x68: {  	_ =	shalt  }
0x69: {  	_ =	shalt  }
0x6a: {  	_ =	shalt  }
0x6b: {  	_ =	shalt  }
0x6c: {  	_ =	shalt  }
0x6d: {  	_ =	shalt  }
0x6e: {  	_ =	shalt  }
0x6f: {  	_ =	shalt  }
0x70: {  	_ =	shalt  }
0x71: {  	_ =	shalt  }
0x72: {  	_ =	shalt  }
0x73: {  	_ =	shalt  }
0x74: {  	_ =	shalt  }
0x75: {  	_ =	shalt  }
0x76: {  	_ =	shalt  }
0x77: {  	_ =	shalt  }
0x78: {  	_ =	shalt  }
0x79: {  	_ =	shalt  }
0x7a: {  	_ =	shalt  }
0x7b: {  	_ =	shalt  }
0x7c: {  	_ =	shalt  }
0x7d: {  	_ =	shalt  }
0x7e: {  	_ =	shalt  }
0x7f: {  	_ =	shalt  }
0x80: {  	_ =	shalt  }
0x81: {  	_ =	shalt  }
0x82: {  	_ =	shalt  }
0x83: {  	_ =	shalt  }
0x84: {  	_ =	shalt  }
0x85: {  	_ =	shalt  }
0x86: {  	_ =	shalt  }
0x87: {  	_ =	shalt  }
.Lfunc_end0:
.L_simem_size_0:
called_computation.1_lowered:
.L_overlay_start_0:
0x88: {  	s2 =	sld [smem:$0x3FD9]  }
0x89: {  	s3 =	sld [smem:$0x3FFE];
	_ =	sdelay $0x1  }
0x8a: {  	s1 =	srdreg.scid  }
0x8b: {  	s0 =	sand.u32 $0x1, s1  }
0x8c: {  	s16 =	sshll.u32 s0, $0xA;
	s2 =	sadd.s32 s3, s2  }
0x8d: {  	s2 =	sadd.s32 s2, s16  }
0x8e: {  	[smem:$0x3FBF] =	sst s2  }
0x8f: {  	_ = 	snop  }
0x90: {  	(tm) =	ssettm $0x1  }
0x91: {  	s17 =	sld [smem:$0x3FFB];
	_ =	sdelay $0x3  }
0x92: {  	_ =	strace s17  }
0x93: {  	s2 =	sld [smem:$0x3FFC];
	_ =	sdelay $0x3  }
0x94: {  	_ =	strace s2  }
0x95: {  	s2 =	sld [smem:$0x3FFD];
	_ =	sdelay $0x3  }
0x96: {  	_ =	strace s2  }
0x97: {  	_ =	strace $0x8FFFFFFF  }
0x98: {  	s18 =	sld [smem:$0x3FDB];
	_ =	sdelay $0x1  }
0x99: {  	s19 =	simm.s32 $_scs_section_size  }
0x9a: {  	s4 =	simm.s32 $_size__tile_overlayer_lowered;
	s5 =	simm.s32 $_tile_overlayer_lowered  }
0x9b: {  	s22 =	simm.s32 $0x1BFF;
	s21 =	sshll.u32 s5, $0x1;
	s2 =	sadd.s32 s19, s18  }
0x9c: {  	s6 =	simm.s32 $0x0;
	s20 =	sshll.u32 s4, $0x1;
	s4 =	sadd.s32 s21, s2  }
0x9d: {  	[timem:s6], [sflag:s22] =	dma.local [hbm:s4], s20  }
0x9e: {  	_ =	swait.ge [sflag:s22], s20  }
0x9f: {  	s3 =	ssub.s32 $0x0, s20;
	[sflag:s22] =	ssyncset.done $0x0  }
0xa0: {  	[sflag:s22] =	ssyncadd.s32 s3;
	_ =	sdelay $0x1  }
0xa1: {  	s23 =	simm.s32 $0x1B8B  }
0xa2: {  	_ =	swait.ge [sflag:s23], $0x1  }
0xa3: {  	[sflag:s23] =	ssyncset.done $0x0  }
0xa4: {  	s25 =	simm.s32 $0x1B8E;
	s24 =	sld [smem:$0x3FFE];
	[sflag:s23] =	ssyncadd.s32 $0xFFFFFFFF  }
0xa5: {  	s26 =	simm.s32 $execute0_lowered;
	[smem:$0x3FD2] =	sst s25  }
0xa6: {  	s4 =	sshll.u32 s26, $0x1;
	_ =	strace $0x80000049;
	[dreg:$0x1] =	wrdreg $0xFFFFFFFF  }
0xa7: {  	s28 =	simm.s32 $_size_execute0_lowered;
	s2 =	sadd.s32 s2, s4;
	[dreg:$0x0] =	wrdreg $0x0  }
0xa8: {  	s4 =	sshll.u32 s28, $0x1;
	[dreg:$0x2] =	wrdreg s2  }
0xa9: {  	[dreg:$0x3] =	wrdreg s4  }
0xaa: {  	[dreg:$0x4] =	wrdreg $0xC0  }
0xab: {  	_ =	task [dreg:s6], $0x5FFFF  }
0xac: {  	[dreg:$0x1] =	wrdreg $0xFFFFFFFF  }
0xad: {  	[dreg:$0x0] =	wrdreg $0x60  }
0xae: {  	[dreg:$0x2] =	wrdreg s24  }
0xaf: {  	[dreg:$0x3] =	wrdreg $0x110000  }
0xb0: {  	[dreg:$0x4] =	wrdreg $0x9  }
0xb1: {  	_ =	task.clear_ibuf [dreg:s6], $0x5FFFF;
	_ =	strace $0x90000049  }
0xb2: {  	s29 =	simm.s32 $0x9;
	_ =	strace $0x8000004B  }
0xb3: {  	_ =	swait.ge [sflag:s29], $0x1  }
0xb4: {  	[sflag:s29] =	ssyncadd.s32 $0xFFFFFFFF  }
0xb5: {  	_ =	strace $0x9000004B  }
0xb6: {  	_ =	sfence  }
0xb7: {  	s30 =	sld [smem:$0x0];
	_ =	sdelay $0x2  }
0xb8: {  	s31 =	sshll.u32 s1, $0xD;
	s1 =	sshrl.u32 s1, $0x2  }
0xb9: {  	s3 =	sand.u32 $0x4000, s31;
	s1 =	sadd.s32 s1, s30  }
0xba: {  	s0 =	sor.u32 s3, s0;
	s1 =	sshll.u32 s1, $0x11  }
0xbb: {  	s0 =	sor.u32 s1, s0  }
0xbc: {  	s0 =	sadd.s32 $0x8F2B, s0  }
0xbd: {  	[sflag:s0] =	ssyncadd.remote.s32 $0x1  }
0xbe: {  	_ =	sfence.sel $0xFFFF  }
0xbf: {  	[dreg:$0x0] =	wrdreg $0xFFFFFFFF;
	(pc) =	sbr.abs _section_cstart, $3  }
0xc0: {  	[dreg:$0x1] =	wrdreg $0xFFFFFFFF  }
0xc1: {  	_ =	task.clear_ibuf [dreg:s6], $0x2FFFF;
	_ =	strace $0x9FFFFFFF  }
0xc2: {  	(tm) =	ssettm $0x7FFFFFFF  }
0xc3: {  	_ =	shalt  }
tec
execute0_lowered:
.L_overlay_start_1:
0x0: {  	(tag) =	ssettag $0x1  }
0x1: {  	s0 =	srdreg.scid  }
0x2: {  	s1 =	rddreg [dreg:$0x0];
	s9 =	stileid.u32  }
0x3: {  	s3 =	rddreg [dreg:$0x1];
	s4 =	simm.s32 $0x0;
	s19 =	simm.s32 $0x5  }
0x4: {  	s21 =	simm.s32 $0x9000;
	s22 =	simm.s32 $0x80;
	s0 =	sand.u32 $0x1, s0  }
0x5: {  	[smem:$0x7FF] =	sst s4;
	s12 =	smul.u32 $0x9E00, s9;
	s2 =	sshll.u32 s0, $0x7  }
0x6: {  	s5 =	smul.u32 $0x900, s0;
	_ =	strace $0x8000004A;
	s26 =	ssub.s32 $0x2, s0  }
0x7: {  	s0 =	smul.u32 $0x9E000, s0;
	s2 =	sxor.u32 $0x90, s2;
	s8 =	sshrl.u32 s26, $0x1  }
0x8: {  	s29 =	sadd.s32 $0x2000, s12;
	s13 =	sadd.s32 $0x4000, s12;
	s15 =	sadd.s32 $0x6000, s12  }
0x9: {  	s16 =	sadd.s32 $0x8000, s12;
	s6 =	smul.u32 s9, s2;
	s9 =	sadd.s32 s29, s3  }
0xa: {  	s10 =	sadd.s32 s13, s3;
	s11 =	sadd.s32 s15, s3;
	s14 =	sadd.s32 s12, s0  }
0xb: {  	s30 =	sadd.s32 s0, s13;
	s31 =	sadd.s32 s0, s15;
	s14 =	sshrl.u32 s14, $0x3  }
0xc: {  	s13 =	sshrl.u32 s31, $0x3;
	s5 =	sadd.s32 s5, s6;
	s6 =	ssub.s32 s26, s8  }
0xd: {  	s8 =	sadd.s32 s12, s3;
	s12 =	sadd.s32 s16, s3;
	s5 =	sshll.u32 s5, $0x4  }
0xe: {  	s26 =	simm.s32 $0x0;
	s18 =	smax.u32 s6, $0x1;
	s7 =	sadd.s32 s5, s1  }
0xf: {  	s5 =	sadd.s32 $0x2200, s1;
	s28 =	sadd.s32 $0x16C00, s7;
	s7 =	sadd.s32 $0x21400, s7  }
0x10: {  	s1 =	sadd.s32 $0x2BC00, s1;
	[dreg:$0x4] =	wrdreg s7;
	s7 =	sadd.s32 s0, s29  }
0x11: {  	s14 =	sadd.s32 s1, s14;
	[dreg:$0x3] =	wrdreg s28;
	s7 =	sshrl.u32 s7, $0x3  }
0x12: {  	[dreg:$0x5] =	wrdreg s14;
	s0 =	sadd.s32 s0, s16;
	s7 =	sadd.s32 s1, s7  }
0x13: {  	s0 =	sshrl.u32 s0, $0x3;
	[dreg:$0x6] =	wrdreg s7;
	s7 =	sshrl.u32 s30, $0x3  }
0x14: {  	v0 =	vimm.f32 $0.0e+00;
	s16 =	sadd.s32 s1, s13;
	s17 =	sadd.s32 s1, s0;
	s15 =	sadd.s32 s1, s7  }
.LBB2_1:
0x15: {  	s0 =	rddreg [dreg:$0x3]  }
0x16: {  	[tilespmem:s4], [sflag:$0x5] =	stream.linear.gather [hbm4b:s0+s4], $0x4800, $0x38;
	[tilespmem:$0x1AE00] =	vst v63  }
0x17: {  	_ =	swait.ge [sflag:s19], $0x4800  }
0x18: {  	[sflag:s19] =	ssyncset.done $0x0  }
0x19: {  	s1 =	simm.s32 $0x4800;
	s29 =	rddreg [dreg:$0x4];
	[sflag:s19] =	ssyncadd.s32 $0xFFFFB800  }
0x1a: {  	[tilespmem:s1], [sflag:$0x5] =	stream.linear.gather [hbm4b:s29+s4], $0x4800, $0x38;
	[tilespmem:$0x1AE00] =	vst v63  }
0x1b: {  	s30 =	sand.u32 $0x7F00, s4;
	s31 =	sand.u32 $0x30, s4;
	_ =	swait.ge [sflag:s19], $0x4800  }
0x1c: {  	s6 =	sshrl.u32 s30, $0x2;
	s0 =	simm.s32 $0x40;
	[sflag:s19] =	ssyncset.done $0x0  }
0x1d: {  	s6 =	sor.u32 s31, s6;
	s1 =	simm.s32 $0x0;
	[sflag:s19] =	ssyncadd.s32 $0xFFFFB800  }
.LBB2_2:
0x1e: {  	p0 =	sne.s32 s0, $0x7FC0  }
0x1f: {  	[tilespmem:s6+$0x9000] =	vst v0;
	s1 =	sadd.s32 $0x10, s1;
	s6 =	smov.u32 s0;
	s0 =	sadd.s32 $0x40, s0  }
.Ltmp0:
0x20: {  	(pc) =	sbr.rel @p0 .LBB2_2-.Ltmp0, $4  }
0x21: {  	_ = 	snop  }
0x22: {  	s6 =	sand.u32 $0x7F00, s6  }
0x23: {  	s7 =	sand.u32 $0x30, s1;
	s6 =	sshrl.u32 s6, $0x2  }
0x24: {  	s6 =	sor.u32 s7, s6  }
0x25: {  	[tilespmem:s6+$0x9000] =	vst v0  }
0x26: {  	[spmem:s8] =	stream.linear.scatter [tilespmem:s21], [sflag:$0x5], $0x2000, $0x38;
	[tilespmem:$0x1AE00] =	vst v63  }
0x27: {  	_ =	swait.ge [sflag:s19], $0x2000  }
0x28: {  	[sflag:s19] =	ssyncset.done $0x0  }
0x29: {  	[sflag:s19] =	ssyncadd.s32 $0xFFFFE000  }
0x2a: {  	[spmem:s9] =	stream.linear.scatter [tilespmem:s21], [sflag:$0x5], $0x2000, $0x38;
	[tilespmem:$0x1AE00] =	vst v63  }
0x2b: {  	_ =	swait.ge [sflag:s19], $0x2000  }
0x2c: {  	[sflag:s19] =	ssyncset.done $0x0  }
0x2d: {  	[sflag:s19] =	ssyncadd.s32 $0xFFFFE000  }
0x2e: {  	[spmem:s10] =	stream.linear.scatter [tilespmem:s21], [sflag:$0x5], $0x2000, $0x38;
	[tilespmem:$0x1AE00] =	vst v63  }
0x2f: {  	_ =	swait.ge [sflag:s19], $0x2000  }
0x30: {  	[sflag:s19] =	ssyncset.done $0x0  }
0x31: {  	[sflag:s19] =	ssyncadd.s32 $0xFFFFE000  }
0x32: {  	[spmem:s11] =	stream.linear.scatter [tilespmem:s21], [sflag:$0x5], $0x2000, $0x38;
	[tilespmem:$0x1AE00] =	vst v63  }
0x33: {  	_ =	swait.ge [sflag:s19], $0x2000  }
0x34: {  	[sflag:s19] =	ssyncset.done $0x0  }
0x35: {  	[sflag:s19] =	ssyncadd.s32 $0xFFFFE000  }
0x36: {  	[spmem:s12] =	stream.linear.scatter [tilespmem:s21], [sflag:$0x5], $0x1E00, $0x38;
	[tilespmem:$0x1AE00] =	vst v63  }
0x37: {  	_ =	swait.ge [sflag:s19], $0x1E00  }
0x38: {  	[sflag:s19] =	ssyncset.done $0x0  }
0x39: {  	[sflag:s19] =	ssyncadd.s32 $0xFFFFE200  }
0x3a: {  	s0 =	simm.s32 $0x0;
	[bflag:$0x0] =	sbarrier.arrive $0xFFFF  }
0x3b: {  	[tilespmem:s21], [sflag:$0x1] =	stream.indirect.gather [hbm4b:s5+s22], $0x40, s0, s22, $0xb8;
	[tilespmem:$0x1AE00] =	vst v63  }
0x3c: {  	s1 =	simm.s32 $0xB000;
	s24 =	simm.s32 $0x100;
	p1 =	sle.u32 s2, $0x0  }
0x3d: {  	[tilespmem:s1], [sflag:$0x2] =	stream.indirect.gather [hbm4b:s5+s22], $0x40, s22, s22, $0xb8;
	[tilespmem:$0x1AE00] =	vst v63  }
0x3e: {  	s25 =	simm.s32 $0xD000;
	p0 =	sle.u32 s2, $0x3;
	s1 =	simm.s32 @!p1 $0x1  }
0x3f: {  	[tilespmem:s25], [sflag:$0x3] =	stream.indirect.gather [hbm4b:s5+s22], $0x40, s24, s22, $0xb8;
	[tilespmem:$0x1AE00] =	vst v63  }
0x40: {  	p2 =	sle.u32 s2, $0x1;
	p3 =	sle.u32 s2, $0x4;
	_ =	swait.ge @!p1 [sflag:s1], $0x2000  }
0x41: {  	s6 =	simm.s32 @!p1 $0x80;
	s7 =	simm.s32 @!p1 $0x9000;
	[sflag:s1] =	ssyncset.done @!p1 $0x0  }
0x42: {  	s13 =	simm.s32 @!p1 $0x4800;
	s20 =	simm.s32 @!p1 $0x5;
	[sflag:s1] =	ssyncadd.s32 @!p1 $0xFFFFE000  }
0x43: {  	[spmem:s3] =	stream.indirect.scatter.add.f32 @!p1 [tilespmem:s7], [sflag:$0x5], $0x40, s13, s6, $0xb8;
	[tilespmem:$0x1AE00] =	vst v63  }
0x44: {  	s28 =	simm.s32 $0x4;
	s31 =	simm.s32 $0x800;
	_ =	swait.ge @!p1 [sflag:s20], $0x2000  }
0x45: {  	s30 =	simm.s32 @!p0 $0xF000;
	s1 =	simm.s32 @!p0 $0x80;
	[sflag:s20] =	ssyncset.done @!p1 $0x0  }
0x46: {  	s6 =	simm.s32 @!p0 $0x180;
	s7 =	simm.s32 @!p2 $0x2;
	[sflag:s20] =	ssyncadd.s32 @!p1 $0xFFFFE000  }
0x47: {  	[tilespmem:s30], [sflag:$0x4] =	stream.indirect.gather @!p0 [hbm4b:s5+s1], $0x40, s6, s1, $0xb8;
	[tilespmem:$0x1AE00] =	vst v63  }
0x48: {  	p4 =	sle.u32 s2, $0x5;
	s29 =	simm.s32 @!p0 $0x4980;
	_ =	swait.ge @!p2 [sflag:s7], $0x2000  }
0x49: {  	s13 =	simm.s32 @!p2 $0x4880;
	s20 =	simm.s32 @!p2 $0x80;
	[sflag:s7] =	ssyncset.done @!p2 $0x0  }
0x4a: {  	s6 =	simm.s32 @!p2 $0xB000;
	[sflag:s7] =	ssyncadd.s32 @!p2 $0xFFFFE000;
	s7 =	simm.s32 @!p2 $0x5  }
0x4b: {  	[spmem:s3] =	stream.indirect.scatter.add.f32 @!p2 [tilespmem:s6], [sflag:$0x5], $0x40, s13, s20, $0xb8;
	[tilespmem:$0x1AE00] =	vst v63  }
0x4c: {  	s24 =	simm.s32 @!p4 $0x80;
	p1 =	sle.u32 s2, $0x2;
	_ =	swait.ge @!p2 [sflag:s7], $0x2000  }
0x4d: {  	s6 =	simm.s32 @!p3 $0x200;
	s13 =	simm.s32 @!p3 $0x80;
	[sflag:s7] =	ssyncset.done @!p2 $0x0  }
0x4e: {  	s20 =	simm.s32 @!p3 $0x9000;
	[sflag:s7] =	ssyncadd.s32 @!p2 $0xFFFFE000;
	s7 =	simm.s32 @!p1 $0x3  }
0x4f: {  	[tilespmem:s20], [sflag:$0x1] =	stream.indirect.gather @!p3 [hbm4b:s5+s13], $0x40, s6, s13, $0xb8;
	[tilespmem:$0x1AE00] =	vst v63  }
0x50: {  	s25 =	simm.s32 @!p4 $0x280;
	p2 =	por p0, p0;
	_ =	swait.ge @!p1 [sflag:s7], $0x2000  }
0x51: {  	s6 =	simm.s32 @!p1 $0x4900;
	s13 =	simm.s32 @!p1 $0x80;
	[sflag:s7] =	ssyncset.done @!p1 $0x0  }
0x52: {  	s20 =	simm.s32 @!p1 $0xD000;
	[sflag:s7] =	ssyncadd.s32 @!p1 $0xFFFFE000;
	s7 =	simm.s32 @!p1 $0x5  }
0x53: {  	[spmem:s3] =	stream.indirect.scatter.add.f32 @!p1 [tilespmem:s20], [sflag:$0x5], $0x40, s6, s13, $0xb8;
	[tilespmem:$0x1AE00] =	vst v63  }
0x54: {  	s23 =	simm.s32 @!p2 $0x5;
	s6 =	simm.s32 @!p4 $0xB000;
	_ =	swait.ge @!p1 [sflag:s7], $0x2000  }
0x55: {  	s13 =	simm.s32 @!p2 $0x4;
	s20 =	simm.s32 $0x6;
	[sflag:s7] =	ssyncset.done @!p1 $0x0  }
.LBB2_4:
0x56: {  	p3 =	sge.u32 s28, s2  }
0x57: {  	[sflag:s7] =	ssyncadd.s32 @!p1 $0xFFFFE000;
	p1 =	sge.u32 s20, s2;
	s20 =	smov.u32 s28  }
0x58: {  	[tilespmem:s6], [sflag:$0x2] =	stream.indirect.gather @!p4 [hbm4b:s5+s24], $0x40, s25, s24, $0xb8;
	[tilespmem:$0x1AE00] =	vst v63  }
0x59: {  	s6 =	simm.s32 @!p3 $0x1;
	s7 =	sshra.s32 @!p3 s31, $0x2;
	_ =	swait.ge @!p2 [sflag:s13], $0x2000  }
0x5a: {  	s0 =	sshra.s32 @!p1 s0, $0x2;
	s24 =	simm.s32 @!p1 $0x80;
	[sflag:s13] =	ssyncset.done @!p2 $0x0  }
0x5b: {  	s25 =	sadd.s32 $0x3, s28;
	s0 =	sadd.s32 @!p1 $0x300, s0;
	[sflag:s13] =	ssyncadd.s32 @!p2 $0xFFFFE000  }
0x5c: {  	[spmem:s3] =	stream.indirect.scatter.add.f32 @!p2 [tilespmem:s30], [sflag:$0x5], $0x40, s29, s1, $0xb8;
	[tilespmem:$0x1AE00] =	vst v63  }
0x5d: {  	s13 =	simm.s32 @!p3 $0x9000;
	s1 =	simm.s32 @!p3 $0x80;
	_ =	swait.ge @!p2 [sflag:s23], $0x2000  }
0x5e: {  	p0 =	sge.u32 s25, s2;
	s25 =	simm.s32 @!p1 $0xD000;
	[sflag:s23] =	ssyncset.done @!p2 $0x0  }
0x5f: {  	s7 =	sadd.s32 @!p3 $0x4800, s7;
	s29 =	sshra.s32 @!p0 s31, $0x2;
	[sflag:s23] =	ssyncadd.s32 @!p2 $0xFFFFE000  }
0x60: {  	[tilespmem:s25], [sflag:$0x3] =	stream.indirect.gather @!p1 [hbm4b:s5+s24], $0x40, s0, s24, $0xb8;
	[tilespmem:$0x1AE00] =	vst v63  }
0x61: {  	s0 =	sadd.s32 @!p0 $0x180, s29;
	s29 =	sadd.s32 @!p0 $0x4980, s29;
	_ =	swait.ge @!p3 [sflag:s6], $0x2000  }
0x62: {  	s23 =	sadd.s32 $0x1, s28;
	s24 =	sadd.s32 $0x2, s28;
	[sflag:s6] =	ssyncset.done @!p3 $0x0  }
0x63: {  	s28 =	sadd.s32 $0x4, s28;
	[sflag:s6] =	ssyncadd.s32 @!p3 $0xFFFFE000;
	s6 =	simm.s32 @!p3 $0x5  }
0x64: {  	[spmem:s3] =	stream.indirect.scatter.add.f32 @!p3 [tilespmem:s13], [sflag:$0x5], $0x40, s7, s1, $0xb8;
	[tilespmem:$0x1AE00] =	vst v63  }
0x65: {  	s30 =	simm.s32 @!p0 $0xF000;
	p2 =	sge.u32 s23, s2;
	_ =	swait.ge @!p3 [sflag:s6], $0x2000  }
0x66: {  	s1 =	simm.s32 @!p0 $0x80;
	s7 =	simm.s32 @!p2 $0xB000;
	[sflag:s6] =	ssyncset.done @!p3 $0x0  }
0x67: {  	s13 =	sshra.s32 @!p2 s31, $0x2;
	[sflag:s6] =	ssyncadd.s32 @!p3 $0xFFFFE000;
	s6 =	simm.s32 @!p2 $0x2  }
0x68: {  	[tilespmem:s30], [sflag:$0x4] =	stream.indirect.gather @!p0 [hbm4b:s5+s1], $0x40, s0, s1, $0xb8;
	[tilespmem:$0x1AE00] =	vst v63  }
0x69: {  	s13 =	sadd.s32 @!p2 $0x4880, s13;
	p3 =	sge.u32 s28, s2;
	_ =	swait.ge @!p2 [sflag:s6], $0x2000  }
0x6a: {  	s23 =	simm.s32 @!p2 $0x80;
	s0 =	sshra.s32 @!p3 s31, $0x2;
	[sflag:s6] =	ssyncset.done @!p2 $0x0  }
0x6b: {  	s25 =	sadd.s32 @!p3 $0x200, s0;
	[sflag:s6] =	ssyncadd.s32 @!p2 $0xFFFFE000;
	s6 =	simm.s32 @!p2 $0x5  }
0x6c: {  	p1 =	sge.u32 s24, s2;
	s0 =	smov.u32 s31;
	s31 =	sadd.s32 $0x800, s31  }
0x6d: {  	[spmem:s3] =	stream.indirect.scatter.add.f32 @!p2 [tilespmem:s7], [sflag:$0x5], $0x40, s13, s23, $0xb8;
	[tilespmem:$0x1AE00] =	vst v63  }
0x6e: {  	s7 =	sshra.s32 @!p1 s0, $0x2;
	s13 =	sadd.s32 $0x5, s20;
	_ =	swait.ge @!p2 [sflag:s6], $0x2000  }
0x6f: {  	s24 =	simm.s32 @!p3 $0x9000;
	s23 =	simm.s32 @!p3 $0x80;
	[sflag:s6] =	ssyncset.done @!p2 $0x0  }
0x70: {  	s14 =	sadd.s32 @!p1 $0x4900, s7;
	[sflag:s6] =	ssyncadd.s32 @!p2 $0xFFFFE000;
	s6 =	simm.s32 @!p1 $0x3  }
0x71: {  	[tilespmem:s24], [sflag:$0x1] =	stream.indirect.gather @!p3 [hbm4b:s5+s23], $0x40, s25, s23, $0xb8;
	[tilespmem:$0x1AE00] =	vst v63  }
0x72: {  	p4 =	sge.u32 s13, s2;
	p3 =	sne.s32 s31, $0x12000;
	_ =	swait.ge @!p1 [sflag:s6], $0x2000  }
0x73: {  	s7 =	sshra.s32 @!p4 s0, $0x2;
	s24 =	simm.s32 @!p4 $0x80;
	[sflag:s6] =	ssyncset.done @!p1 $0x0  }
0x74: {  	s25 =	sadd.s32 @!p4 $0x280, s7;
	[sflag:s6] =	ssyncadd.s32 @!p1 $0xFFFFE000;
	s6 =	simm.s32 @!p4 $0xB000  }
.Ltmp1:
0x75: {  	p2 =	por p0, p0;
	s7 =	simm.s32 @!p1 $0x5;
	(pc) =	sbr.rel @p3 .LBB2_4-.Ltmp1, $4  }
0x76: {  	s13 =	simm.s32 @!p1 $0x80;
	s23 =	simm.s32 @!p1 $0xD000  }
0x77: {  	[spmem:s3] =	stream.indirect.scatter.add.f32 @!p1 [tilespmem:s23], [sflag:$0x5], $0x40, s14, s13, $0xb8;
	[tilespmem:$0x1AE00] =	vst v63  }
0x78: {  	s23 =	simm.s32 @!p2 $0x5;
	_ =	swait.ge @!p1 [sflag:s7], $0x2000  }
0x79: {  	s20 =	sadd.s32 $0x6, s20;
	s13 =	simm.s32 @!p2 $0x4;
	[sflag:s7] =	ssyncset.done @!p1 $0x0  }
0x7a: {  	[sflag:s7] =	ssyncadd.s32 @!p1 $0xFFFFE000  }
0x7b: {  	[tilespmem:s6], [sflag:$0x2] =	stream.indirect.gather @!p4 [hbm4b:s5+s24], $0x40, s25, s24, $0xb8;
	[tilespmem:$0x1AE00] =	vst v63  }
0x7c: {  	_ =	swait.ge @!p2 [sflag:s13], $0x2000  }
0x7d: {  	[sflag:s13] =	ssyncset.done @!p2 $0x0  }
0x7e: {  	[sflag:s13] =	ssyncadd.s32 @!p2 $0xFFFFE000  }
0x7f: {  	[spmem:s3] =	stream.indirect.scatter.add.f32 @!p2 [tilespmem:s30], [sflag:$0x5], $0x40, s29, s1, $0xb8;
	[tilespmem:$0x1AE00] =	vst v63  }
0x80: {  	p0 =	sge.u32 s20, s2;
	_ =	swait.ge @!p2 [sflag:s23], $0x2000  }
0x81: {  	s0 =	sshra.s32 @!p0 s0, $0x2;
	s6 =	simm.s32 @!p0 $0xD000;
	[sflag:s23] =	ssyncset.done @!p2 $0x0  }
0x82: {  	s0 =	sadd.s32 @!p0 $0x300, s0;
	s1 =	simm.s32 @!p0 $0x80;
	[sflag:s23] =	ssyncadd.s32 @!p2 $0xFFFFE000  }
0x83: {  	[tilespmem:s6], [sflag:$0x3] =	stream.indirect.gather @!p0 [hbm4b:s5+s1], $0x40, s0, s1, $0xb8;
	[tilespmem:$0x1AE00] =	vst v63  }
0x84: {  	[bflag:$0x0] =	sbarrier.arrive $0xFFFF  }
0x85: {  	[tilespmem:s21], [sflag:$0x5] =	stream.linear.gather [spmem:s8], $0x2000, $0x38;
	[tilespmem:$0x1AE00] =	vst v63  }
0x86: {  	_ =	swait.ge [sflag:s19], $0x2000  }
0x87: {  	[sflag:s19] =	ssyncset.done $0x0  }
0x88: {  	s30 =	rddreg [dreg:$0x5];
	[sflag:s19] =	ssyncadd.s32 $0xFFFFE000  }
0x89: {  	[hbm4b:s30+s4] =	stream.linear.scatter [tilespmem:s21], [sflag:$0x5], $0x2000, $0x38;
	[tilespmem:$0x1AE00] =	vst v63  }
0x8a: {  	_ =	swait.ge [sflag:s19], $0x2000  }
0x8b: {  	[sflag:s19] =	ssyncset.done $0x0  }
0x8c: {  	[sflag:s19] =	ssyncadd.s32 $0xFFFFE000  }
0x8d: {  	[tilespmem:s21], [sflag:$0x5] =	stream.linear.gather [spmem:s9], $0x2000, $0x38;
	[tilespmem:$0x1AE00] =	vst v63  }
0x8e: {  	_ =	swait.ge [sflag:s19], $0x2000  }
0x8f: {  	[sflag:s19] =	ssyncset.done $0x0  }
0x90: {  	s31 =	rddreg [dreg:$0x6];
	[sflag:s19] =	ssyncadd.s32 $0xFFFFE000  }
0x91: {  	[hbm4b:s31+s4] =	stream.linear.scatter [tilespmem:s21], [sflag:$0x5], $0x2000, $0x38;
	[tilespmem:$0x1AE00] =	vst v63  }
0x92: {  	_ =	swait.ge [sflag:s19], $0x2000  }
0x93: {  	[sflag:s19] =	ssyncset.done $0x0  }
0x94: {  	[sflag:s19] =	ssyncadd.s32 $0xFFFFE000  }
0x95: {  	[tilespmem:s21], [sflag:$0x5] =	stream.linear.gather [spmem:s10], $0x2000, $0x38;
	[tilespmem:$0x1AE00] =	vst v63  }
0x96: {  	_ =	swait.ge [sflag:s19], $0x2000  }
0x97: {  	[sflag:s19] =	ssyncset.done $0x0  }
0x98: {  	[sflag:s19] =	ssyncadd.s32 $0xFFFFE000  }
0x99: {  	[hbm4b:s15+s4] =	stream.linear.scatter [tilespmem:s21], [sflag:$0x5], $0x2000, $0x38;
	[tilespmem:$0x1AE00] =	vst v63  }
0x9a: {  	_ =	swait.ge [sflag:s19], $0x2000  }
0x9b: {  	[sflag:s19] =	ssyncset.done $0x0  }
0x9c: {  	[sflag:s19] =	ssyncadd.s32 $0xFFFFE000  }
0x9d: {  	[tilespmem:s21], [sflag:$0x5] =	stream.linear.gather [spmem:s11], $0x2000, $0x38;
	[tilespmem:$0x1AE00] =	vst v63  }
0x9e: {  	_ =	swait.ge [sflag:s19], $0x2000  }
0x9f: {  	[sflag:s19] =	ssyncset.done $0x0  }
0xa0: {  	[sflag:s19] =	ssyncadd.s32 $0xFFFFE000  }
0xa1: {  	[hbm4b:s16+s4] =	stream.linear.scatter [tilespmem:s21], [sflag:$0x5], $0x2000, $0x38;
	[tilespmem:$0x1AE00] =	vst v63  }
0xa2: {  	_ =	swait.ge [sflag:s19], $0x2000  }
0xa3: {  	[sflag:s19] =	ssyncset.done $0x0  }
0xa4: {  	[sflag:s19] =	ssyncadd.s32 $0xFFFFE000  }
0xa5: {  	[tilespmem:s21], [sflag:$0x5] =	stream.linear.gather [spmem:s12], $0x1E00, $0x38;
	[tilespmem:$0x1AE00] =	vst v63  }
0xa6: {  	s26 =	sadd.s32 $0x1, s26;
	_ =	swait.ge [sflag:s19], $0x1E00  }
0xa7: {  	p0 =	sne.s32 s26, s18;
	[sflag:s19] =	ssyncset.done $0x0  }
.Ltmp2:
0xa8: {  	[sflag:s19] =	ssyncadd.s32 $0xFFFFE200;
	(pc) =	sbr.rel @p0 .LBB2_1-.Ltmp2, $4  }
0xa9: {  	[hbm4b:s17+s4] =	stream.linear.scatter [tilespmem:s21], [sflag:$0x5], $0x1E00, $0x38;
	[tilespmem:$0x1AE00] =	vst v63  }
0xaa: {  	_ =	swait.ge [sflag:s19], $0x1E00  }
0xab: {  	[sflag:s19] =	ssyncset.done $0x0  }
0xac: {  	[sflag:s19] =	ssyncadd.s32 $0xFFFFE200  }
0xad: {  	_ =	sfence.sel $0x180000  }
0xae: {  	[bflag:$0x0] =	sbarrier.arrive $0xFFFF  }
0xaf: {  	_ =	strace $0x9000004A  }
0xb0: {  	s0 =	stileid.u32;
	[bflag:$0x2] =	sbarrier.arrive $0xFFFF  }
0xb1: {  	p0 =	sne.s32 s0, $0x0;
	s0 =	rddreg [dreg:$0x2]  }
0xb2: {  	s0 =	sadd.s32 @!p0 $0x100000, s0  }
0xb3: {  	[sflag:s0] =	ssyncadd.tile.s32 @!p0 $0x1;
	_ =	shalt  }
.Lfunc_end2:
_tile_overlayer_lowered:
.L_overlay_start_2:
0xb4: {  	(tag) =	ssettag $0x2  }
0xb5: {  	s0 =	rddreg [dreg:$0x0];
	s2 =	stileid.u32  }
0xb6: {  	s1 =	rddreg [dreg:$0x1];
	p0 =	sne.s32 s2, $0x0  }
0xb7: {  	s3 =	rddreg [dreg:$0x2];
	[bflag:$0x3] =	sbarrier.arrive $0xFFFF;
	s2 =	simm.s32 @!p0 $0x1C05  }
0xb8: {  	[timem:s3], [sflag:s2] =	dma.local @!p0 [hbm:s0], s1  }
0xb9: {  	s0 =	simm.s32 @!p0 $0x5  }
0xba: {  	_ =	swait.ge @!p0 [sflag:s0], s1  }
0xbb: {  	s1 =	ssub.s32 @!p0 $0x0, s1;
	[sflag:s0] =	ssyncset.done @!p0 $0x0  }
0xbc: {  	[sflag:s0] =	ssyncadd.s32 @!p0 s1  }
0xbd: {  	[bflag:$0x3] =	sbarrier.arrive $0xFFFF  }
0xbe: {  	_ =	shalt  }

// kernel: kernel.14.cloned.1.call-start
scs
__scs_entry_jumppad:
0x0: {  	(pc) =	sbr.rel $0x88, $3  }
0x1: {  	(tag) =	ssettag $0x0;
	lr =	simm.s32 $0x1  }
0x2: {  	[smem:$0x3F98] =	sst lr;
	_ =	strace $0xD0000000  }
0x3: {  	_ = 	snop  }
0x4: {  	_ = 	snop  }
0x5: {  	_ = 	snop  }
0x6: {  	_ = 	snop  }
0x7: {  	_ = 	snop  }
__scs_overlays_trampoline_lowered:
0x8: {  	[smem:$0x3FA7] =	sst s0  }
0x9: {  	[smem:$0x3FA8] =	sst s1  }
0xa: {  	[smem:$0x3FA9] =	sst s2  }
0xb: {  	[smem:$0x3FAA] =	sst s3  }
0xc: {  	[smem:$0x3FAB] =	sst s4  }
0xd: {  	[smem:$0x3FAC] =	sst s5  }
0xe: {  	[smem:$0x3FAD] =	sst s6  }
0xf: {  	[smem:$0x3FAE] =	sst s7  }
0x10: {  	[smem:$0x3FAF] =	sst s8  }
0x11: {  	[smem:$0x3FB0] =	sst s9;
	s0 =	simm.s32 @!p0 $0x0  }
0x12: {  	s1 =	sld [smem:$0x3F96];
	s0 =	simm.s32 @p0 $0x1  }
0x13: {  	[smem:$0x3FB1] =	sst s0;
	s0 =	simm.s32 @!p1 $0x0  }
0x14: {  	s2 =	sld [smem:$0x3F95];
	s0 =	simm.s32 @p1 $0x1  }
0x15: {  	[smem:$0x3FB2] =	sst s0;
	s0 =	simm.s32 @!p2 $0x0  }
0x16: {  	s3 =	sld [smem:$0x3FDB];
	s0 =	simm.s32 @p2 $0x1  }
0x17: {  	s4 =	simm.s32 $0x1BF5;
	[smem:$0x3FB4] =	sst s0  }
0x18: {  	s0 =	sld [smem:$0x3F97];
	_ =	swait.ge [sflag:s4], $0x0  }
0x19: {  	s7 =	sld [smem:$0x3F98]  }
0x1a: {  	s8 =	sadd.s32 $0xFFFFE003, lr  }
0x1b: {  	s9 =	sadd.s32 $0xFFFFFEF7, lr;
	s5 =	simm.s32 $0xFFFFFFFF;
	p2 =	slt.u32 s8, $0xFFFFF086  }
0x1c: {  	p1 =	slt.u32 s9, $0xF7A;
	s5 =	simm.s32 @!p2 $0x0  }
0x1d: {  	s5 =	simm.s32 @p1 $0x1;
	p0 =	seq.s32 s7, s2  }
0x1e: {  	s7 =	smul.u32 @!p0 $0xF7A, s2;
	p2 =	seq.s32 @!p0 s5, $0x0  }
0x1f: {  	s9 =	smul.u32 $0xF7A, s1;
	s8 =	simm.s32 @!p0 $0x1BF5;
	p2 =	por !p2, p0  }
0x20: {  	[sflag:s8] =	ssyncset.s32 @!p0 $0xFFFFF086;
	s6 =	sadd.s32 @!p0 s3, s7;
	s7 =	simm.s32 @!p0 $0x108  }
0x21: {  	s3 =	sadd.s32 s3, s9;
	s6 =	sadd.s32 @!p0 $0x88, s6;
	s7 =	simm.s32 @p2 $0x1082  }
0x22: {  	[simem:s7], [sflag:s8] =	dma.local @!p0 [hbm:s6], $0xF7A  }
0x23: {  	s9 =	sor.u32 $0xD0000000, s2;
	s6 =	simm.s32 $0x108;
	_ =	swait.ge @!p0 [sflag:s8], $0x0  }
0x24: {  	s3 =	sadd.s32 $0x88, s3;
	s6 =	simm.s32 @!p1 $0x1082;
	[sflag:s4] =	ssyncset.s32 $0xFFFFF086  }
0x25: {  	[simem:s6], [sflag:s4] =	dma.local [hbm:s3], $0xF7A  }
0x26: {  	[smem:$0x3F98] =	sst s1;
	(tag) =	ssettag s2;
	_ =	strace s9  }
0x27: {  	s1 =	sld [smem:$0x3FA8]  }
0x28: {  	s2 =	sld [smem:$0x3FA9]  }
0x29: {  	s4 =	sld [smem:$0x3FAB]  }
0x2a: {  	p0 =	seq.s32 s5, $0x0;
	s5 =	sld [smem:$0x3FAC]  }
0x2b: {  	s6 =	sld [smem:$0x3FAD]  }
0x2c: {  	s7 =	sld [smem:$0x3FAE]  }
0x2d: {  	s3 =	simm.s32 $0x108;
	s8 =	sld [smem:$0x3FAF]  }
0x2e: {  	s3 =	simm.s32 @!p0 $0x1082;
	s9 =	sld [smem:$0x3FB0]  }
0x2f: {  	lr =	sadd.s32 s0, s3;
	s0 =	sld [smem:$0x3FA7]  }
0x30: {  	s3 =	sld [smem:$0x3FAA]  }
0x31: {  	[smem:$0x3FB3] =	sst s10  }
0x32: {  	s10 =	sld [smem:$0x3FB1];
	_ =	sdelay $0x3  }
0x33: {  	p0 =	seq.s32 s10, $0x1;
	s10 =	sld [smem:$0x3FB3];
	_ =	sdelay $0x3  }
0x34: {  	[smem:$0x3FB3] =	sst s10  }
0x35: {  	s10 =	sld [smem:$0x3FB2];
	_ =	sdelay $0x3  }
0x36: {  	p1 =	seq.s32 s10, $0x1;
	s10 =	sld [smem:$0x3FB3];
	_ =	sdelay $0x3  }
0x37: {  	[smem:$0x3FB3] =	sst s10  }
0x38: {  	s10 =	sld [smem:$0x3FB4]  }
0x39: {  	_ = 	snop;
	(pc) =	sbr.ind lr, $3  }
0x3a: {  	_ = 	snop  }
0x3b: {  	_ = 	snop  }
0x3c: {  	p2 =	seq.s32 s10, $0x1;
	s10 =	sld [smem:$0x3FB3]  }
0x3d: {  	_ =	shalt  }
0x3e: {  	_ =	shalt  }
0x3f: {  	_ =	shalt  }
0x40: {  	_ =	shalt  }
0x41: {  	_ =	shalt  }
0x42: {  	_ =	shalt  }
0x43: {  	_ =	shalt  }
0x44: {  	_ =	shalt  }
0x45: {  	_ =	shalt  }
0x46: {  	_ =	shalt  }
0x47: {  	_ =	shalt  }
0x48: {  	_ =	shalt  }
0x49: {  	_ =	shalt  }
0x4a: {  	_ =	shalt  }
0x4b: {  	_ =	shalt  }
0x4c: {  	_ =	shalt  }
0x4d: {  	_ =	shalt  }
0x4e: {  	_ =	shalt  }
0x4f: {  	_ =	shalt  }
0x50: {  	_ =	shalt  }
0x51: {  	_ =	shalt  }
0x52: {  	_ =	shalt  }
0x53: {  	_ =	shalt  }
0x54: {  	_ =	shalt  }
0x55: {  	_ =	shalt  }
0x56: {  	_ =	shalt  }
0x57: {  	_ =	shalt  }
0x58: {  	_ =	shalt  }
0x59: {  	_ =	shalt  }
0x5a: {  	_ =	shalt  }
0x5b: {  	_ =	shalt  }
0x5c: {  	_ =	shalt  }
0x5d: {  	_ =	shalt  }
0x5e: {  	_ =	shalt  }
0x5f: {  	_ =	shalt  }
0x60: {  	_ =	shalt  }
0x61: {  	_ =	shalt  }
0x62: {  	_ =	shalt  }
0x63: {  	_ =	shalt  }
0x64: {  	_ =	shalt  }
0x65: {  	_ =	shalt  }
0x66: {  	_ =	shalt  }
0x67: {  	_ =	shalt  }
0x68: {  	_ =	shalt  }
0x69: {  	_ =	shalt  }
0x6a: {  	_ =	shalt  }
0x6b: {  	_ =	shalt  }
0x6c: {  	_ =	shalt  }
0x6d: {  	_ =	shalt  }
0x6e: {  	_ =	shalt  }
0x6f: {  	_ =	shalt  }
0x70: {  	_ =	shalt  }
0x71: {  	_ =	shalt  }
0x72: {  	_ =	shalt  }
0x73: {  	_ =	shalt  }
0x74: {  	_ =	shalt  }
0x75: {  	_ =	shalt  }
0x76: {  	_ =	shalt  }
0x77: {  	_ =	shalt  }
0x78: {  	_ =	shalt  }
0x79: {  	_ =	shalt  }
0x7a: {  	_ =	shalt  }
0x7b: {  	_ =	shalt  }
0x7c: {  	_ =	shalt  }
0x7d: {  	_ =	shalt  }
0x7e: {  	_ =	shalt  }
0x7f: {  	_ =	shalt  }
0x80: {  	_ =	shalt  }
0x81: {  	_ =	shalt  }
0x82: {  	_ =	shalt  }
0x83: {  	_ =	shalt  }
0x84: {  	_ =	shalt  }
0x85: {  	_ =	shalt  }
0x86: {  	_ =	shalt  }
0x87: {  	_ =	shalt  }
.Lfunc_end0:
.L_simem_size_0:
called_computation.2_lowered:
.L_overlay_start_0:
0x88: {  	s2 =	sld [smem:$0x3FD9]  }
0x89: {  	s3 =	sld [smem:$0x3FFE];
	_ =	sdelay $0x1  }
0x8a: {  	s1 =	srdreg.scid  }
0x8b: {  	s0 =	sand.u32 $0x1, s1  }
0x8c: {  	s16 =	sshll.u32 s0, $0xA;
	s2 =	sadd.s32 s3, s2  }
0x8d: {  	s2 =	sadd.s32 s2, s16  }
0x8e: {  	[smem:$0x3FBF] =	sst s2  }
0x8f: {  	_ = 	snop  }
0x90: {  	(tm) =	ssettm $0x1  }
0x91: {  	s17 =	sld [smem:$0x3FFB];
	_ =	sdelay $0x3  }
0x92: {  	_ =	strace s17  }
0x93: {  	s2 =	sld [smem:$0x3FFC];
	_ =	sdelay $0x3  }
0x94: {  	_ =	strace s2  }
0x95: {  	s2 =	sld [smem:$0x3FFD];
	_ =	sdelay $0x3  }
0x96: {  	_ =	strace s2  }
0x97: {  	_ =	strace $0x8FFFFFFF  }
0x98: {  	s18 =	sld [smem:$0x3FDB];
	_ =	sdelay $0x1  }
0x99: {  	s19 =	simm.s32 $_scs_section_size  }
0x9a: {  	s4 =	simm.s32 $_size__tile_overlayer_lowered;
	s5 =	simm.s32 $_tile_overlayer_lowered  }
0x9b: {  	s22 =	simm.s32 $0x1BFF;
	s21 =	sshll.u32 s5, $0x1;
	s2 =	sadd.s32 s19, s18  }
0x9c: {  	s6 =	simm.s32 $0x0;
	s20 =	sshll.u32 s4, $0x1;
	s4 =	sadd.s32 s21, s2  }
0x9d: {  	[timem:s6], [sflag:s22] =	dma.local [hbm:s4], s20  }
0x9e: {  	_ =	swait.ge [sflag:s22], s20  }
0x9f: {  	s3 =	ssub.s32 $0x0, s20;
	[sflag:s22] =	ssyncset.done $0x0  }
0xa0: {  	[sflag:s22] =	ssyncadd.s32 s3;
	_ =	sdelay $0x1  }
0xa1: {  	s23 =	simm.s32 $0x1B8B  }
0xa2: {  	_ =	swait.ge [sflag:s23], $0x1  }
0xa3: {  	[sflag:s23] =	ssyncset.done $0x0  }
0xa4: {  	s25 =	simm.s32 $0x1B8E;
	s24 =	sld [smem:$0x3FFE];
	[sflag:s23] =	ssyncadd.s32 $0xFFFFFFFF  }
0xa5: {  	s26 =	simm.s32 $execute0_lowered;
	[smem:$0x3FD2] =	sst s25  }
0xa6: {  	s4 =	sshll.u32 s26, $0x1;
	_ =	strace $0x8000004C;
	[dreg:$0x1] =	wrdreg $0xFFFFFFFF  }
0xa7: {  	s28 =	simm.s32 $_size_execute0_lowered;
	s2 =	sadd.s32 s2, s4;
	[dreg:$0x0] =	wrdreg $0x0  }
0xa8: {  	s4 =	sshll.u32 s28, $0x1;
	[dreg:$0x2] =	wrdreg s2  }
0xa9: {  	[dreg:$0x3] =	wrdreg s4  }
0xaa: {  	[dreg:$0x4] =	wrdreg $0xC0  }
0xab: {  	_ =	task [dreg:s6], $0x5FFFF  }
0xac: {  	[dreg:$0x1] =	wrdreg $0xFFFFFFFF  }
0xad: {  	[dreg:$0x0] =	wrdreg $0x60  }
0xae: {  	[dreg:$0x2] =	wrdreg s24  }
0xaf: {  	[dreg:$0x3] =	wrdreg $0x110000  }
0xb0: {  	[dreg:$0x4] =	wrdreg $0x9  }
0xb1: {  	_ =	task.clear_ibuf [dreg:s6], $0x5FFFF;
	_ =	strace $0x9000004C  }
0xb2: {  	s29 =	simm.s32 $0x9;
	_ =	strace $0x8000004E  }
0xb3: {  	_ =	swait.ge [sflag:s29], $0x1  }
0xb4: {  	[sflag:s29] =	ssyncadd.s32 $0xFFFFFFFF  }
0xb5: {  	_ =	strace $0x9000004E  }
0xb6: {  	_ =	sfence  }
0xb7: {  	s30 =	sld [smem:$0x0];
	_ =	sdelay $0x2  }
0xb8: {  	s31 =	sshll.u32 s1, $0xD;
	s1 =	sshrl.u32 s1, $0x2  }
0xb9: {  	s3 =	sand.u32 $0x4000, s31;
	s1 =	sadd.s32 s1, s30  }
0xba: {  	s0 =	sor.u32 s3, s0;
	s1 =	sshll.u32 s1, $0x11  }
0xbb: {  	s0 =	sor.u32 s1, s0  }
0xbc: {  	s0 =	sadd.s32 $0x8F2B, s0  }
0xbd: {  	[sflag:s0] =	ssyncadd.remote.s32 $0x1  }
0xbe: {  	_ =	sfence.sel $0xFFFF  }
0xbf: {  	[dreg:$0x0] =	wrdreg $0xFFFFFFFF;
	(pc) =	sbr.abs _section_cstart, $3  }
0xc0: {  	[dreg:$0x1] =	wrdreg $0xFFFFFFFF  }
0xc1: {  	_ =	task.clear_ibuf [dreg:s6], $0x2FFFF;
	_ =	strace $0x9FFFFFFF  }
0xc2: {  	(tm) =	ssettm $0x7FFFFFFF  }
0xc3: {  	_ =	shalt  }
tec
execute0_lowered:
.L_overlay_start_1:
0x0: {  	(tag) =	ssettag $0x1  }
0x1: {  	s0 =	srdreg.scid  }
0x2: {  	s1 =	rddreg [dreg:$0x0];
	s9 =	stileid.u32  }
0x3: {  	s3 =	rddreg [dreg:$0x1];
	s4 =	simm.s32 $0x0;
	s19 =	simm.s32 $0x5  }
0x4: {  	s21 =	simm.s32 $0x9000;
	s22 =	simm.s32 $0x80;
	s0 =	sand.u32 $0x1, s0  }
0x5: {  	[smem:$0x7FF] =	sst s4;
	s12 =	smul.u32 $0x9E00, s9;
	s2 =	sshll.u32 s0, $0x7  }
0x6: {  	s5 =	smul.u32 $0x900, s0;
	_ =	strace $0x8000004D;
	s26 =	ssub.s32 $0x2, s0  }
0x7: {  	s0 =	smul.u32 $0x9E000, s0;
	s2 =	sxor.u32 $0x90, s2;
	s8 =	sshrl.u32 s26, $0x1  }
0x8: {  	s29 =	sadd.s32 $0x2000, s12;
	s13 =	sadd.s32 $0x4000, s12;
	s15 =	sadd.s32 $0x6000, s12  }
0x9: {  	s16 =	sadd.s32 $0x8000, s12;
	s6 =	smul.u32 s9, s2;
	s9 =	sadd.s32 s29, s3  }
0xa: {  	s10 =	sadd.s32 s13, s3;
	s11 =	sadd.s32 s15, s3;
	s14 =	sadd.s32 s12, s0  }
0xb: {  	s30 =	sadd.s32 s0, s13;
	s31 =	sadd.s32 s0, s15;
	s14 =	sshrl.u32 s14, $0x3  }
0xc: {  	s13 =	sshrl.u32 s31, $0x3;
	s5 =	sadd.s32 s5, s6;
	s6 =	ssub.s32 s26, s8  }
0xd: {  	s8 =	sadd.s32 s12, s3;
	s12 =	sadd.s32 s16, s3;
	s5 =	sshll.u32 s5, $0x4  }
0xe: {  	s26 =	simm.s32 $0x0;
	s18 =	smax.u32 s6, $0x1;
	s7 =	sadd.s32 s5, s1  }
0xf: {  	s5 =	sadd.s32 $0x2200, s1;
	s28 =	sadd.s32 $0x16C00, s7;
	s7 =	sadd.s32 $0x21400, s7  }
0x10: {  	s1 =	sadd.s32 $0x2BC00, s1;
	[dreg:$0x4] =	wrdreg s7;
	s7 =	sadd.s32 s0, s29  }
0x11: {  	s14 =	sadd.s32 s1, s14;
	[dreg:$0x3] =	wrdreg s28;
	s7 =	sshrl.u32 s7, $0x3  }
0x12: {  	[dreg:$0x5] =	wrdreg s14;
	s0 =	sadd.s32 s0, s16;
	s7 =	sadd.s32 s1, s7  }
0x13: {  	s0 =	sshrl.u32 s0, $0x3;
	[dreg:$0x6] =	wrdreg s7;
	s7 =	sshrl.u32 s30, $0x3  }
0x14: {  	v0 =	vimm.f32 $0.0e+00;
	s16 =	sadd.s32 s1, s13;
	s17 =	sadd.s32 s1, s0;
	s15 =	sadd.s32 s1, s7  }
.LBB2_1:
0x15: {  	s0 =	rddreg [dreg:$0x3]  }
0x16: {  	[tilespmem:s4], [sflag:$0x5] =	stream.linear.gather [hbm4b:s0+s4], $0x4800, $0x38;
	[tilespmem:$0x1AE00] =	vst v63  }
0x17: {  	_ =	swait.ge [sflag:s19], $0x4800  }
0x18: {  	[sflag:s19] =	ssyncset.done $0x0  }
0x19: {  	s1 =	simm.s32 $0x4800;
	s29 =	rddreg [dreg:$0x4];
	[sflag:s19] =	ssyncadd.s32 $0xFFFFB800  }
0x1a: {  	[tilespmem:s1], [sflag:$0x5] =	stream.linear.gather [hbm4b:s29+s4], $0x4800, $0x38;
	[tilespmem:$0x1AE00] =	vst v63  }
0x1b: {  	s30 =	sand.u32 $0x7F00, s4;
	s31 =	sand.u32 $0x30, s4;
	_ =	swait.ge [sflag:s19], $0x4800  }
0x1c: {  	s6 =	sshrl.u32 s30, $0x2;
	s0 =	simm.s32 $0x40;
	[sflag:s19] =	ssyncset.done $0x0  }
0x1d: {  	s6 =	sor.u32 s31, s6;
	s1 =	simm.s32 $0x0;
	[sflag:s19] =	ssyncadd.s32 $0xFFFFB800  }
.LBB2_2:
0x1e: {  	p0 =	sne.s32 s0, $0x7FC0  }
0x1f: {  	[tilespmem:s6+$0x9000] =	vst v0;
	s1 =	sadd.s32 $0x10, s1;
	s6 =	smov.u32 s0;
	s0 =	sadd.s32 $0x40, s0  }
.Ltmp0:
0x20: {  	(pc) =	sbr.rel @p0 .LBB2_2-.Ltmp0, $4  }
0x21: {  	_ = 	snop  }
0x22: {  	s6 =	sand.u32 $0x7F00, s6  }
0x23: {  	s7 =	sand.u32 $0x30, s1;
	s6 =	sshrl.u32 s6, $0x2  }
0x24: {  	s6 =	sor.u32 s7, s6  }
0x25: {  	[tilespmem:s6+$0x9000] =	vst v0  }
0x26: {  	[spmem:s8] =	stream.linear.scatter [tilespmem:s21], [sflag:$0x5], $0x2000, $0x38;
	[tilespmem:$0x1AE00] =	vst v63  }
0x27: {  	_ =	swait.ge [sflag:s19], $0x2000  }
0x28: {  	[sflag:s19] =	ssyncset.done $0x0  }
0x29: {  	[sflag:s19] =	ssyncadd.s32 $0xFFFFE000  }
0x2a: {  	[spmem:s9] =	stream.linear.scatter [tilespmem:s21], [sflag:$0x5], $0x2000, $0x38;
	[tilespmem:$0x1AE00] =	vst v63  }
0x2b: {  	_ =	swait.ge [sflag:s19], $0x2000  }
0x2c: {  	[sflag:s19] =	ssyncset.done $0x0  }
0x2d: {  	[sflag:s19] =	ssyncadd.s32 $0xFFFFE000  }
0x2e: {  	[spmem:s10] =	stream.linear.scatter [tilespmem:s21], [sflag:$0x5], $0x2000, $0x38;
	[tilespmem:$0x1AE00] =	vst v63  }
0x2f: {  	_ =	swait.ge [sflag:s19], $0x2000  }
0x30: {  	[sflag:s19] =	ssyncset.done $0x0  }
0x31: {  	[sflag:s19] =	ssyncadd.s32 $0xFFFFE000  }
0x32: {  	[spmem:s11] =	stream.linear.scatter [tilespmem:s21], [sflag:$0x5], $0x2000, $0x38;
	[tilespmem:$0x1AE00] =	vst v63  }
0x33: {  	_ =	swait.ge [sflag:s19], $0x2000  }
0x34: {  	[sflag:s19] =	ssyncset.done $0x0  }
0x35: {  	[sflag:s19] =	ssyncadd.s32 $0xFFFFE000  }
0x36: {  	[spmem:s12] =	stream.linear.scatter [tilespmem:s21], [sflag:$0x5], $0x1E00, $0x38;
	[tilespmem:$0x1AE00] =	vst v63  }
0x37: {  	_ =	swait.ge [sflag:s19], $0x1E00  }
0x38: {  	[sflag:s19] =	ssyncset.done $0x0  }
0x39: {  	[sflag:s19] =	ssyncadd.s32 $0xFFFFE200  }
0x3a: {  	s0 =	simm.s32 $0x0;
	[bflag:$0x0] =	sbarrier.arrive $0xFFFF  }
0x3b: {  	[tilespmem:s21], [sflag:$0x1] =	stream.indirect.gather [hbm4b:s5+s22], $0x40, s0, s22, $0xb8;
	[tilespmem:$0x1AE00] =	vst v63  }
0x3c: {  	s1 =	simm.s32 $0xB000;
	s24 =	simm.s32 $0x100;
	p1 =	sle.u32 s2, $0x0  }
0x3d: {  	[tilespmem:s1], [sflag:$0x2] =	stream.indirect.gather [hbm4b:s5+s22], $0x40, s22, s22, $0xb8;
	[tilespmem:$0x1AE00] =	vst v63  }
0x3e: {  	s25 =	simm.s32 $0xD000;
	p0 =	sle.u32 s2, $0x3;
	s1 =	simm.s32 @!p1 $0x1  }
0x3f: {  	[tilespmem:s25], [sflag:$0x3] =	stream.indirect.gather [hbm4b:s5+s22], $0x40, s24, s22, $0xb8;
	[tilespmem:$0x1AE00] =	vst v63  }
0x40: {  	p2 =	sle.u32 s2, $0x1;
	p3 =	sle.u32 s2, $0x4;
	_ =	swait.ge @!p1 [sflag:s1], $0x2000  }
0x41: {  	s6 =	simm.s32 @!p1 $0x80;
	s7 =	simm.s32 @!p1 $0x9000;
	[sflag:s1] =	ssyncset.done @!p1 $0x0  }
0x42: {  	s13 =	simm.s32 @!p1 $0x4800;
	s20 =	simm.s32 @!p1 $0x5;
	[sflag:s1] =	ssyncadd.s32 @!p1 $0xFFFFE000  }
0x43: {  	[spmem:s3] =	stream.indirect.scatter.add.f32 @!p1 [tilespmem:s7], [sflag:$0x5], $0x40, s13, s6, $0xb8;
	[tilespmem:$0x1AE00] =	vst v63  }
0x44: {  	s28 =	simm.s32 $0x4;
	s31 =	simm.s32 $0x800;
	_ =	swait.ge @!p1 [sflag:s20], $0x2000  }
0x45: {  	s30 =	simm.s32 @!p0 $0xF000;
	s1 =	simm.s32 @!p0 $0x80;
	[sflag:s20] =	ssyncset.done @!p1 $0x0  }
0x46: {  	s6 =	simm.s32 @!p0 $0x180;
	s7 =	simm.s32 @!p2 $0x2;
	[sflag:s20] =	ssyncadd.s32 @!p1 $0xFFFFE000  }
0x47: {  	[tilespmem:s30], [sflag:$0x4] =	stream.indirect.gather @!p0 [hbm4b:s5+s1], $0x40, s6, s1, $0xb8;
	[tilespmem:$0x1AE00] =	vst v63  }
0x48: {  	p4 =	sle.u32 s2, $0x5;
	s29 =	simm.s32 @!p0 $0x4980;
	_ =	swait.ge @!p2 [sflag:s7], $0x2000  }
0x49: {  	s13 =	simm.s32 @!p2 $0x4880;
	s20 =	simm.s32 @!p2 $0x80;
	[sflag:s7] =	ssyncset.done @!p2 $0x0  }
0x4a: {  	s6 =	simm.s32 @!p2 $0xB000;
	[sflag:s7] =	ssyncadd.s32 @!p2 $0xFFFFE000;
	s7 =	simm.s32 @!p2 $0x5  }
0x4b: {  	[spmem:s3] =	stream.indirect.scatter.add.f32 @!p2 [tilespmem:s6], [sflag:$0x5], $0x40, s13, s20, $0xb8;
	[tilespmem:$0x1AE00] =	vst v63  }
0x4c: {  	s24 =	simm.s32 @!p4 $0x80;
	p1 =	sle.u32 s2, $0x2;
	_ =	swait.ge @!p2 [sflag:s7], $0x2000  }
0x4d: {  	s6 =	simm.s32 @!p3 $0x200;
	s13 =	simm.s32 @!p3 $0x80;
	[sflag:s7] =	ssyncset.done @!p2 $0x0  }
0x4e: {  	s20 =	simm.s32 @!p3 $0x9000;
	[sflag:s7] =	ssyncadd.s32 @!p2 $0xFFFFE000;
	s7 =	simm.s32 @!p1 $0x3  }
0x4f: {  	[tilespmem:s20], [sflag:$0x1] =	stream.indirect.gather @!p3 [hbm4b:s5+s13], $0x40, s6, s13, $0xb8;
	[tilespmem:$0x1AE00] =	vst v63  }
0x50: {  	s25 =	simm.s32 @!p4 $0x280;
	p2 =	por p0, p0;
	_ =	swait.ge @!p1 [sflag:s7], $0x2000  }
0x51: {  	s6 =	simm.s32 @!p1 $0x4900;
	s13 =	simm.s32 @!p1 $0x80;
	[sflag:s7] =	ssyncset.done @!p1 $0x0  }
0x52: {  	s20 =	simm.s32 @!p1 $0xD000;
	[sflag:s7] =	ssyncadd.s32 @!p1 $0xFFFFE000;
	s7 =	simm.s32 @!p1 $0x5  }
0x53: {  	[spmem:s3] =	stream.indirect.scatter.add.f32 @!p1 [tilespmem:s20], [sflag:$0x5], $0x40, s6, s13, $0xb8;
	[tilespmem:$0x1AE00] =	vst v63  }
0x54: {  	s23 =	simm.s32 @!p2 $0x5;
	s6 =	simm.s32 @!p4 $0xB000;
	_ =	swait.ge @!p1 [sflag:s7], $0x2000  }
0x55: {  	s13 =	simm.s32 @!p2 $0x4;
	s20 =	simm.s32 $0x6;
	[sflag:s7] =	ssyncset.done @!p1 $0x0  }
.LBB2_4:
0x56: {  	p3 =	sge.u32 s28, s2  }
0x57: {  	[sflag:s7] =	ssyncadd.s32 @!p1 $0xFFFFE000;
	p1 =	sge.u32 s20, s2;
	s20 =	smov.u32 s28  }
0x58: {  	[tilespmem:s6], [sflag:$0x2] =	stream.indirect.gather @!p4 [hbm4b:s5+s24], $0x40, s25, s24, $0xb8;
	[tilespmem:$0x1AE00] =	vst v63  }
0x59: {  	s6 =	simm.s32 @!p3 $0x1;
	s7 =	sshra.s32 @!p3 s31, $0x2;
	_ =	swait.ge @!p2 [sflag:s13], $0x2000  }
0x5a: {  	s0 =	sshra.s32 @!p1 s0, $0x2;
	s24 =	simm.s32 @!p1 $0x80;
	[sflag:s13] =	ssyncset.done @!p2 $0x0  }
0x5b: {  	s25 =	sadd.s32 $0x3, s28;
	s0 =	sadd.s32 @!p1 $0x300, s0;
	[sflag:s13] =	ssyncadd.s32 @!p2 $0xFFFFE000  }
0x5c: {  	[spmem:s3] =	stream.indirect.scatter.add.f32 @!p2 [tilespmem:s30], [sflag:$0x5], $0x40, s29, s1, $0xb8;
	[tilespmem:$0x1AE00] =	vst v63  }
0x5d: {  	s13 =	simm.s32 @!p3 $0x9000;
	s1 =	simm.s32 @!p3 $0x80;
	_ =	swait.ge @!p2 [sflag:s23], $0x2000  }
0x5e: {  	p0 =	sge.u32 s25, s2;
	s25 =	simm.s32 @!p1 $0xD000;
	[sflag:s23] =	ssyncset.done @!p2 $0x0  }
0x5f: {  	s7 =	sadd.s32 @!p3 $0x4800, s7;
	s29 =	sshra.s32 @!p0 s31, $0x2;
	[sflag:s23] =	ssyncadd.s32 @!p2 $0xFFFFE000  }
0x60: {  	[tilespmem:s25], [sflag:$0x3] =	stream.indirect.gather @!p1 [hbm4b:s5+s24], $0x40, s0, s24, $0xb8;
	[tilespmem:$0x1AE00] =	vst v63  }
0x61: {  	s0 =	sadd.s32 @!p0 $0x180, s29;
	s29 =	sadd.s32 @!p0 $0x4980, s29;
	_ =	swait.ge @!p3 [sflag:s6], $0x2000  }
0x62: {  	s23 =	sadd.s32 $0x1, s28;
	s24 =	sadd.s32 $0x2, s28;
	[sflag:s6] =	ssyncset.done @!p3 $0x0  }
0x63: {  	s28 =	sadd.s32 $0x4, s28;
	[sflag:s6] =	ssyncadd.s32 @!p3 $0xFFFFE000;
	s6 =	simm.s32 @!p3 $0x5  }
0x64: {  	[spmem:s3] =	stream.indirect.scatter.add.f32 @!p3 [tilespmem:s13], [sflag:$0x5], $0x40, s7, s1, $0xb8;
	[tilespmem:$0x1AE00] =	vst v63  }
0x65: {  	s30 =	simm.s32 @!p0 $0xF000;
	p2 =	sge.u32 s23, s2;
	_ =	swait.ge @!p3 [sflag:s6], $0x2000  }
0x66: {  	s1 =	simm.s32 @!p0 $0x80;
	s7 =	simm.s32 @!p2 $0xB000;
	[sflag:s6] =	ssyncset.done @!p3 $0x0  }
0x67: {  	s13 =	sshra.s32 @!p2 s31, $0x2;
	[sflag:s6] =	ssyncadd.s32 @!p3 $0xFFFFE000;
	s6 =	simm.s32 @!p2 $0x2  }
0x68: {  	[tilespmem:s30], [sflag:$0x4] =	stream.indirect.gather @!p0 [hbm4b:s5+s1], $0x40, s0, s1, $0xb8;
	[tilespmem:$0x1AE00] =	vst v63  }
0x69: {  	s13 =	sadd.s32 @!p2 $0x4880, s13;
	p3 =	sge.u32 s28, s2;
	_ =	swait.ge @!p2 [sflag:s6], $0x2000  }
0x6a: {  	s23 =	simm.s32 @!p2 $0x80;
	s0 =	sshra.s32 @!p3 s31, $0x2;
	[sflag:s6] =	ssyncset.done @!p2 $0x0  }
0x6b: {  	s25 =	sadd.s32 @!p3 $0x200, s0;
	[sflag:s6] =	ssyncadd.s32 @!p2 $0xFFFFE000;
	s6 =	simm.s32 @!p2 $0x5  }
0x6c: {  	p1 =	sge.u32 s24, s2;
	s0 =	smov.u32 s31;
	s31 =	sadd.s32 $0x800, s31  }
0x6d: {  	[spmem:s3] =	stream.indirect.scatter.add.f32 @!p2 [tilespmem:s7], [sflag:$0x5], $0x40, s13, s23, $0xb8;
	[tilespmem:$0x1AE00] =	vst v63  }
0x6e: {  	s7 =	sshra.s32 @!p1 s0, $0x2;
	s13 =	sadd.s32 $0x5, s20;
	_ =	swait.ge @!p2 [sflag:s6], $0x2000  }
0x6f: {  	s24 =	simm.s32 @!p3 $0x9000;
	s23 =	simm.s32 @!p3 $0x80;
	[sflag:s6] =	ssyncset.done @!p2 $0x0  }
0x70: {  	s14 =	sadd.s32 @!p1 $0x4900, s7;
	[sflag:s6] =	ssyncadd.s32 @!p2 $0xFFFFE000;
	s6 =	simm.s32 @!p1 $0x3  }
0x71: {  	[tilespmem:s24], [sflag:$0x1] =	stream.indirect.gather @!p3 [hbm4b:s5+s23], $0x40, s25, s23, $0xb8;
	[tilespmem:$0x1AE00] =	vst v63  }
0x72: {  	p4 =	sge.u32 s13, s2;
	p3 =	sne.s32 s31, $0x12000;
	_ =	swait.ge @!p1 [sflag:s6], $0x2000  }
0x73: {  	s7 =	sshra.s32 @!p4 s0, $0x2;
	s24 =	simm.s32 @!p4 $0x80;
	[sflag:s6] =	ssyncset.done @!p1 $0x0  }
0x74: {  	s25 =	sadd.s32 @!p4 $0x280, s7;
	[sflag:s6] =	ssyncadd.s32 @!p1 $0xFFFFE000;
	s6 =	simm.s32 @!p4 $0xB000  }
.Ltmp1:
0x75: {  	p2 =	por p0, p0;
	s7 =	simm.s32 @!p1 $0x5;
	(pc) =	sbr.rel @p3 .LBB2_4-.Ltmp1, $4  }
0x76: {  	s13 =	simm.s32 @!p1 $0x80;
	s23 =	simm.s32 @!p1 $0xD000  }
0x77: {  	[spmem:s3] =	stream.indirect.scatter.add.f32 @!p1 [tilespmem:s23], [sflag:$0x5], $0x40, s14, s13, $0xb8;
	[tilespmem:$0x1AE00] =	vst v63  }
0x78: {  	s23 =	simm.s32 @!p2 $0x5;
	_ =	swait.ge @!p1 [sflag:s7], $0x2000  }
0x79: {  	s20 =	sadd.s32 $0x6, s20;
	s13 =	simm.s32 @!p2 $0x4;
	[sflag:s7] =	ssyncset.done @!p1 $0x0  }
0x7a: {  	[sflag:s7] =	ssyncadd.s32 @!p1 $0xFFFFE000  }
0x7b: {  	[tilespmem:s6], [sflag:$0x2] =	stream.indirect.gather @!p4 [hbm4b:s5+s24], $0x40, s25, s24, $0xb8;
	[tilespmem:$0x1AE00] =	vst v63  }
0x7c: {  	_ =	swait.ge @!p2 [sflag:s13], $0x2000  }
0x7d: {  	[sflag:s13] =	ssyncset.done @!p2 $0x0  }
0x7e: {  	[sflag:s13] =	ssyncadd.s32 @!p2 $0xFFFFE000  }
0x7f: {  	[spmem:s3] =	stream.indirect.scatter.add.f32 @!p2 [tilespmem:s30], [sflag:$0x5], $0x40, s29, s1, $0xb8;
	[tilespmem:$0x1AE00] =	vst v63  }
0x80: {  	p0 =	sge.u32 s20, s2;
	_ =	swait.ge @!p2 [sflag:s23], $0x2000  }
0x81: {  	s0 =	sshra.s32 @!p0 s0, $0x2;
	s6 =	simm.s32 @!p0 $0xD000;
	[sflag:s23] =	ssyncset.done @!p2 $0x0  }
0x82: {  	s0 =	sadd.s32 @!p0 $0x300, s0;
	s1 =	simm.s32 @!p0 $0x80;
	[sflag:s23] =	ssyncadd.s32 @!p2 $0xFFFFE000  }
0x83: {  	[tilespmem:s6], [sflag:$0x3] =	stream.indirect.gather @!p0 [hbm4b:s5+s1], $0x40, s0, s1, $0xb8;
	[tilespmem:$0x1AE00] =	vst v63  }
0x84: {  	[bflag:$0x0] =	sbarrier.arrive $0xFFFF  }
0x85: {  	[tilespmem:s21], [sflag:$0x5] =	stream.linear.gather [spmem:s8], $0x2000, $0x38;
	[tilespmem:$0x1AE00] =	vst v63  }
0x86: {  	_ =	swait.ge [sflag:s19], $0x2000  }
0x87: {  	[sflag:s19] =	ssyncset.done $0x0  }
0x88: {  	s30 =	rddreg [dreg:$0x5];
	[sflag:s19] =	ssyncadd.s32 $0xFFFFE000  }
0x89: {  	[hbm4b:s30+s4] =	stream.linear.scatter [tilespmem:s21], [sflag:$0x5], $0x2000, $0x38;
	[tilespmem:$0x1AE00] =	vst v63  }
0x8a: {  	_ =	swait.ge [sflag:s19], $0x2000  }
0x8b: {  	[sflag:s19] =	ssyncset.done $0x0  }
0x8c: {  	[sflag:s19] =	ssyncadd.s32 $0xFFFFE000  }
0x8d: {  	[tilespmem:s21], [sflag:$0x5] =	stream.linear.gather [spmem:s9], $0x2000, $0x38;
	[tilespmem:$0x1AE00] =	vst v63  }
0x8e: {  	_ =	swait.ge [sflag:s19], $0x2000  }
0x8f: {  	[sflag:s19] =	ssyncset.done $0x0  }
0x90: {  	s31 =	rddreg [dreg:$0x6];
	[sflag:s19] =	ssyncadd.s32 $0xFFFFE000  }
0x91: {  	[hbm4b:s31+s4] =	stream.linear.scatter [tilespmem:s21], [sflag:$0x5], $0x2000, $0x38;
	[tilespmem:$0x1AE00] =	vst v63  }
0x92: {  	_ =	swait.ge [sflag:s19], $0x2000  }
0x93: {  	[sflag:s19] =	ssyncset.done $0x0  }
0x94: {  	[sflag:s19] =	ssyncadd.s32 $0xFFFFE000  }
0x95: {  	[tilespmem:s21], [sflag:$0x5] =	stream.linear.gather [spmem:s10], $0x2000, $0x38;
	[tilespmem:$0x1AE00] =	vst v63  }
0x96: {  	_ =	swait.ge [sflag:s19], $0x2000  }
0x97: {  	[sflag:s19] =	ssyncset.done $0x0  }
0x98: {  	[sflag:s19] =	ssyncadd.s32 $0xFFFFE000  }
0x99: {  	[hbm4b:s15+s4] =	stream.linear.scatter [tilespmem:s21], [sflag:$0x5], $0x2000, $0x38;
	[tilespmem:$0x1AE00] =	vst v63  }
0x9a: {  	_ =	swait.ge [sflag:s19], $0x2000  }
0x9b: {  	[sflag:s19] =	ssyncset.done $0x0  }
0x9c: {  	[sflag:s19] =	ssyncadd.s32 $0xFFFFE000  }
0x9d: {  	[tilespmem:s21], [sflag:$0x5] =	stream.linear.gather [spmem:s11], $0x2000, $0x38;
	[tilespmem:$0x1AE00] =	vst v63  }
0x9e: {  	_ =	swait.ge [sflag:s19], $0x2000  }
0x9f: {  	[sflag:s19] =	ssyncset.done $0x0  }
0xa0: {  	[sflag:s19] =	ssyncadd.s32 $0xFFFFE000  }
0xa1: {  	[hbm4b:s16+s4] =	stream.linear.scatter [tilespmem:s21], [sflag:$0x5], $0x2000, $0x38;
	[tilespmem:$0x1AE00] =	vst v63  }
0xa2: {  	_ =	swait.ge [sflag:s19], $0x2000  }
0xa3: {  	[sflag:s19] =	ssyncset.done $0x0  }
0xa4: {  	[sflag:s19] =	ssyncadd.s32 $0xFFFFE000  }
0xa5: {  	[tilespmem:s21], [sflag:$0x5] =	stream.linear.gather [spmem:s12], $0x1E00, $0x38;
	[tilespmem:$0x1AE00] =	vst v63  }
0xa6: {  	s26 =	sadd.s32 $0x1, s26;
	_ =	swait.ge [sflag:s19], $0x1E00  }
0xa7: {  	p0 =	sne.s32 s26, s18;
	[sflag:s19] =	ssyncset.done $0x0  }
.Ltmp2:
0xa8: {  	[sflag:s19] =	ssyncadd.s32 $0xFFFFE200;
	(pc) =	sbr.rel @p0 .LBB2_1-.Ltmp2, $4  }
0xa9: {  	[hbm4b:s17+s4] =	stream.linear.scatter [tilespmem:s21], [sflag:$0x5], $0x1E00, $0x38;
	[tilespmem:$0x1AE00] =	vst v63  }
0xaa: {  	_ =	swait.ge [sflag:s19], $0x1E00  }
0xab: {  	[sflag:s19] =	ssyncset.done $0x0  }
0xac: {  	[sflag:s19] =	ssyncadd.s32 $0xFFFFE200  }
0xad: {  	_ =	sfence.sel $0x180000  }
0xae: {  	[bflag:$0x0] =	sbarrier.arrive $0xFFFF  }
0xaf: {  	_ =	strace $0x9000004D  }
0xb0: {  	s0 =	stileid.u32;
	[bflag:$0x2] =	sbarrier.arrive $0xFFFF  }
0xb1: {  	p0 =	sne.s32 s0, $0x0;
	s0 =	rddreg [dreg:$0x2]  }
0xb2: {  	s0 =	sadd.s32 @!p0 $0x100000, s0  }
0xb3: {  	[sflag:s0] =	ssyncadd.tile.s32 @!p0 $0x1;
	_ =	shalt  }
.Lfunc_end2:
_tile_overlayer_lowered:
.L_overlay_start_2:
0xb4: {  	(tag) =	ssettag $0x2  }
0xb5: {  	s0 =	rddreg [dreg:$0x0];
	s2 =	stileid.u32  }
0xb6: {  	s1 =	rddreg [dreg:$0x1];
	p0 =	sne.s32 s2, $0x0  }
0xb7: {  	s3 =	rddreg [dreg:$0x2];
	[bflag:$0x3] =	sbarrier.arrive $0xFFFF;
	s2 =	simm.s32 @!p0 $0x1C05  }
0xb8: {  	[timem:s3], [sflag:s2] =	dma.local @!p0 [hbm:s0], s1  }
0xb9: {  	s0 =	simm.s32 @!p0 $0x5  }
0xba: {  	_ =	swait.ge @!p0 [sflag:s0], s1  }
0xbb: {  	s1 =	ssub.s32 @!p0 $0x0, s1;
	[sflag:s0] =	ssyncset.done @!p0 $0x0  }
0xbc: {  	[sflag:s0] =	ssyncadd.s32 @!p0 s1  }
0xbd: {  	[bflag:$0x3] =	sbarrier.arrive $0xFFFF  }
0xbe: {  	_ =	shalt  }

// kernel: kernel.8.cloned.1.call-start
scs
__scs_entry_jumppad:
0x0: {  	(pc) =	sbr.rel $0x88, $3  }
0x1: {  	(tag) =	ssettag $0x0;
	lr =	simm.s32 $0x1  }
0x2: {  	[smem:$0x3F98] =	sst lr;
	_ =	strace $0xD0000000  }
0x3: {  	_ = 	snop  }
0x4: {  	_ = 	snop  }
0x5: {  	_ = 	snop  }
0x6: {  	_ = 	snop  }
0x7: {  	_ = 	snop  }
__scs_overlays_trampoline_lowered:
0x8: {  	[smem:$0x3FA7] =	sst s0  }
0x9: {  	[smem:$0x3FA8] =	sst s1  }
0xa: {  	[smem:$0x3FA9] =	sst s2  }
0xb: {  	[smem:$0x3FAA] =	sst s3  }
0xc: {  	[smem:$0x3FAB] =	sst s4  }
0xd: {  	[smem:$0x3FAC] =	sst s5  }
0xe: {  	[smem:$0x3FAD] =	sst s6  }
0xf: {  	[smem:$0x3FAE] =	sst s7  }
0x10: {  	[smem:$0x3FAF] =	sst s8  }
0x11: {  	[smem:$0x3FB0] =	sst s9;
	s0 =	simm.s32 @!p0 $0x0  }
0x12: {  	s1 =	sld [smem:$0x3F96];
	s0 =	simm.s32 @p0 $0x1  }
0x13: {  	[smem:$0x3FB1] =	sst s0;
	s0 =	simm.s32 @!p1 $0x0  }
0x14: {  	s2 =	sld [smem:$0x3F95];
	s0 =	simm.s32 @p1 $0x1  }
0x15: {  	[smem:$0x3FB2] =	sst s0;
	s0 =	simm.s32 @!p2 $0x0  }
0x16: {  	s3 =	sld [smem:$0x3FDB];
	s0 =	simm.s32 @p2 $0x1  }
0x17: {  	s4 =	simm.s32 $0x1BF5;
	[smem:$0x3FB4] =	sst s0  }
0x18: {  	s0 =	sld [smem:$0x3F97];
	_ =	swait.ge [sflag:s4], $0x0  }
0x19: {  	s7 =	sld [smem:$0x3F98]  }
0x1a: {  	s8 =	sadd.s32 $0xFFFFE003, lr  }
0x1b: {  	s9 =	sadd.s32 $0xFFFFFEF7, lr;
	s5 =	simm.s32 $0xFFFFFFFF;
	p2 =	slt.u32 s8, $0xFFFFF086  }
0x1c: {  	p1 =	slt.u32 s9, $0xF7A;
	s5 =	simm.s32 @!p2 $0x0  }
0x1d: {  	s5 =	simm.s32 @p1 $0x1;
	p0 =	seq.s32 s7, s2  }
0x1e: {  	s7 =	smul.u32 @!p0 $0xF7A, s2;
	p2 =	seq.s32 @!p0 s5, $0x0  }
0x1f: {  	s9 =	smul.u32 $0xF7A, s1;
	s8 =	simm.s32 @!p0 $0x1BF5;
	p2 =	por !p2, p0  }
0x20: {  	[sflag:s8] =	ssyncset.s32 @!p0 $0xFFFFF086;
	s6 =	sadd.s32 @!p0 s3, s7;
	s7 =	simm.s32 @!p0 $0x108  }
0x21: {  	s3 =	sadd.s32 s3, s9;
	s6 =	sadd.s32 @!p0 $0x88, s6;
	s7 =	simm.s32 @p2 $0x1082  }
0x22: {  	[simem:s7], [sflag:s8] =	dma.local @!p0 [hbm:s6], $0xF7A  }
0x23: {  	s9 =	sor.u32 $0xD0000000, s2;
	s6 =	simm.s32 $0x108;
	_ =	swait.ge @!p0 [sflag:s8], $0x0  }
0x24: {  	s3 =	sadd.s32 $0x88, s3;
	s6 =	simm.s32 @!p1 $0x1082;
	[sflag:s4] =	ssyncset.s32 $0xFFFFF086  }
0x25: {  	[simem:s6], [sflag:s4] =	dma.local [hbm:s3], $0xF7A  }
0x26: {  	[smem:$0x3F98] =	sst s1;
	(tag) =	ssettag s2;
	_ =	strace s9  }
0x27: {  	s1 =	sld [smem:$0x3FA8]  }
0x28: {  	s2 =	sld [smem:$0x3FA9]  }
0x29: {  	s4 =	sld [smem:$0x3FAB]  }
0x2a: {  	p0 =	seq.s32 s5, $0x0;
	s5 =	sld [smem:$0x3FAC]  }
0x2b: {  	s6 =	sld [smem:$0x3FAD]  }
0x2c: {  	s7 =	sld [smem:$0x3FAE]  }
0x2d: {  	s3 =	simm.s32 $0x108;
	s8 =	sld [smem:$0x3FAF]  }
0x2e: {  	s3 =	simm.s32 @!p0 $0x1082;
	s9 =	sld [smem:$0x3FB0]  }
0x2f: {  	lr =	sadd.s32 s0, s3;
	s0 =	sld [smem:$0x3FA7]  }
0x30: {  	s3 =	sld [smem:$0x3FAA]  }
0x31: {  	[smem:$0x3FB3] =	sst s10  }
0x32: {  	s10 =	sld [smem:$0x3FB1];
	_ =	sdelay $0x3  }
0x33: {  	p0 =	seq.s32 s10, $0x1;
	s10 =	sld [smem:$0x3FB3];
	_ =	sdelay $0x3  }
0x34: {  	[smem:$0x3FB3] =	sst s10  }
0x35: {  	s10 =	sld [smem:$0x3FB2];
	_ =	sdelay $0x3  }
0x36: {  	p1 =	seq.s32 s10, $0x1;
	s10 =	sld [smem:$0x3FB3];
	_ =	sdelay $0x3  }
0x37: {  	[smem:$0x3FB3] =	sst s10  }
0x38: {  	s10 =	sld [smem:$0x3FB4]  }
0x39: {  	_ = 	snop;
	(pc) =	sbr.ind lr, $3  }
0x3a: {  	_ = 	snop  }
0x3b: {  	_ = 	snop  }
0x3c: {  	p2 =	seq.s32 s10, $0x1;
	s10 =	sld [smem:$0x3FB3]  }
0x3d: {  	_ =	shalt  }
0x3e: {  	_ =	shalt  }
0x3f: {  	_ =	shalt  }
0x40: {  	_ =	shalt  }
0x41: {  	_ =	shalt  }
0x42: {  	_ =	shalt  }
0x43: {  	_ =	shalt  }
0x44: {  	_ =	shalt  }
0x45: {  	_ =	shalt  }
0x46: {  	_ =	shalt  }
0x47: {  	_ =	shalt  }
0x48: {  	_ =	shalt  }
0x49: {  	_ =	shalt  }
0x4a: {  	_ =	shalt  }
0x4b: {  	_ =	shalt  }
0x4c: {  	_ =	shalt  }
0x4d: {  	_ =	shalt  }
0x4e: {  	_ =	shalt  }
0x4f: {  	_ =	shalt  }
0x50: {  	_ =	shalt  }
0x51: {  	_ =	shalt  }
0x52: {  	_ =	shalt  }
0x53: {  	_ =	shalt  }
0x54: {  	_ =	shalt  }
0x55: {  	_ =	shalt  }
0x56: {  	_ =	shalt  }
0x57: {  	_ =	shalt  }
0x58: {  	_ =	shalt  }
0x59: {  	_ =	shalt  }
0x5a: {  	_ =	shalt  }
0x5b: {  	_ =	shalt  }
0x5c: {  	_ =	shalt  }
0x5d: {  	_ =	shalt  }
0x5e: {  	_ =	shalt  }
0x5f: {  	_ =	shalt  }
0x60: {  	_ =	shalt  }
0x61: {  	_ =	shalt  }
0x62: {  	_ =	shalt  }
0x63: {  	_ =	shalt  }
0x64: {  	_ =	shalt  }
0x65: {  	_ =	shalt  }
0x66: {  	_ =	shalt  }
0x67: {  	_ =	shalt  }
0x68: {  	_ =	shalt  }
0x69: {  	_ =	shalt  }
0x6a: {  	_ =	shalt  }
0x6b: {  	_ =	shalt  }
0x6c: {  	_ =	shalt  }
0x6d: {  	_ =	shalt  }
0x6e: {  	_ =	shalt  }
0x6f: {  	_ =	shalt  }
0x70: {  	_ =	shalt  }
0x71: {  	_ =	shalt  }
0x72: {  	_ =	shalt  }
0x73: {  	_ =	shalt  }
0x74: {  	_ =	shalt  }
0x75: {  	_ =	shalt  }
0x76: {  	_ =	shalt  }
0x77: {  	_ =	shalt  }
0x78: {  	_ =	shalt  }
0x79: {  	_ =	shalt  }
0x7a: {  	_ =	shalt  }
0x7b: {  	_ =	shalt  }
0x7c: {  	_ =	shalt  }
0x7d: {  	_ =	shalt  }
0x7e: {  	_ =	shalt  }
0x7f: {  	_ =	shalt  }
0x80: {  	_ =	shalt  }
0x81: {  	_ =	shalt  }
0x82: {  	_ =	shalt  }
0x83: {  	_ =	shalt  }
0x84: {  	_ =	shalt  }
0x85: {  	_ =	shalt  }
0x86: {  	_ =	shalt  }
0x87: {  	_ =	shalt  }
.Lfunc_end0:
.L_simem_size_0:
called_computation_lowered:
.L_overlay_start_0:
0x88: {  	s2 =	sld [smem:$0x3FD9]  }
0x89: {  	s3 =	sld [smem:$0x3FFE];
	_ =	sdelay $0x1  }
0x8a: {  	s1 =	srdreg.scid  }
0x8b: {  	s0 =	sand.u32 $0x1, s1  }
0x8c: {  	s17 =	sshll.u32 s0, $0xA;
	s2 =	sadd.s32 s3, s2  }
0x8d: {  	s2 =	sadd.s32 s2, s17  }
0x8e: {  	[smem:$0x3FBF] =	sst s2  }
0x8f: {  	_ = 	snop  }
0x90: {  	s2 =	sld [smem:$0x3FD0];
	(tm) =	ssettm $0x1  }
0x91: {  	s18 =	sld [smem:$0x3FFB];
	_ =	sdelay $0x3  }
0x92: {  	_ =	strace s18  }
0x93: {  	s3 =	sld [smem:$0x3FFC];
	_ =	sdelay $0x3  }
0x94: {  	_ =	strace s3  }
0x95: {  	s3 =	sld [smem:$0x3FFD];
	_ =	sdelay $0x3  }
0x96: {  	_ =	strace s3  }
0x97: {  	_ =	strace $0x8FFFFFFF  }
0x98: {  	s19 =	sld [smem:$0x3FDB];
	_ =	sdelay $0x1  }
0x99: {  	s4 =	simm.s32 $_scs_section_size  }
0x9a: {  	s5 =	simm.s32 $_size__tile_overlayer_lowered;
	s6 =	simm.s32 $_tile_overlayer_lowered  }
0x9b: {  	s22 =	simm.s32 $0x1BFF;
	s21 =	sshll.u32 s6, $0x1;
	s3 =	sadd.s32 s4, s19  }
0x9c: {  	s7 =	simm.s32 $0x0;
	s20 =	sshll.u32 s5, $0x1;
	s5 =	sadd.s32 s21, s3  }
0x9d: {  	[timem:s7], [sflag:s22] =	dma.local [hbm:s5], s20  }
0x9e: {  	_ =	swait.ge [sflag:s22], s20  }
0x9f: {  	s4 =	ssub.s32 $0x0, s20;
	[sflag:s22] =	ssyncset.done $0x0  }
0xa0: {  	[sflag:s22] =	ssyncadd.s32 s4;
	_ =	sdelay $0x1  }
0xa1: {  	s23 =	simm.s32 $0x1B8B  }
0xa2: {  	_ =	swait.ge [sflag:s23], $0x1  }
0xa3: {  	[sflag:s23] =	ssyncset.done $0x0  }
0xa4: {  	s25 =	simm.s32 $0x1B8E;
	s24 =	sld [smem:$0x3FFE];
	[sflag:s23] =	ssyncadd.s32 $0xFFFFFFFF  }
0xa5: {  	s26 =	simm.s32 $execute0_lowered;
	[smem:$0x3FD2] =	sst s25  }
0xa6: {  	s5 =	sshll.u32 s26, $0x1;
	_ =	strace $0x80000046;
	[dreg:$0x1] =	wrdreg $0xFFFFFFFF  }
0xa7: {  	s28 =	simm.s32 $_size_execute0_lowered;
	s3 =	sadd.s32 s3, s5;
	[dreg:$0x0] =	wrdreg $0x0  }
0xa8: {  	s5 =	sshll.u32 s28, $0x1;
	[dreg:$0x2] =	wrdreg s3  }
0xa9: {  	[dreg:$0x3] =	wrdreg s5  }
0xaa: {  	[dreg:$0x4] =	wrdreg $0xC0  }
0xab: {  	_ =	task [dreg:s7], $0x5FFFF  }
0xac: {  	[dreg:$0x1] =	wrdreg $0xFFFFFFFF  }
0xad: {  	[dreg:$0x0] =	wrdreg $0x60  }
0xae: {  	[dreg:$0x2] =	wrdreg s24  }
0xaf: {  	[dreg:$0x3] =	wrdreg s2  }
0xb0: {  	[dreg:$0x4] =	wrdreg $0x52F80  }
0xb1: {  	[dreg:$0x5] =	wrdreg $0x55700  }
0xb2: {  	[dreg:$0x6] =	wrdreg $0x9  }
0xb3: {  	_ =	task.clear_ibuf [dreg:s7], $0x7FFFF;
	_ =	strace $0x90000046  }
0xb4: {  	s29 =	simm.s32 $0x9;
	_ =	strace $0x80000048  }
0xb5: {  	_ =	swait.ge [sflag:s29], $0x1  }
0xb6: {  	[sflag:s29] =	ssyncadd.s32 $0xFFFFFFFF  }
0xb7: {  	_ =	strace $0x90000048  }
0xb8: {  	_ =	sfence  }
0xb9: {  	s30 =	sld [smem:$0x0];
	_ =	sdelay $0x2  }
0xba: {  	s31 =	sshll.u32 s1, $0xD;
	s1 =	sshrl.u32 s1, $0x2  }
0xbb: {  	s3 =	sand.u32 $0x4000, s31;
	s1 =	sadd.s32 s1, s30  }
0xbc: {  	s0 =	sor.u32 s3, s0;
	s1 =	sshll.u32 s1, $0x11  }
0xbd: {  	s0 =	sor.u32 s1, s0  }
0xbe: {  	s0 =	sadd.s32 $0x8F2B, s0  }
0xbf: {  	[sflag:s0] =	ssyncadd.remote.s32 $0x1  }
0xc0: {  	_ =	sfence.sel $0xFFFF  }
0xc1: {  	[dreg:$0x0] =	wrdreg $0xFFFFFFFF;
	(pc) =	sbr.abs _section_cstart, $3  }
0xc2: {  	[dreg:$0x1] =	wrdreg $0xFFFFFFFF  }
0xc3: {  	_ =	task.clear_ibuf [dreg:s7], $0x2FFFF;
	_ =	strace $0x9FFFFFFF  }
0xc4: {  	(tm) =	ssettm $0x7FFFFFFF  }
0xc5: {  	_ =	shalt  }
tec
execute0_lowered:
.L_overlay_start_1:
0x0: {  	(tag) =	ssettag $0x1  }
0x1: {  	s5 =	rddreg [dreg:$0x0]  }
0x2: {  	s9 =	rddreg [dreg:$0x1]  }
0x3: {  	s1 =	srdreg.scid;
	s2 =	rddreg [dreg:$0x2]  }
0x4: {  	s0 =	stileid.u32;
	s3 =	rddreg [dreg:$0x3];
	s4 =	simm.s32 $0x0  }
0x5: {  	s13 =	simm.s32 $0x2800;
	s14 =	simm.s32 $0x5080;
	s15 =	simm.s32 $0x80  }
0x6: {  	s16 =	simm.s32 $0x5000;
	s17 =	simm.s32 $0x1;
	s18 =	simm.s32 $0x0  }
0x7: {  	s6 =	sand.u32 $0x1, s1;
	s8 =	smul.u32 $0x278, s0;
	s7 =	sshll.u32 s0, $0x1  }
0x8: {  	s1 =	rddreg [dreg:$0x4];
	s10 =	smul.u32 $0x2780, s6;
	s7 =	sor.u32 s6, s7  }
0x9: {  	[smem:$0x7FF] =	sst s4;
	s6 =	ssub.s32 $0x2, s6;
	s7 =	smul.u32 $0x500, s7  }
0xa: {  	_ =	strace $0x80000047;
	s31 =	sshrl.u32 s6, $0x1;
	s10 =	sadd.s32 s8, s10  }
0xb: {  	s12 =	ssub.s32 s6, s31;
	s10 =	sshrl.u32 s10, $0x3;
	s7 =	sadd.s32 s7, s5  }
0xc: {  	s11 =	sadd.s32 s10, s5;
	s5 =	sadd.s32 $0xC200, s7;
	s6 =	sadd.s32 $0x2200, s7  }
0xd: {  	s7 =	sadd.s32 s8, s2;
	s8 =	sadd.s32 s8, s3;
	s9 =	sadd.s32 s9, s10  }
0xe: {  	v0 =	vimm.f32 $1.000000000e+00;
	v1 =	vimm.f32 $0.0e+00;
	s10 =	sadd.s32 $0x16200, s11;
	s11 =	smax.u32 s12, $0x1;
	s12 =	simm.s32 $0x2  }
.LBB2_1:
0xf: {  	[tilespmem:s4], [sflag:$0x2] =	stream.linear.gather [hbm4b:s5+s4], $0x2800, $0x38;
	[tilespmem:$0x57E8] =	vst v63  }
0x10: {  	_ =	swait.ge [sflag:s12], $0x2800  }
0x11: {  	[sflag:s12] =	ssyncset.done $0x0  }
0x12: {  	[sflag:s12] =	ssyncadd.s32 $0xFFFFD800  }
0x13: {  	[tilespmem:s13], [sflag:$0x2] =	stream.linear.gather [hbm4b:s6+s4], $0x2800, $0x38;
	[tilespmem:$0x57E8] =	vst v63  }
0x14: {  	_ =	swait.ge [sflag:s12], $0x2800  }
0x15: {  	[sflag:s12] =	ssyncset.done $0x0  }
0x16: {  	[sflag:s12] =	ssyncadd.s32 $0xFFFFD800  }
0x17: {  	[tilespmem:$0x5000] =	vst v0  }
0x18: {  	[tilespmem:$0x5010] =	vst v0  }
0x19: {  	[tilespmem:$0x5020] =	vst v0  }
0x1a: {  	[tilespmem:$0x5030] =	vst v0  }
0x1b: {  	[tilespmem:$0x5040] =	vst v0  }
0x1c: {  	[tilespmem:$0x5050] =	vst v0  }
0x1d: {  	[tilespmem:$0x5060] =	vst v0  }
0x1e: {  	[tilespmem:$0x5070] =	vst v0  }
0x1f: {  	[tilespmem:$0x5080] =	vst v1  }
0x20: {  	[tilespmem:$0x5090] =	vst v1  }
0x21: {  	[tilespmem:$0x50A0] =	vst v1  }
0x22: {  	[tilespmem:$0x50B0] =	vst v1  }
0x23: {  	[tilespmem:$0x50C0] =	vst v1  }
0x24: {  	[tilespmem:$0x50D0] =	vst v1  }
0x25: {  	[tilespmem:$0x50E0] =	vst v1  }
0x26: {  	[tilespmem:$0x50F0] =	vst v1  }
0x27: {  	[tilespmem:$0x5100] =	vst v1  }
0x28: {  	[tilespmem:$0x5110] =	vst v1  }
0x29: {  	[tilespmem:$0x5120] =	vst v1  }
0x2a: {  	[tilespmem:$0x5130] =	vst v1  }
0x2b: {  	[tilespmem:$0x5140] =	vst v1  }
0x2c: {  	[tilespmem:$0x5150] =	vst v1  }
0x2d: {  	[tilespmem:$0x5160] =	vst v1  }
0x2e: {  	[tilespmem:$0x5170] =	vst v1  }
0x2f: {  	[tilespmem:$0x5180] =	vst v1  }
0x30: {  	[tilespmem:$0x5190] =	vst v1  }
0x31: {  	[tilespmem:$0x51A0] =	vst v1  }
0x32: {  	[tilespmem:$0x51B0] =	vst v1  }
0x33: {  	[tilespmem:$0x51C0] =	vst v1  }
0x34: {  	[tilespmem:$0x51D0] =	vst v1  }
0x35: {  	[tilespmem:$0x51E0] =	vst v1  }
0x36: {  	[tilespmem:$0x51F0] =	vst v1  }
0x37: {  	[tilespmem:$0x5200] =	vst v1  }
0x38: {  	[tilespmem:$0x5210] =	vst v1  }
0x39: {  	[tilespmem:$0x5220] =	vst v1  }
0x3a: {  	[tilespmem:$0x5230] =	vst v1  }
0x3b: {  	[tilespmem:$0x5240] =	vst v1  }
0x3c: {  	[tilespmem:$0x5250] =	vst v1  }
0x3d: {  	[tilespmem:$0x5260] =	vst v1  }
0x3e: {  	[tilespmem:$0x5270] =	vst v1  }
0x3f: {  	[tilespmem:$0x5280] =	vst v1  }
0x40: {  	[tilespmem:$0x5290] =	vst v1  }
0x41: {  	[tilespmem:$0x52A0] =	vst v1  }
0x42: {  	[tilespmem:$0x52B0] =	vst v1  }
0x43: {  	[tilespmem:$0x52C0] =	vst v1  }
0x44: {  	[tilespmem:$0x52D0] =	vst v1  }
0x45: {  	[tilespmem:$0x52E0] =	vst v1  }
0x46: {  	[spmem:s7] =	stream.linear.scatter [tilespmem:s14], [sflag:$0x2], $0x278, $0x38;
	[tilespmem:$0x57E8] =	vst v63  }
0x47: {  	_ =	swait.ge [sflag:s12], $0x278  }
0x48: {  	[sflag:s12] =	ssyncset.done $0x0  }
0x49: {  	[sflag:s12] =	ssyncadd.s32 $0xFFFFFD88  }
0x4a: {  	[spmem:s8] =	stream.linear.scatter [tilespmem:s14], [sflag:$0x2], $0x278, $0x38;
	[tilespmem:$0x57E8] =	vst v63  }
0x4b: {  	_ =	swait.ge [sflag:s12], $0x278  }
0x4c: {  	[sflag:s12] =	ssyncset.done $0x0  }
0x4d: {  	[sflag:s12] =	ssyncadd.s32 $0xFFFFFD88  }
0x4e: {  	s19 =	simm.s32 $0x0;
	[bflag:$0x0] =	sbarrier.arrive $0xFFFF  }
0x4f: {  	[spmem:s2] =	stream.indirect.scatter.add.f32 [tilespmem:s16], [sflag:$0x1], $0x1, s19, s15, $0xb8;
	[tilespmem:$0x57E8] =	vst v63  }
0x50: {  	s24 =	simm.s32 $0x2800  }
0x51: {  	[spmem:s3] =	stream.indirect.scatter.add.f32 [tilespmem:s16], [sflag:$0x1], $0x1, s24, s15, $0xb8;
	[tilespmem:$0x57E8] =	vst v63  }
0x52: {  	s25 =	simm.s32 $0x80  }
0x53: {  	[spmem:s2] =	stream.indirect.scatter.add.f32 [tilespmem:s16], [sflag:$0x1], $0x1, s25, s15, $0xb8;
	[tilespmem:$0x57E8] =	vst v63  }
0x54: {  	s26 =	simm.s32 $0x2880  }
0x55: {  	[spmem:s3] =	stream.indirect.scatter.add.f32 [tilespmem:s16], [sflag:$0x1], $0x1, s26, s15, $0xb8;
	[tilespmem:$0x57E8] =	vst v63  }
0x56: {  	s28 =	simm.s32 $0x100  }
0x57: {  	[spmem:s2] =	stream.indirect.scatter.add.f32 [tilespmem:s16], [sflag:$0x1], $0x1, s28, s15, $0xb8;
	[tilespmem:$0x57E8] =	vst v63  }
0x58: {  	s29 =	simm.s32 $0x2900  }
0x59: {  	[spmem:s3] =	stream.indirect.scatter.add.f32 [tilespmem:s16], [sflag:$0x1], $0x1, s29, s15, $0xb8;
	[tilespmem:$0x57E8] =	vst v63  }
0x5a: {  	s30 =	simm.s32 $0x180  }
0x5b: {  	[spmem:s2] =	stream.indirect.scatter.add.f32 [tilespmem:s16], [sflag:$0x1], $0x1, s30, s15, $0xb8;
	[tilespmem:$0x57E8] =	vst v63  }
0x5c: {  	s31 =	simm.s32 $0x2980  }
0x5d: {  	[spmem:s3] =	stream.indirect.scatter.add.f32 [tilespmem:s16], [sflag:$0x1], $0x1, s31, s15, $0xb8;
	[tilespmem:$0x57E8] =	vst v63  }
0x5e: {  	_ =	swait.ge [sflag:s17], $0x80  }
0x5f: {  	[sflag:s17] =	ssyncset.done $0x0  }
0x60: {  	[sflag:s17] =	ssyncadd.s32 $0xFFFFFF80  }
0x61: {  	_ =	swait.ge [sflag:s17], $0x80  }
0x62: {  	[sflag:s17] =	ssyncset.done $0x0  }
0x63: {  	[sflag:s17] =	ssyncadd.s32 $0xFFFFFF80  }
0x64: {  	_ =	swait.ge [sflag:s17], $0x80  }
0x65: {  	[sflag:s17] =	ssyncset.done $0x0  }
0x66: {  	[sflag:s17] =	ssyncadd.s32 $0xFFFFFF80  }
0x67: {  	_ =	swait.ge [sflag:s17], $0x80  }
0x68: {  	[sflag:s17] =	ssyncset.done $0x0  }
0x69: {  	[sflag:s17] =	ssyncadd.s32 $0xFFFFFF80  }
0x6a: {  	_ =	swait.ge [sflag:s17], $0x80  }
0x6b: {  	[sflag:s17] =	ssyncset.done $0x0  }
0x6c: {  	[sflag:s17] =	ssyncadd.s32 $0xFFFFFF80  }
0x6d: {  	_ =	swait.ge [sflag:s17], $0x80  }
0x6e: {  	[sflag:s17] =	ssyncset.done $0x0  }
0x6f: {  	[sflag:s17] =	ssyncadd.s32 $0xFFFFFF80  }
0x70: {  	_ =	swait.ge [sflag:s17], $0x80  }
0x71: {  	[sflag:s17] =	ssyncset.done $0x0  }
0x72: {  	[sflag:s17] =	ssyncadd.s32 $0xFFFFFF80  }
0x73: {  	_ =	swait.ge [sflag:s17], $0x80  }
0x74: {  	s21 =	simm.s32 $0x1000;
	s19 =	simm.s32 $0x800;
	[sflag:s17] =	ssyncset.done $0x0  }
.LBB2_2:
0x75: {  	s22 =	sshra.s32 s19, $0x2  }
0x76: {  	[sflag:s17] =	ssyncadd.s32 $0xFFFFFF80;
	s19 =	smov.u32 s21;
	s20 =	sadd.s32 $0x800, s21  }
0x77: {  	[spmem:s2] =	stream.indirect.scatter.add.f32 [tilespmem:s16], [sflag:$0x1], $0x1, s22, s15, $0xb8;
	[tilespmem:$0x57E8] =	vst v63  }
0x78: {  	p0 =	sne.s32 s21, $0x9800;
	s21 =	sadd.s32 $0x2800, s22  }
0x79: {  	[spmem:s3] =	stream.indirect.scatter.add.f32 [tilespmem:s16], [sflag:$0x1], $0x1, s21, s15, $0xb8;
	[tilespmem:$0x57E8] =	vst v63  }
0x7a: {  	s21 =	sadd.s32 $0x80, s22  }
0x7b: {  	[spmem:s2] =	stream.indirect.scatter.add.f32 [tilespmem:s16], [sflag:$0x1], $0x1, s21, s15, $0xb8;
	[tilespmem:$0x57E8] =	vst v63  }
0x7c: {  	s21 =	sadd.s32 $0x2880, s22  }
0x7d: {  	[spmem:s3] =	stream.indirect.scatter.add.f32 [tilespmem:s16], [sflag:$0x1], $0x1, s21, s15, $0xb8;
	[tilespmem:$0x57E8] =	vst v63  }
0x7e: {  	s21 =	sadd.s32 $0x100, s22  }
0x7f: {  	[spmem:s2] =	stream.indirect.scatter.add.f32 [tilespmem:s16], [sflag:$0x1], $0x1, s21, s15, $0xb8;
	[tilespmem:$0x57E8] =	vst v63  }
0x80: {  	s21 =	sadd.s32 $0x2900, s22  }
0x81: {  	[spmem:s3] =	stream.indirect.scatter.add.f32 [tilespmem:s16], [sflag:$0x1], $0x1, s21, s15, $0xb8;
	[tilespmem:$0x57E8] =	vst v63  }
0x82: {  	s21 =	sadd.s32 $0x180, s22  }
0x83: {  	[spmem:s2] =	stream.indirect.scatter.add.f32 [tilespmem:s16], [sflag:$0x1], $0x1, s21, s15, $0xb8;
	[tilespmem:$0x57E8] =	vst v63  }
0x84: {  	s21 =	sadd.s32 $0x2980, s22  }
0x85: {  	[spmem:s3] =	stream.indirect.scatter.add.f32 [tilespmem:s16], [sflag:$0x1], $0x1, s21, s15, $0xb8;
	[tilespmem:$0x57E8] =	vst v63  }
0x86: {  	_ =	swait.ge [sflag:s17], $0x80  }
0x87: {  	[sflag:s17] =	ssyncset.done $0x0  }
0x88: {  	[sflag:s17] =	ssyncadd.s32 $0xFFFFFF80  }
0x89: {  	_ =	swait.ge [sflag:s17], $0x80  }
0x8a: {  	[sflag:s17] =	ssyncset.done $0x0  }
0x8b: {  	[sflag:s17] =	ssyncadd.s32 $0xFFFFFF80  }
0x8c: {  	_ =	swait.ge [sflag:s17], $0x80  }
0x8d: {  	[sflag:s17] =	ssyncset.done $0x0  }
0x8e: {  	[sflag:s17] =	ssyncadd.s32 $0xFFFFFF80  }
0x8f: {  	_ =	swait.ge [sflag:s17], $0x80  }
0x90: {  	[sflag:s17] =	ssyncset.done $0x0  }
0x91: {  	[sflag:s17] =	ssyncadd.s32 $0xFFFFFF80  }
0x92: {  	_ =	swait.ge [sflag:s17], $0x80  }
0x93: {  	[sflag:s17] =	ssyncset.done $0x0  }
0x94: {  	[sflag:s17] =	ssyncadd.s32 $0xFFFFFF80  }
0x95: {  	_ =	swait.ge [sflag:s17], $0x80  }
0x96: {  	[sflag:s17] =	ssyncset.done $0x0  }
0x97: {  	[sflag:s17] =	ssyncadd.s32 $0xFFFFFF80  }
.Ltmp0:
0x98: {  	_ =	swait.ge [sflag:s17], $0x80;
	(pc) =	sbr.rel @p0 .LBB2_2-.Ltmp0, $4  }
0x99: {  	[sflag:s17] =	ssyncset.done $0x0  }
0x9a: {  	[sflag:s17] =	ssyncadd.s32 $0xFFFFFF80  }
0x9b: {  	_ =	swait.ge [sflag:s17], $0x80  }
0x9c: {  	s21 =	smov.u32 s20;
	[sflag:s17] =	ssyncset.done $0x0  }
0x9d: {  	s19 =	sshra.s32 s19, $0x2;
	[sflag:s17] =	ssyncadd.s32 $0xFFFFFF80  }
0x9e: {  	[spmem:s2] =	stream.indirect.scatter.add.f32 [tilespmem:s16], [sflag:$0x1], $0x1, s19, s15, $0xb8;
	[tilespmem:$0x57E8] =	vst v63  }
0x9f: {  	s20 =	sadd.s32 $0x2800, s19  }
0xa0: {  	[spmem:s3] =	stream.indirect.scatter.add.f32 [tilespmem:s16], [sflag:$0x1], $0x1, s20, s15, $0xb8;
	[tilespmem:$0x57E8] =	vst v63  }
0xa1: {  	s26 =	sadd.s32 $0x80, s19  }
0xa2: {  	[spmem:s2] =	stream.indirect.scatter.add.f32 [tilespmem:s16], [sflag:$0x1], $0x1, s26, s15, $0xb8;
	[tilespmem:$0x57E8] =	vst v63  }
0xa3: {  	s28 =	sadd.s32 $0x2880, s19  }
0xa4: {  	[spmem:s3] =	stream.indirect.scatter.add.f32 [tilespmem:s16], [sflag:$0x1], $0x1, s28, s15, $0xb8;
	[tilespmem:$0x57E8] =	vst v63  }
0xa5: {  	s29 =	sadd.s32 $0x100, s19  }
0xa6: {  	[spmem:s2] =	stream.indirect.scatter.add.f32 [tilespmem:s16], [sflag:$0x1], $0x1, s29, s15, $0xb8;
	[tilespmem:$0x57E8] =	vst v63  }
0xa7: {  	s30 =	sadd.s32 $0x2900, s19  }
0xa8: {  	[spmem:s3] =	stream.indirect.scatter.add.f32 [tilespmem:s16], [sflag:$0x1], $0x1, s30, s15, $0xb8;
	[tilespmem:$0x57E8] =	vst v63  }
0xa9: {  	s31 =	sadd.s32 $0x180, s19  }
0xaa: {  	[spmem:s2] =	stream.indirect.scatter.add.f32 [tilespmem:s16], [sflag:$0x1], $0x1, s31, s15, $0xb8;
	[tilespmem:$0x57E8] =	vst v63  }
0xab: {  	s19 =	sadd.s32 $0x2980, s19  }
0xac: {  	[spmem:s3] =	stream.indirect.scatter.add.f32 [tilespmem:s16], [sflag:$0x1], $0x1, s19, s15, $0xb8;
	[tilespmem:$0x57E8] =	vst v63  }
0xad: {  	_ =	swait.ge [sflag:s17], $0x80  }
0xae: {  	[sflag:s17] =	ssyncset.done $0x0  }
0xaf: {  	[sflag:s17] =	ssyncadd.s32 $0xFFFFFF80  }
0xb0: {  	_ =	swait.ge [sflag:s17], $0x80  }
0xb1: {  	[sflag:s17] =	ssyncset.done $0x0  }
0xb2: {  	[sflag:s17] =	ssyncadd.s32 $0xFFFFFF80  }
0xb3: {  	_ =	swait.ge [sflag:s17], $0x80  }
0xb4: {  	[sflag:s17] =	ssyncset.done $0x0  }
0xb5: {  	[sflag:s17] =	ssyncadd.s32 $0xFFFFFF80  }
0xb6: {  	_ =	swait.ge [sflag:s17], $0x80  }
0xb7: {  	[sflag:s17] =	ssyncset.done $0x0  }
0xb8: {  	[sflag:s17] =	ssyncadd.s32 $0xFFFFFF80  }
0xb9: {  	_ =	swait.ge [sflag:s17], $0x80  }
0xba: {  	[sflag:s17] =	ssyncset.done $0x0  }
0xbb: {  	[sflag:s17] =	ssyncadd.s32 $0xFFFFFF80  }
0xbc: {  	_ =	swait.ge [sflag:s17], $0x80  }
0xbd: {  	[sflag:s17] =	ssyncset.done $0x0  }
0xbe: {  	[sflag:s17] =	ssyncadd.s32 $0xFFFFFF80  }
0xbf: {  	_ =	swait.ge [sflag:s17], $0x80  }
0xc0: {  	[sflag:s17] =	ssyncset.done $0x0  }
0xc1: {  	[sflag:s17] =	ssyncadd.s32 $0xFFFFFF80  }
0xc2: {  	_ =	swait.ge [sflag:s17], $0x80  }
0xc3: {  	[sflag:s17] =	ssyncset.done $0x0  }
0xc4: {  	[sflag:s17] =	ssyncadd.s32 $0xFFFFFF80  }
0xc5: {  	[bflag:$0x0] =	sbarrier.arrive $0xFFFF  }
0xc6: {  	[tilespmem:s14], [sflag:$0x2] =	stream.linear.gather [spmem:s7], $0x278, $0x38;
	[tilespmem:$0x57E8] =	vst v63  }
0xc7: {  	_ =	swait.ge [sflag:s12], $0x278  }
0xc8: {  	[sflag:s12] =	ssyncset.done $0x0  }
0xc9: {  	[sflag:s12] =	ssyncadd.s32 $0xFFFFFD88  }
0xca: {  	[hbm4b:s9+s4] =	stream.linear.scatter [tilespmem:s14], [sflag:$0x2], $0x278, $0x38;
	[tilespmem:$0x57E8] =	vst v63  }
0xcb: {  	_ =	swait.ge [sflag:s12], $0x278  }
0xcc: {  	[sflag:s12] =	ssyncset.done $0x0  }
0xcd: {  	[sflag:s12] =	ssyncadd.s32 $0xFFFFFD88  }
0xce: {  	[tilespmem:s14], [sflag:$0x2] =	stream.linear.gather [spmem:s8], $0x278, $0x38;
	[tilespmem:$0x57E8] =	vst v63  }
0xcf: {  	s18 =	sadd.s32 $0x1, s18;
	_ =	swait.ge [sflag:s12], $0x278  }
0xd0: {  	p0 =	sne.s32 s18, s11;
	[sflag:s12] =	ssyncset.done $0x0  }
.Ltmp1:
0xd1: {  	[sflag:s12] =	ssyncadd.s32 $0xFFFFFD88;
	(pc) =	sbr.rel @p0 .LBB2_1-.Ltmp1, $4  }
0xd2: {  	[hbm4b:s10+s4] =	stream.linear.scatter [tilespmem:s14], [sflag:$0x2], $0x278, $0x38;
	[tilespmem:$0x57E8] =	vst v63  }
0xd3: {  	_ =	swait.ge [sflag:s12], $0x278  }
0xd4: {  	[sflag:s12] =	ssyncset.done $0x0  }
0xd5: {  	[sflag:s12] =	ssyncadd.s32 $0xFFFFFD88  }
0xd6: {  	_ =	sfence.sel $0x180000  }
0xd7: {  	[bflag:$0x0] =	sbarrier.arrive $0xFFFF  }
0xd8: {  	p0 =	sne.s32 s0, $0x0;
	_ =	strace $0x90000047  }
0xd9: {  	s0 =	sadd.s32 @!p0 $0x100000, s1;
	[bflag:$0x2] =	sbarrier.arrive $0xFFFF  }
0xda: {  	[sflag:s0] =	ssyncadd.tile.s32 @!p0 $0x1;
	_ =	shalt  }
.Lfunc_end2:
_tile_overlayer_lowered:
.L_overlay_start_2:
0xdb: {  	(tag) =	ssettag $0x2  }
0xdc: {  	s0 =	rddreg [dreg:$0x0];
	s2 =	stileid.u32  }
0xdd: {  	s1 =	rddreg [dreg:$0x1];
	p0 =	sne.s32 s2, $0x0  }
0xde: {  	s3 =	rddreg [dreg:$0x2];
	[bflag:$0x3] =	sbarrier.arrive $0xFFFF;
	s2 =	simm.s32 @!p0 $0x1C02  }
0xdf: {  	[timem:s3], [sflag:s2] =	dma.local @!p0 [hbm:s0], s1  }
0xe0: {  	s0 =	simm.s32 @!p0 $0x2  }
0xe1: {  	_ =	swait.ge @!p0 [sflag:s0], s1  }
0xe2: {  	s1 =	ssub.s32 @!p0 $0x0, s1;
	[sflag:s0] =	ssyncset.done @!p0 $0x0  }
0xe3: {  	[sflag:s0] =	ssyncadd.s32 @!p0 s1  }
0xe4: {  	[bflag:$0x3] =	sbarrier.arrive $0xFFFF  }
0xe5: {  	_ =	shalt  }

</sc_bundles>
